<compile_context>
chip_gen: v7x
topology: tpu7x:2x2x1
jax: 0.10.2.dev20260603
libtpu: 0.0.44.dev20260713+nightly
codegen_flags: <defaults>
</compile_context>

<pallas_src>
import functools

import jax
import jax.numpy as jnp
from jax import lax
from jax.experimental import pallas as pl
from jax.experimental.pallas import tpu as pltpu
from jax.experimental.pallas import tpu_sc as plsc

VOCAB = 1000000
B = 16384
L = 50

NC = 2
NS = 16
NW = NC * NS
NL = L // NC
NB = B // NS
CHUNK = 128
NROW = NL * NB // CHUNK
RPC = NB // CHUNK
DEPTH = 8

_mesh = plsc.VectorSubcoreMesh(
    core_axis_name="c", subcore_axis_name="s", num_cores=NC, num_subcores=NS
)


@functools.partial(
    pl.kernel,
    out_type=jax.ShapeDtypeStruct((NW, NROW, CHUNK), jnp.float32),
    mesh=_mesh,
    scratch_types=[
        pltpu.VMEM((NROW, CHUNK), jnp.int32),
        pltpu.VMEM((NROW, CHUNK), jnp.float32),
        pltpu.VMEM((4, CHUNK), jnp.float32),
        pltpu.VMEM((NS, 4, CHUNK), jnp.float32),
        pltpu.VMEM_SHARED((VOCAB,), jnp.float32),
        pltpu.SemaphoreType.DMA,
    ],
)
def _sc_softmax(xt_hbm, table_hbm, out_hbm, idx_v, rows_v, sums_acc,
                allsums_v, tbl_sh, sem):
    cid = lax.axis_index("c")
    sid = lax.axis_index("s")
    wid = cid * NS + sid

    @pl.when(sid == 0)
    def _():
        pltpu.sync_copy(table_hbm, tbl_sh)

    pltpu.sync_copy(xt_hbm.at[wid], idx_v)
    plsc.subcore_barrier()

    def start(j):
        pltpu.make_async_copy(
            tbl_sh.at[idx_v.at[j]], rows_v.at[j], sem
        ).start()

    def drain_one():
        pltpu.make_async_copy(
            tbl_sh.at[idx_v.at[0]], rows_v.at[0], sem
        ).wait()

    for j in range(DEPTH):
        start(j)

    def ring(j, carry):
        start(j)
        drain_one()
        return carry

    lax.fori_loop(DEPTH, NROW, ring, 0)
    for _ in range(DEPTH):
        drain_one()

    def col_exp(l, carry):
        def row_body(i, acc):
            r0 = l * RPC + i * 2
            vals = [rows_v[r0 + (u // 8), pl.ds((u % 8) * 16, 16)]
                    for u in range(16)]
            es = [jnp.exp(v) for v in vals]
            for u in range(16):
                rows_v[r0 + (u // 8), pl.ds((u % 8) * 16, 16)] = es[u]
            for e in es:
                acc = acc + e
            return acc

        acc = lax.fori_loop(0, RPC // 2, row_body,
                            jnp.zeros((16,), jnp.float32))
        sums_acc[l // 8, pl.ds((l % 8) * 16, 16)] = acc
        return carry

    lax.fori_loop(0, NL, col_exp, 0)

    pltpu.sync_copy(sums_acc, out_hbm.at[wid, pl.ds(0, 4)])
    plsc.subcore_barrier()
    for t in range(NS):
        pltpu.make_async_copy(
            out_hbm.at[cid * NS + t, pl.ds(0, 4)], allsums_v.at[t], sem
        ).start()
    for t in range(NS):
        pltpu.make_async_copy(
            out_hbm.at[cid * NS + t, pl.ds(0, 4)], allsums_v.at[t], sem
        ).wait()
    plsc.subcore_barrier()

    lanes = lax.iota(jnp.int32, 16)
    dnums = lax.GatherDimensionNumbers(
        offset_dims=(), collapsed_slice_dims=(0,), start_index_map=(0,)
    )

    def col_scale(l, carry):
        lrow = l // 8
        loff = (l % 8) * 16
        tot = allsums_v[0, lrow, pl.ds(loff, 16)]
        for t in range(1, NS):
            tot = tot + allsums_v[t, lrow, pl.ds(loff, 16)]
        for k in (1, 2, 4, 8):
            tot = tot + lax.gather(
                tot, (lanes ^ k)[:, None], dnums, (1,),
                mode=lax.GatherScatterMode.PROMISE_IN_BOUNDS,
            )
        rv = 1.0 / tot

        def row_body(i, c):
            r0 = l * RPC + i * 2
            vals = [rows_v[r0 + (u // 8), pl.ds((u % 8) * 16, 16)]
                    for u in range(16)]
            for u in range(16):
                rows_v[r0 + (u // 8), pl.ds((u % 8) * 16, 16)] = vals[u] * rv
            return c

        lax.fori_loop(0, RPC // 2, row_body, 0)
        return carry

    lax.fori_loop(0, NL, col_scale, 0)

    pltpu.sync_copy(rows_v, out_hbm.at[wid])


def kernel(x, table):
    xt = (jnp.transpose(x).reshape(NC, NL, NS, NB)
          .transpose(0, 2, 1, 3).reshape(NW, NROW, CHUNK))
    out4 = _sc_softmax(xt, table.reshape(VOCAB))
    out_t = (out4.reshape(NC, NS, NL, NB).transpose(0, 2, 1, 3)
             .reshape(L, B))
    return jnp.transpose(out_t).reshape(B, L, 1)

# --- scband reference (transcript-rebuilt; emitter-appended) ---
"""Pipeline reference for scband-kallisto-29343216566645 (READ-ONLY COPY).

The authoritative reference and input builder live on the scoring server;
editing this copy changes nothing except your own understanding.
"""

import jax, jax.numpy as jnp
import numpy as np

VOCAB = 1000000
EMBED_DIM = 1
PAD_IDX = VOCAB - 1


def setup_inputs(seed: int = 0) -> dict:
    key = jax.random.key(seed)
    k1, k2 = jax.random.split(key)
    x = jax.random.randint(k1, (16384, 50), 0, VOCAB, dtype=jnp.int32)
    table = jax.random.normal(k2, (VOCAB, EMBED_DIM), dtype=jnp.float32)
    # padding_idx row is zero, matching nn.Embedding(padding_idx=...)
    table = table.at[PAD_IDX].set(0.0)
    return {"x": x, "table": table}


def reference(x, table):
    # nn.Embedding with padding_idx: row PAD_IDX is forced to zero
    t = table.at[PAD_IDX].set(0.0)
    emb = jnp.take(t, x, axis=0)  # [B, L, 1]
    # nn.Softmax(dim=0) applied over the batch dimension
    out = jax.nn.softmax(emb, axis=0)
    return out

if __name__ == "__main__":
    import jax
    _d = setup_inputs()
    print(jax.jit(kernel)(*tuple(_d.values())))

</pallas_src>

<mosaic_0001>
#map = affine_map<(d0, d1) -> (0, 0, 0)>
#map1 = affine_map<(d0, d1) -> (0)>
module attributes {stable_mosaic.version = 14 : i64} {
  func.func @_sc_softmax(%arg0: i32, %arg1: i32, %arg2: memref<32x200x128xi32, #tpu.memory_space<hbm>>, %arg3: memref<1000000xf32, #tpu.memory_space<hbm>>, %arg4: memref<32x200x128xf32, #tpu.memory_space<hbm>>, %arg5: memref<200x128xi32, #tpu.memory_space<vmem>>, %arg6: memref<200x128xf32, #tpu.memory_space<vmem>>, %arg7: memref<4x128xf32, #tpu.memory_space<vmem>>, %arg8: memref<16x4x128xf32, #tpu.memory_space<vmem>>, %arg9: memref<1000000xf32, #tpu.memory_space<vmem_shared>>, %arg10: memref<!tpu.dma_semaphore, #tpu.memory_space<semaphore_mem>>) attributes {dimension_semantics = [#tpu.dimension_semantics<core_parallel>, #tpu.dimension_semantics<subcore_parallel>], iteration_bounds = array<i64: 2, 16>, scalar_prefetch = 0 : i64, scratch_operands = 6 : i64, tpu.core_type = #tpu.core_type<sc_vector_subcore>, window_params = [{transform_indices = #map}, {transform_indices = #map1}, {transform_indices = #map}]} {
    %mul3A = arith.constant 16 : i32
    %mul3A_0 = arith.muli %arg0, %mul3A : i32
    %add3A = arith.addi %mul3A_0, %arg1 : i32
    %eq3A = arith.constant 0 : i32
    %eq3A_1 = arith.cmpi eq, %arg1, %eq3A : i32
    %convert_element_type3A = arith.extui %eq3A_1 : i1 to i32
    %cond3A = arith.constant 0 : i32
    %cond3A_2 = arith.cmpi ne, %convert_element_type3A, %cond3A : i32
    scf.if %cond3A_2 {
      "tpu.region"() ({
        %run_scoped3A = tpu.sem_alloc : memref<!tpu.dma_semaphore, #tpu.memory_space<semaphore_mem>>
        tpu.enqueue_dma source(%arg3 : memref<1000000xf32, #tpu.memory_space<hbm>>) target(%arg9 : memref<1000000xf32, #tpu.memory_space<vmem_shared>>) target_semaphore(%run_scoped3A : memref<!tpu.dma_semaphore, #tpu.memory_space<semaphore_mem>>)
        tpu.wait_dma2 semaphore(%run_scoped3A : memref<!tpu.dma_semaphore, #tpu.memory_space<semaphore_mem>>) src(%arg3 : memref<1000000xf32, #tpu.memory_space<hbm>>) dst(%arg9 : memref<1000000xf32, #tpu.memory_space<vmem_shared>>)
        tpu.yield
      }) : () -> ()
    } else {
    }
    "tpu.region"() ({
      %run_scoped3A = tpu.sem_alloc : memref<!tpu.dma_semaphore, #tpu.memory_space<semaphore_mem>>
      %dma_start3A_852 = arith.constant 0 : i32
      %dma_start3A_853 = arith.constant 0 : i32
      %dma_start3A_854 = tpu.memref_slice %arg2[%add3A, %dma_start3A_852, %dma_start3A_853] : memref<32x200x128xi32, #tpu.memory_space<hbm>> -> memref<1x200x128xi32, #tpu.memory_space<hbm>>
      %dma_start3A_855 = tpu.memref_squeeze %dma_start3A_854 : memref<1x200x128xi32, #tpu.memory_space<hbm>> -> memref<200x128xi32, #tpu.memory_space<hbm>>
      %dma_start3A_856 = arith.constant 0 : i32
      %dma_start3A_857 = arith.constant 0 : i32
      %dma_start3A_858 = tpu.memref_slice %arg2[%add3A, %dma_start3A_856, %dma_start3A_857] : memref<32x200x128xi32, #tpu.memory_space<hbm>> -> memref<1x200x128xi32, #tpu.memory_space<hbm>>
      %dma_start3A_859 = tpu.memref_squeeze %dma_start3A_858 : memref<1x200x128xi32, #tpu.memory_space<hbm>> -> memref<200x128xi32, #tpu.memory_space<hbm>>
      tpu.enqueue_dma source(%dma_start3A_859 : memref<200x128xi32, #tpu.memory_space<hbm>>) target(%arg5 : memref<200x128xi32, #tpu.memory_space<vmem>>) target_semaphore(%run_scoped3A : memref<!tpu.dma_semaphore, #tpu.memory_space<semaphore_mem>>)
      %dma_wait3A_860 = arith.constant 0 : i32
      %dma_wait3A_861 = arith.constant 0 : i32
      %dma_wait3A_862 = tpu.memref_slice %arg2[%add3A, %dma_wait3A_860, %dma_wait3A_861] : memref<32x200x128xi32, #tpu.memory_space<hbm>> -> memref<1x200x128xi32, #tpu.memory_space<hbm>>
      %dma_wait3A_863 = tpu.memref_squeeze %dma_wait3A_862 : memref<1x200x128xi32, #tpu.memory_space<hbm>> -> memref<200x128xi32, #tpu.memory_space<hbm>>
      %dma_wait3A_864 = arith.constant 0 : i32
      %dma_wait3A_865 = arith.constant 0 : i32
      %dma_wait3A_866 = tpu.memref_slice %arg2[%add3A, %dma_wait3A_864, %dma_wait3A_865] : memref<32x200x128xi32, #tpu.memory_space<hbm>> -> memref<1x200x128xi32, #tpu.memory_space<hbm>>
      %dma_wait3A_867 = tpu.memref_squeeze %dma_wait3A_866 : memref<1x200x128xi32, #tpu.memory_space<hbm>> -> memref<200x128xi32, #tpu.memory_space<hbm>>
      tpu.wait_dma2 semaphore(%run_scoped3A : memref<!tpu.dma_semaphore, #tpu.memory_space<semaphore_mem>>) src(%dma_wait3A_867 : memref<200x128xi32, #tpu.memory_space<hbm>>) dst(%arg5 : memref<200x128xi32, #tpu.memory_space<vmem>>)
      tpu.yield
    }) : () -> ()
    %barrier3A = arith.constant 0 : index
    tpu.barrier barrier_id(%barrier3A)
    %dma_start3A = arith.constant 0 : i32
    %dma_start3A_3 = arith.constant 0 : i32
    %dma_start3A_4 = arith.constant 0 : i32
    %dma_start3A_5 = tpu.memref_slice %arg6[%dma_start3A_3, %dma_start3A_4] : memref<200x128xf32, #tpu.memory_space<vmem>> -> memref<1x128xf32, #tpu.memory_space<vmem>>
    %dma_start3A_6 = tpu.memref_squeeze %dma_start3A_5 : memref<1x128xf32, #tpu.memory_space<vmem>> -> memref<128xf32, #tpu.memory_space<vmem>>
    %dma_start3A_7 = arith.constant 0 : i32
    %dma_start3A_8 = tpu.memref_slice %arg5[%dma_start3A, %dma_start3A_7] : memref<200x128xi32, #tpu.memory_space<vmem>> -> memref<1x128xi32, #tpu.memory_space<vmem>>
    %dma_start3A_9 = tpu.memref_squeeze %dma_start3A_8 : memref<1x128xi32, #tpu.memory_space<vmem>> -> memref<128xi32, #tpu.memory_space<vmem>>
    %dma_start3A_10 = arith.constant 0 : i32
    %dma_start3A_11 = tpu.memref_slice %arg9[%dma_start3A_10] : memref<1000000xf32, #tpu.memory_space<vmem_shared>> -> memref<1000000xf32, #tpu.memory_space<vmem_shared>>
    tpu.enqueue_indirect_dma source(%dma_start3A_11 : memref<1000000xf32, #tpu.memory_space<vmem_shared>>) target(%dma_start3A_6 : memref<128xf32, #tpu.memory_space<vmem>>) offsets(%dma_start3A_9 : memref<128xi32, #tpu.memory_space<vmem>>) semaphore(%arg10 : memref<!tpu.dma_semaphore, #tpu.memory_space<semaphore_mem>>)
    %dma_start3A_12 = arith.constant 1 : i32
    %dma_start3A_13 = arith.constant 1 : i32
    %dma_start3A_14 = arith.constant 0 : i32
    %dma_start3A_15 = tpu.memref_slice %arg6[%dma_start3A_13, %dma_start3A_14] : memref<200x128xf32, #tpu.memory_space<vmem>> -> memref<1x128xf32, #tpu.memory_space<vmem>>
    %dma_start3A_16 = tpu.memref_squeeze %dma_start3A_15 : memref<1x128xf32, #tpu.memory_space<vmem>> -> memref<128xf32, #tpu.memory_space<vmem>>
    %dma_start3A_17 = arith.constant 0 : i32
    %dma_start3A_18 = tpu.memref_slice %arg5[%dma_start3A_12, %dma_start3A_17] : memref<200x128xi32, #tpu.memory_space<vmem>> -> memref<1x128xi32, #tpu.memory_space<vmem>>
    %dma_start3A_19 = tpu.memref_squeeze %dma_start3A_18 : memref<1x128xi32, #tpu.memory_space<vmem>> -> memref<128xi32, #tpu.memory_space<vmem>>
    %dma_start3A_20 = arith.constant 0 : i32
    %dma_start3A_21 = tpu.memref_slice %arg9[%dma_start3A_20] : memref<1000000xf32, #tpu.memory_space<vmem_shared>> -> memref<1000000xf32, #tpu.memory_space<vmem_shared>>
    tpu.enqueue_indirect_dma source(%dma_start3A_21 : memref<1000000xf32, #tpu.memory_space<vmem_shared>>) target(%dma_start3A_16 : memref<128xf32, #tpu.memory_space<vmem>>) offsets(%dma_start3A_19 : memref<128xi32, #tpu.memory_space<vmem>>) semaphore(%arg10 : memref<!tpu.dma_semaphore, #tpu.memory_space<semaphore_mem>>)
    %dma_start3A_22 = arith.constant 2 : i32
    %dma_start3A_23 = arith.constant 2 : i32
    %dma_start3A_24 = arith.constant 0 : i32
    %dma_start3A_25 = tpu.memref_slice %arg6[%dma_start3A_23, %dma_start3A_24] : memref<200x128xf32, #tpu.memory_space<vmem>> -> memref<1x128xf32, #tpu.memory_space<vmem>>
    %dma_start3A_26 = tpu.memref_squeeze %dma_start3A_25 : memref<1x128xf32, #tpu.memory_space<vmem>> -> memref<128xf32, #tpu.memory_space<vmem>>
    %dma_start3A_27 = arith.constant 0 : i32
    %dma_start3A_28 = tpu.memref_slice %arg5[%dma_start3A_22, %dma_start3A_27] : memref<200x128xi32, #tpu.memory_space<vmem>> -> memref<1x128xi32, #tpu.memory_space<vmem>>
    %dma_start3A_29 = tpu.memref_squeeze %dma_start3A_28 : memref<1x128xi32, #tpu.memory_space<vmem>> -> memref<128xi32, #tpu.memory_space<vmem>>
    %dma_start3A_30 = arith.constant 0 : i32
    %dma_start3A_31 = tpu.memref_slice %arg9[%dma_start3A_30] : memref<1000000xf32, #tpu.memory_space<vmem_shared>> -> memref<1000000xf32, #tpu.memory_space<vmem_shared>>
    tpu.enqueue_indirect_dma source(%dma_start3A_31 : memref<1000000xf32, #tpu.memory_space<vmem_shared>>) target(%dma_start3A_26 : memref<128xf32, #tpu.memory_space<vmem>>) offsets(%dma_start3A_29 : memref<128xi32, #tpu.memory_space<vmem>>) semaphore(%arg10 : memref<!tpu.dma_semaphore, #tpu.memory_space<semaphore_mem>>)
    %dma_start3A_32 = arith.constant 3 : i32
    %dma_start3A_33 = arith.constant 3 : i32
    %dma_start3A_34 = arith.constant 0 : i32
    %dma_start3A_35 = tpu.memref_slice %arg6[%dma_start3A_33, %dma_start3A_34] : memref<200x128xf32, #tpu.memory_space<vmem>> -> memref<1x128xf32, #tpu.memory_space<vmem>>
    %dma_start3A_36 = tpu.memref_squeeze %dma_start3A_35 : memref<1x128xf32, #tpu.memory_space<vmem>> -> memref<128xf32, #tpu.memory_space<vmem>>
    %dma_start3A_37 = arith.constant 0 : i32
    %dma_start3A_38 = tpu.memref_slice %arg5[%dma_start3A_32, %dma_start3A_37] : memref<200x128xi32, #tpu.memory_space<vmem>> -> memref<1x128xi32, #tpu.memory_space<vmem>>
    %dma_start3A_39 = tpu.memref_squeeze %dma_start3A_38 : memref<1x128xi32, #tpu.memory_space<vmem>> -> memref<128xi32, #tpu.memory_space<vmem>>
    %dma_start3A_40 = arith.constant 0 : i32
    %dma_start3A_41 = tpu.memref_slice %arg9[%dma_start3A_40] : memref<1000000xf32, #tpu.memory_space<vmem_shared>> -> memref<1000000xf32, #tpu.memory_space<vmem_shared>>
    tpu.enqueue_indirect_dma source(%dma_start3A_41 : memref<1000000xf32, #tpu.memory_space<vmem_shared>>) target(%dma_start3A_36 : memref<128xf32, #tpu.memory_space<vmem>>) offsets(%dma_start3A_39 : memref<128xi32, #tpu.memory_space<vmem>>) semaphore(%arg10 : memref<!tpu.dma_semaphore, #tpu.memory_space<semaphore_mem>>)
    %dma_start3A_42 = arith.constant 4 : i32
    %dma_start3A_43 = arith.constant 4 : i32
    %dma_start3A_44 = arith.constant 0 : i32
    %dma_start3A_45 = tpu.memref_slice %arg6[%dma_start3A_43, %dma_start3A_44] : memref<200x128xf32, #tpu.memory_space<vmem>> -> memref<1x128xf32, #tpu.memory_space<vmem>>
    %dma_start3A_46 = tpu.memref_squeeze %dma_start3A_45 : memref<1x128xf32, #tpu.memory_space<vmem>> -> memref<128xf32, #tpu.memory_space<vmem>>
    %dma_start3A_47 = arith.constant 0 : i32
    %dma_start3A_48 = tpu.memref_slice %arg5[%dma_start3A_42, %dma_start3A_47] : memref<200x128xi32, #tpu.memory_space<vmem>> -> memref<1x128xi32, #tpu.memory_space<vmem>>
    %dma_start3A_49 = tpu.memref_squeeze %dma_start3A_48 : memref<1x128xi32, #tpu.memory_space<vmem>> -> memref<128xi32, #tpu.memory_space<vmem>>
    %dma_start3A_50 = arith.constant 0 : i32
    %dma_start3A_51 = tpu.memref_slice %arg9[%dma_start3A_50] : memref<1000000xf32, #tpu.memory_space<vmem_shared>> -> memref<1000000xf32, #tpu.memory_space<vmem_shared>>
    tpu.enqueue_indirect_dma source(%dma_start3A_51 : memref<1000000xf32, #tpu.memory_space<vmem_shared>>) target(%dma_start3A_46 : memref<128xf32, #tpu.memory_space<vmem>>) offsets(%dma_start3A_49 : memref<128xi32, #tpu.memory_space<vmem>>) semaphore(%arg10 : memref<!tpu.dma_semaphore, #tpu.memory_space<semaphore_mem>>)
    %dma_start3A_52 = arith.constant 5 : i32
    %dma_start3A_53 = arith.constant 5 : i32
    %dma_start3A_54 = arith.constant 0 : i32
    %dma_start3A_55 = tpu.memref_slice %arg6[%dma_start3A_53, %dma_start3A_54] : memref<200x128xf32, #tpu.memory_space<vmem>> -> memref<1x128xf32, #tpu.memory_space<vmem>>
    %dma_start3A_56 = tpu.memref_squeeze %dma_start3A_55 : memref<1x128xf32, #tpu.memory_space<vmem>> -> memref<128xf32, #tpu.memory_space<vmem>>
    %dma_start3A_57 = arith.constant 0 : i32
    %dma_start3A_58 = tpu.memref_slice %arg5[%dma_start3A_52, %dma_start3A_57] : memref<200x128xi32, #tpu.memory_space<vmem>> -> memref<1x128xi32, #tpu.memory_space<vmem>>
    %dma_start3A_59 = tpu.memref_squeeze %dma_start3A_58 : memref<1x128xi32, #tpu.memory_space<vmem>> -> memref<128xi32, #tpu.memory_space<vmem>>
    %dma_start3A_60 = arith.constant 0 : i32
    %dma_start3A_61 = tpu.memref_slice %arg9[%dma_start3A_60] : memref<1000000xf32, #tpu.memory_space<vmem_shared>> -> memref<1000000xf32, #tpu.memory_space<vmem_shared>>
    tpu.enqueue_indirect_dma source(%dma_start3A_61 : memref<1000000xf32, #tpu.memory_space<vmem_shared>>) target(%dma_start3A_56 : memref<128xf32, #tpu.memory_space<vmem>>) offsets(%dma_start3A_59 : memref<128xi32, #tpu.memory_space<vmem>>) semaphore(%arg10 : memref<!tpu.dma_semaphore, #tpu.memory_space<semaphore_mem>>)
    %dma_start3A_62 = arith.constant 6 : i32
    %dma_start3A_63 = arith.constant 6 : i32
    %dma_start3A_64 = arith.constant 0 : i32
    %dma_start3A_65 = tpu.memref_slice %arg6[%dma_start3A_63, %dma_start3A_64] : memref<200x128xf32, #tpu.memory_space<vmem>> -> memref<1x128xf32, #tpu.memory_space<vmem>>
    %dma_start3A_66 = tpu.memref_squeeze %dma_start3A_65 : memref<1x128xf32, #tpu.memory_space<vmem>> -> memref<128xf32, #tpu.memory_space<vmem>>
    %dma_start3A_67 = arith.constant 0 : i32
    %dma_start3A_68 = tpu.memref_slice %arg5[%dma_start3A_62, %dma_start3A_67] : memref<200x128xi32, #tpu.memory_space<vmem>> -> memref<1x128xi32, #tpu.memory_space<vmem>>
    %dma_start3A_69 = tpu.memref_squeeze %dma_start3A_68 : memref<1x128xi32, #tpu.memory_space<vmem>> -> memref<128xi32, #tpu.memory_space<vmem>>
    %dma_start3A_70 = arith.constant 0 : i32
    %dma_start3A_71 = tpu.memref_slice %arg9[%dma_start3A_70] : memref<1000000xf32, #tpu.memory_space<vmem_shared>> -> memref<1000000xf32, #tpu.memory_space<vmem_shared>>
    tpu.enqueue_indirect_dma source(%dma_start3A_71 : memref<1000000xf32, #tpu.memory_space<vmem_shared>>) target(%dma_start3A_66 : memref<128xf32, #tpu.memory_space<vmem>>) offsets(%dma_start3A_69 : memref<128xi32, #tpu.memory_space<vmem>>) semaphore(%arg10 : memref<!tpu.dma_semaphore, #tpu.memory_space<semaphore_mem>>)
    %dma_start3A_72 = arith.constant 7 : i32
    %dma_start3A_73 = arith.constant 7 : i32
    %dma_start3A_74 = arith.constant 0 : i32
    %dma_start3A_75 = tpu.memref_slice %arg6[%dma_start3A_73, %dma_start3A_74] : memref<200x128xf32, #tpu.memory_space<vmem>> -> memref<1x128xf32, #tpu.memory_space<vmem>>
    %dma_start3A_76 = tpu.memref_squeeze %dma_start3A_75 : memref<1x128xf32, #tpu.memory_space<vmem>> -> memref<128xf32, #tpu.memory_space<vmem>>
    %dma_start3A_77 = arith.constant 0 : i32
    %dma_start3A_78 = tpu.memref_slice %arg5[%dma_start3A_72, %dma_start3A_77] : memref<200x128xi32, #tpu.memory_space<vmem>> -> memref<1x128xi32, #tpu.memory_space<vmem>>
    %dma_start3A_79 = tpu.memref_squeeze %dma_start3A_78 : memref<1x128xi32, #tpu.memory_space<vmem>> -> memref<128xi32, #tpu.memory_space<vmem>>
    %dma_start3A_80 = arith.constant 0 : i32
    %dma_start3A_81 = tpu.memref_slice %arg9[%dma_start3A_80] : memref<1000000xf32, #tpu.memory_space<vmem_shared>> -> memref<1000000xf32, #tpu.memory_space<vmem_shared>>
    tpu.enqueue_indirect_dma source(%dma_start3A_81 : memref<1000000xf32, #tpu.memory_space<vmem_shared>>) target(%dma_start3A_76 : memref<128xf32, #tpu.memory_space<vmem>>) offsets(%dma_start3A_79 : memref<128xi32, #tpu.memory_space<vmem>>) semaphore(%arg10 : memref<!tpu.dma_semaphore, #tpu.memory_space<semaphore_mem>>)
    %scan3A = arith.constant 0 : i32
    %scan3A_82 = arith.constant 8 : i32
    %scan3A_83 = arith.constant 192 : i32
    %scan3A_84 = arith.addi %scan3A_82, %scan3A_83 : i32
    %scan3A_85 = arith.constant 1 : i32
    scf.for %scan3A_852 = %scan3A_82 to %scan3A_84 step %scan3A_85  : i32 {
      %dma_start3A_853 = arith.constant 0 : i32
      %dma_start3A_854 = tpu.memref_slice %arg6[%scan3A_852, %dma_start3A_853] : memref<200x128xf32, #tpu.memory_space<vmem>> -> memref<1x128xf32, #tpu.memory_space<vmem>>
      %dma_start3A_855 = tpu.memref_squeeze %dma_start3A_854 : memref<1x128xf32, #tpu.memory_space<vmem>> -> memref<128xf32, #tpu.memory_space<vmem>>
      %dma_start3A_856 = arith.constant 0 : i32
      %dma_start3A_857 = tpu.memref_slice %arg5[%scan3A_852, %dma_start3A_856] : memref<200x128xi32, #tpu.memory_space<vmem>> -> memref<1x128xi32, #tpu.memory_space<vmem>>
      %dma_start3A_858 = tpu.memref_squeeze %dma_start3A_857 : memref<1x128xi32, #tpu.memory_space<vmem>> -> memref<128xi32, #tpu.memory_space<vmem>>
      %dma_start3A_859 = arith.constant 0 : i32
      %dma_start3A_860 = tpu.memref_slice %arg9[%dma_start3A_859] : memref<1000000xf32, #tpu.memory_space<vmem_shared>> -> memref<1000000xf32, #tpu.memory_space<vmem_shared>>
      tpu.enqueue_indirect_dma source(%dma_start3A_860 : memref<1000000xf32, #tpu.memory_space<vmem_shared>>) target(%dma_start3A_855 : memref<128xf32, #tpu.memory_space<vmem>>) offsets(%dma_start3A_858 : memref<128xi32, #tpu.memory_space<vmem>>) semaphore(%arg10 : memref<!tpu.dma_semaphore, #tpu.memory_space<semaphore_mem>>)
      %dma_wait3A_861 = arith.constant 0 : i32
      %dma_wait3A_862 = arith.constant 0 : i32
      %dma_wait3A_863 = arith.constant 0 : i32
      %dma_wait3A_864 = tpu.memref_slice %arg6[%dma_wait3A_862, %dma_wait3A_863] : memref<200x128xf32, #tpu.memory_space<vmem>> -> memref<1x128xf32, #tpu.memory_space<vmem>>
      %dma_wait3A_865 = tpu.memref_squeeze %dma_wait3A_864 : memref<1x128xf32, #tpu.memory_space<vmem>> -> memref<128xf32, #tpu.memory_space<vmem>>
      %dma_wait3A_866 = arith.constant 0 : i32
      %dma_wait3A_867 = tpu.memref_slice %arg5[%dma_wait3A_861, %dma_wait3A_866] : memref<200x128xi32, #tpu.memory_space<vmem>> -> memref<1x128xi32, #tpu.memory_space<vmem>>
      %dma_wait3A_868 = tpu.memref_squeeze %dma_wait3A_867 : memref<1x128xi32, #tpu.memory_space<vmem>> -> memref<128xi32, #tpu.memory_space<vmem>>
      %dma_wait3A_869 = arith.constant 0 : i32
      %dma_wait3A_870 = tpu.memref_slice %arg9[%dma_wait3A_869] : memref<1000000xf32, #tpu.memory_space<vmem_shared>> -> memref<1000000xf32, #tpu.memory_space<vmem_shared>>
      tpu.wait_indirect_dma semaphore(%arg10 : memref<!tpu.dma_semaphore, #tpu.memory_space<semaphore_mem>>) src(%dma_wait3A_870 : memref<1000000xf32, #tpu.memory_space<vmem_shared>>) dst(%dma_wait3A_865 : memref<128xf32, #tpu.memory_space<vmem>>)
    }
    %scan3A_86 = arith.constant 192 : i32
    %dma_wait3A = arith.constant 0 : i32
    %dma_wait3A_87 = arith.constant 0 : i32
    %dma_wait3A_88 = arith.constant 0 : i32
    %dma_wait3A_89 = tpu.memref_slice %arg6[%dma_wait3A_87, %dma_wait3A_88] : memref<200x128xf32, #tpu.memory_space<vmem>> -> memref<1x128xf32, #tpu.memory_space<vmem>>
    %dma_wait3A_90 = tpu.memref_squeeze %dma_wait3A_89 : memref<1x128xf32, #tpu.memory_space<vmem>> -> memref<128xf32, #tpu.memory_space<vmem>>
    %dma_wait3A_91 = arith.constant 0 : i32
    %dma_wait3A_92 = tpu.memref_slice %arg5[%dma_wait3A, %dma_wait3A_91] : memref<200x128xi32, #tpu.memory_space<vmem>> -> memref<1x128xi32, #tpu.memory_space<vmem>>
    %dma_wait3A_93 = tpu.memref_squeeze %dma_wait3A_92 : memref<1x128xi32, #tpu.memory_space<vmem>> -> memref<128xi32, #tpu.memory_space<vmem>>
    %dma_wait3A_94 = arith.constant 0 : i32
    %dma_wait3A_95 = tpu.memref_slice %arg9[%dma_wait3A_94] : memref<1000000xf32, #tpu.memory_space<vmem_shared>> -> memref<1000000xf32, #tpu.memory_space<vmem_shared>>
    tpu.wait_indirect_dma semaphore(%arg10 : memref<!tpu.dma_semaphore, #tpu.memory_space<semaphore_mem>>) src(%dma_wait3A_95 : memref<1000000xf32, #tpu.memory_space<vmem_shared>>) dst(%dma_wait3A_90 : memref<128xf32, #tpu.memory_space<vmem>>)
    %dma_wait3A_96 = arith.constant 0 : i32
    %dma_wait3A_97 = arith.constant 0 : i32
    %dma_wait3A_98 = arith.constant 0 : i32
    %dma_wait3A_99 = tpu.memref_slice %arg6[%dma_wait3A_97, %dma_wait3A_98] : memref<200x128xf32, #tpu.memory_space<vmem>> -> memref<1x128xf32, #tpu.memory_space<vmem>>
    %dma_wait3A_100 = tpu.memref_squeeze %dma_wait3A_99 : memref<1x128xf32, #tpu.memory_space<vmem>> -> memref<128xf32, #tpu.memory_space<vmem>>
    %dma_wait3A_101 = arith.constant 0 : i32
    %dma_wait3A_102 = tpu.memref_slice %arg5[%dma_wait3A_96, %dma_wait3A_101] : memref<200x128xi32, #tpu.memory_space<vmem>> -> memref<1x128xi32, #tpu.memory_space<vmem>>
    %dma_wait3A_103 = tpu.memref_squeeze %dma_wait3A_102 : memref<1x128xi32, #tpu.memory_space<vmem>> -> memref<128xi32, #tpu.memory_space<vmem>>
    %dma_wait3A_104 = arith.constant 0 : i32
    %dma_wait3A_105 = tpu.memref_slice %arg9[%dma_wait3A_104] : memref<1000000xf32, #tpu.memory_space<vmem_shared>> -> memref<1000000xf32, #tpu.memory_space<vmem_shared>>
    tpu.wait_indirect_dma semaphore(%arg10 : memref<!tpu.dma_semaphore, #tpu.memory_space<semaphore_mem>>) src(%dma_wait3A_105 : memref<1000000xf32, #tpu.memory_space<vmem_shared>>) dst(%dma_wait3A_100 : memref<128xf32, #tpu.memory_space<vmem>>)
    %dma_wait3A_106 = arith.constant 0 : i32
    %dma_wait3A_107 = arith.constant 0 : i32
    %dma_wait3A_108 = arith.constant 0 : i32
    %dma_wait3A_109 = tpu.memref_slice %arg6[%dma_wait3A_107, %dma_wait3A_108] : memref<200x128xf32, #tpu.memory_space<vmem>> -> memref<1x128xf32, #tpu.memory_space<vmem>>
    %dma_wait3A_110 = tpu.memref_squeeze %dma_wait3A_109 : memref<1x128xf32, #tpu.memory_space<vmem>> -> memref<128xf32, #tpu.memory_space<vmem>>
    %dma_wait3A_111 = arith.constant 0 : i32
    %dma_wait3A_112 = tpu.memref_slice %arg5[%dma_wait3A_106, %dma_wait3A_111] : memref<200x128xi32, #tpu.memory_space<vmem>> -> memref<1x128xi32, #tpu.memory_space<vmem>>
    %dma_wait3A_113 = tpu.memref_squeeze %dma_wait3A_112 : memref<1x128xi32, #tpu.memory_space<vmem>> -> memref<128xi32, #tpu.memory_space<vmem>>
    %dma_wait3A_114 = arith.constant 0 : i32
    %dma_wait3A_115 = tpu.memref_slice %arg9[%dma_wait3A_114] : memref<1000000xf32, #tpu.memory_space<vmem_shared>> -> memref<1000000xf32, #tpu.memory_space<vmem_shared>>
    tpu.wait_indirect_dma semaphore(%arg10 : memref<!tpu.dma_semaphore, #tpu.memory_space<semaphore_mem>>) src(%dma_wait3A_115 : memref<1000000xf32, #tpu.memory_space<vmem_shared>>) dst(%dma_wait3A_110 : memref<128xf32, #tpu.memory_space<vmem>>)
    %dma_wait3A_116 = arith.constant 0 : i32
    %dma_wait3A_117 = arith.constant 0 : i32
    %dma_wait3A_118 = arith.constant 0 : i32
    %dma_wait3A_119 = tpu.memref_slice %arg6[%dma_wait3A_117, %dma_wait3A_118] : memref<200x128xf32, #tpu.memory_space<vmem>> -> memref<1x128xf32, #tpu.memory_space<vmem>>
    %dma_wait3A_120 = tpu.memref_squeeze %dma_wait3A_119 : memref<1x128xf32, #tpu.memory_space<vmem>> -> memref<128xf32, #tpu.memory_space<vmem>>
    %dma_wait3A_121 = arith.constant 0 : i32
    %dma_wait3A_122 = tpu.memref_slice %arg5[%dma_wait3A_116, %dma_wait3A_121] : memref<200x128xi32, #tpu.memory_space<vmem>> -> memref<1x128xi32, #tpu.memory_space<vmem>>
    %dma_wait3A_123 = tpu.memref_squeeze %dma_wait3A_122 : memref<1x128xi32, #tpu.memory_space<vmem>> -> memref<128xi32, #tpu.memory_space<vmem>>
    %dma_wait3A_124 = arith.constant 0 : i32
    %dma_wait3A_125 = tpu.memref_slice %arg9[%dma_wait3A_124] : memref<1000000xf32, #tpu.memory_space<vmem_shared>> -> memref<1000000xf32, #tpu.memory_space<vmem_shared>>
    tpu.wait_indirect_dma semaphore(%arg10 : memref<!tpu.dma_semaphore, #tpu.memory_space<semaphore_mem>>) src(%dma_wait3A_125 : memref<1000000xf32, #tpu.memory_space<vmem_shared>>) dst(%dma_wait3A_120 : memref<128xf32, #tpu.memory_space<vmem>>)
    %dma_wait3A_126 = arith.constant 0 : i32
    %dma_wait3A_127 = arith.constant 0 : i32
    %dma_wait3A_128 = arith.constant 0 : i32
    %dma_wait3A_129 = tpu.memref_slice %arg6[%dma_wait3A_127, %dma_wait3A_128] : memref<200x128xf32, #tpu.memory_space<vmem>> -> memref<1x128xf32, #tpu.memory_space<vmem>>
    %dma_wait3A_130 = tpu.memref_squeeze %dma_wait3A_129 : memref<1x128xf32, #tpu.memory_space<vmem>> -> memref<128xf32, #tpu.memory_space<vmem>>
    %dma_wait3A_131 = arith.constant 0 : i32
    %dma_wait3A_132 = tpu.memref_slice %arg5[%dma_wait3A_126, %dma_wait3A_131] : memref<200x128xi32, #tpu.memory_space<vmem>> -> memref<1x128xi32, #tpu.memory_space<vmem>>
    %dma_wait3A_133 = tpu.memref_squeeze %dma_wait3A_132 : memref<1x128xi32, #tpu.memory_space<vmem>> -> memref<128xi32, #tpu.memory_space<vmem>>
    %dma_wait3A_134 = arith.constant 0 : i32
    %dma_wait3A_135 = tpu.memref_slice %arg9[%dma_wait3A_134] : memref<1000000xf32, #tpu.memory_space<vmem_shared>> -> memref<1000000xf32, #tpu.memory_space<vmem_shared>>
    tpu.wait_indirect_dma semaphore(%arg10 : memref<!tpu.dma_semaphore, #tpu.memory_space<semaphore_mem>>) src(%dma_wait3A_135 : memref<1000000xf32, #tpu.memory_space<vmem_shared>>) dst(%dma_wait3A_130 : memref<128xf32, #tpu.memory_space<vmem>>)
    %dma_wait3A_136 = arith.constant 0 : i32
    %dma_wait3A_137 = arith.constant 0 : i32
    %dma_wait3A_138 = arith.constant 0 : i32
    %dma_wait3A_139 = tpu.memref_slice %arg6[%dma_wait3A_137, %dma_wait3A_138] : memref<200x128xf32, #tpu.memory_space<vmem>> -> memref<1x128xf32, #tpu.memory_space<vmem>>
    %dma_wait3A_140 = tpu.memref_squeeze %dma_wait3A_139 : memref<1x128xf32, #tpu.memory_space<vmem>> -> memref<128xf32, #tpu.memory_space<vmem>>
    %dma_wait3A_141 = arith.constant 0 : i32
    %dma_wait3A_142 = tpu.memref_slice %arg5[%dma_wait3A_136, %dma_wait3A_141] : memref<200x128xi32, #tpu.memory_space<vmem>> -> memref<1x128xi32, #tpu.memory_space<vmem>>
    %dma_wait3A_143 = tpu.memref_squeeze %dma_wait3A_142 : memref<1x128xi32, #tpu.memory_space<vmem>> -> memref<128xi32, #tpu.memory_space<vmem>>
    %dma_wait3A_144 = arith.constant 0 : i32
    %dma_wait3A_145 = tpu.memref_slice %arg9[%dma_wait3A_144] : memref<1000000xf32, #tpu.memory_space<vmem_shared>> -> memref<1000000xf32, #tpu.memory_space<vmem_shared>>
    tpu.wait_indirect_dma semaphore(%arg10 : memref<!tpu.dma_semaphore, #tpu.memory_space<semaphore_mem>>) src(%dma_wait3A_145 : memref<1000000xf32, #tpu.memory_space<vmem_shared>>) dst(%dma_wait3A_140 : memref<128xf32, #tpu.memory_space<vmem>>)
    %dma_wait3A_146 = arith.constant 0 : i32
    %dma_wait3A_147 = arith.constant 0 : i32
    %dma_wait3A_148 = arith.constant 0 : i32
    %dma_wait3A_149 = tpu.memref_slice %arg6[%dma_wait3A_147, %dma_wait3A_148] : memref<200x128xf32, #tpu.memory_space<vmem>> -> memref<1x128xf32, #tpu.memory_space<vmem>>
    %dma_wait3A_150 = tpu.memref_squeeze %dma_wait3A_149 : memref<1x128xf32, #tpu.memory_space<vmem>> -> memref<128xf32, #tpu.memory_space<vmem>>
    %dma_wait3A_151 = arith.constant 0 : i32
    %dma_wait3A_152 = tpu.memref_slice %arg5[%dma_wait3A_146, %dma_wait3A_151] : memref<200x128xi32, #tpu.memory_space<vmem>> -> memref<1x128xi32, #tpu.memory_space<vmem>>
    %dma_wait3A_153 = tpu.memref_squeeze %dma_wait3A_152 : memref<1x128xi32, #tpu.memory_space<vmem>> -> memref<128xi32, #tpu.memory_space<vmem>>
    %dma_wait3A_154 = arith.constant 0 : i32
    %dma_wait3A_155 = tpu.memref_slice %arg9[%dma_wait3A_154] : memref<1000000xf32, #tpu.memory_space<vmem_shared>> -> memref<1000000xf32, #tpu.memory_space<vmem_shared>>
    tpu.wait_indirect_dma semaphore(%arg10 : memref<!tpu.dma_semaphore, #tpu.memory_space<semaphore_mem>>) src(%dma_wait3A_155 : memref<1000000xf32, #tpu.memory_space<vmem_shared>>) dst(%dma_wait3A_150 : memref<128xf32, #tpu.memory_space<vmem>>)
    %dma_wait3A_156 = arith.constant 0 : i32
    %dma_wait3A_157 = arith.constant 0 : i32
    %dma_wait3A_158 = arith.constant 0 : i32
    %dma_wait3A_159 = tpu.memref_slice %arg6[%dma_wait3A_157, %dma_wait3A_158] : memref<200x128xf32, #tpu.memory_space<vmem>> -> memref<1x128xf32, #tpu.memory_space<vmem>>
    %dma_wait3A_160 = tpu.memref_squeeze %dma_wait3A_159 : memref<1x128xf32, #tpu.memory_space<vmem>> -> memref<128xf32, #tpu.memory_space<vmem>>
    %dma_wait3A_161 = arith.constant 0 : i32
    %dma_wait3A_162 = tpu.memref_slice %arg5[%dma_wait3A_156, %dma_wait3A_161] : memref<200x128xi32, #tpu.memory_space<vmem>> -> memref<1x128xi32, #tpu.memory_space<vmem>>
    %dma_wait3A_163 = tpu.memref_squeeze %dma_wait3A_162 : memref<1x128xi32, #tpu.memory_space<vmem>> -> memref<128xi32, #tpu.memory_space<vmem>>
    %dma_wait3A_164 = arith.constant 0 : i32
    %dma_wait3A_165 = tpu.memref_slice %arg9[%dma_wait3A_164] : memref<1000000xf32, #tpu.memory_space<vmem_shared>> -> memref<1000000xf32, #tpu.memory_space<vmem_shared>>
    tpu.wait_indirect_dma semaphore(%arg10 : memref<!tpu.dma_semaphore, #tpu.memory_space<semaphore_mem>>) src(%dma_wait3A_165 : memref<1000000xf32, #tpu.memory_space<vmem_shared>>) dst(%dma_wait3A_160 : memref<128xf32, #tpu.memory_space<vmem>>)
    %scan3A_166 = arith.constant 0 : i32
    %scan3A_167 = arith.constant 0 : i32
    %scan3A_168 = arith.constant 25 : i32
    %scan3A_169 = arith.addi %scan3A_167, %scan3A_168 : i32
    %scan3A_170 = arith.constant 1 : i32
    scf.for %scan3A_852 = %scan3A_167 to %scan3A_169 step %scan3A_170  : i32 {
      %broadcast_in_dim3A = arith.constant 0.000000e+00 : f32
      %broadcast_in_dim3A_853 = vector.broadcast %broadcast_in_dim3A : f32 to vector<16xf32>
      %scan3A_854 = arith.constant 0 : i32
      %scan3A_855 = arith.constant 4 : i32
      %scan3A_856 = arith.addi %scan3A_854, %scan3A_855 : i32
      %scan3A_857 = arith.constant 1 : i32
      %scan3A_858 = scf.for %scan3A_897 = %scan3A_854 to %scan3A_856 step %scan3A_857 iter_args(%scan3A_898 = %broadcast_in_dim3A_853) -> (vector<16xf32>)  : i32 {
        %mul3A_899 = arith.constant 8 : i32
        %mul3A_900 = arith.muli %scan3A_852, %mul3A_899 : i32
        %mul3A_901 = arith.constant 2 : i32
        %mul3A_902 = arith.muli %scan3A_897, %mul3A_901 : i32
        %add3A_903 = arith.addi %mul3A_900, %mul3A_902 : i32
        %add3A_904 = arith.constant 0 : i32
        %add3A_905 = arith.addi %add3A_903, %add3A_904 : i32
        %get3A = arith.index_cast %add3A_905 : i32 to index
        %get3A_906 = arith.constant 0 : index
        %get3A_907 = tpu.vector_load %arg6[%get3A, %get3A_906] {strides = array<i32>} : memref<200x128xf32, #tpu.memory_space<vmem>>, vector<1x16xf32>,
        %get3A_908 = vector.shape_cast %get3A_907 : vector<1x16xf32> to vector<16xf32>
        %add3A_909 = arith.constant 0 : i32
        %add3A_910 = arith.addi %add3A_903, %add3A_909 : i32
        %get3A_911 = arith.index_cast %add3A_910 : i32 to index
        %get3A_912 = arith.constant 16 : index
        %get3A_913 = tpu.vector_load %arg6[%get3A_911, %get3A_912] {strides = array<i32>} : memref<200x128xf32, #tpu.memory_space<vmem>>, vector<1x16xf32>,
        %get3A_914 = vector.shape_cast %get3A_913 : vector<1x16xf32> to vector<16xf32>
        %add3A_915 = arith.constant 0 : i32
        %add3A_916 = arith.addi %add3A_903, %add3A_915 : i32
        %get3A_917 = arith.index_cast %add3A_916 : i32 to index
        %get3A_918 = arith.constant 32 : index
        %get3A_919 = tpu.vector_load %arg6[%get3A_917, %get3A_918] {strides = array<i32>} : memref<200x128xf32, #tpu.memory_space<vmem>>, vector<1x16xf32>,
        %get3A_920 = vector.shape_cast %get3A_919 : vector<1x16xf32> to vector<16xf32>
        %add3A_921 = arith.constant 0 : i32
        %add3A_922 = arith.addi %add3A_903, %add3A_921 : i32
        %get3A_923 = arith.index_cast %add3A_922 : i32 to index
        %get3A_924 = arith.constant 48 : index
        %get3A_925 = tpu.vector_load %arg6[%get3A_923, %get3A_924] {strides = array<i32>} : memref<200x128xf32, #tpu.memory_space<vmem>>, vector<1x16xf32>,
        %get3A_926 = vector.shape_cast %get3A_925 : vector<1x16xf32> to vector<16xf32>
        %add3A_927 = arith.constant 0 : i32
        %add3A_928 = arith.addi %add3A_903, %add3A_927 : i32
        %get3A_929 = arith.index_cast %add3A_928 : i32 to index
        %get3A_930 = arith.constant 64 : index
        %get3A_931 = tpu.vector_load %arg6[%get3A_929, %get3A_930] {strides = array<i32>} : memref<200x128xf32, #tpu.memory_space<vmem>>, vector<1x16xf32>,
        %get3A_932 = vector.shape_cast %get3A_931 : vector<1x16xf32> to vector<16xf32>
        %add3A_933 = arith.constant 0 : i32
        %add3A_934 = arith.addi %add3A_903, %add3A_933 : i32
        %get3A_935 = arith.index_cast %add3A_934 : i32 to index
        %get3A_936 = arith.constant 80 : index
        %get3A_937 = tpu.vector_load %arg6[%get3A_935, %get3A_936] {strides = array<i32>} : memref<200x128xf32, #tpu.memory_space<vmem>>, vector<1x16xf32>,
        %get3A_938 = vector.shape_cast %get3A_937 : vector<1x16xf32> to vector<16xf32>
        %add3A_939 = arith.constant 0 : i32
        %add3A_940 = arith.addi %add3A_903, %add3A_939 : i32
        %get3A_941 = arith.index_cast %add3A_940 : i32 to index
        %get3A_942 = arith.constant 96 : index
        %get3A_943 = tpu.vector_load %arg6[%get3A_941, %get3A_942] {strides = array<i32>} : memref<200x128xf32, #tpu.memory_space<vmem>>, vector<1x16xf32>,
        %get3A_944 = vector.shape_cast %get3A_943 : vector<1x16xf32> to vector<16xf32>
        %add3A_945 = arith.constant 0 : i32
        %add3A_946 = arith.addi %add3A_903, %add3A_945 : i32
        %get3A_947 = arith.index_cast %add3A_946 : i32 to index
        %get3A_948 = arith.constant 112 : index
        %get3A_949 = tpu.vector_load %arg6[%get3A_947, %get3A_948] {strides = array<i32>} : memref<200x128xf32, #tpu.memory_space<vmem>>, vector<1x16xf32>,
        %get3A_950 = vector.shape_cast %get3A_949 : vector<1x16xf32> to vector<16xf32>
        %add3A_951 = arith.constant 1 : i32
        %add3A_952 = arith.addi %add3A_903, %add3A_951 : i32
        %get3A_953 = arith.index_cast %add3A_952 : i32 to index
        %get3A_954 = arith.constant 0 : index
        %get3A_955 = tpu.vector_load %arg6[%get3A_953, %get3A_954] {strides = array<i32>} : memref<200x128xf32, #tpu.memory_space<vmem>>, vector<1x16xf32>,
        %get3A_956 = vector.shape_cast %get3A_955 : vector<1x16xf32> to vector<16xf32>
        %add3A_957 = arith.constant 1 : i32
        %add3A_958 = arith.addi %add3A_903, %add3A_957 : i32
        %get3A_959 = arith.index_cast %add3A_958 : i32 to index
        %get3A_960 = arith.constant 16 : index
        %get3A_961 = tpu.vector_load %arg6[%get3A_959, %get3A_960] {strides = array<i32>} : memref<200x128xf32, #tpu.memory_space<vmem>>, vector<1x16xf32>,
        %get3A_962 = vector.shape_cast %get3A_961 : vector<1x16xf32> to vector<16xf32>
        %add3A_963 = arith.constant 1 : i32
        %add3A_964 = arith.addi %add3A_903, %add3A_963 : i32
        %get3A_965 = arith.index_cast %add3A_964 : i32 to index
        %get3A_966 = arith.constant 32 : index
        %get3A_967 = tpu.vector_load %arg6[%get3A_965, %get3A_966] {strides = array<i32>} : memref<200x128xf32, #tpu.memory_space<vmem>>, vector<1x16xf32>,
        %get3A_968 = vector.shape_cast %get3A_967 : vector<1x16xf32> to vector<16xf32>
        %add3A_969 = arith.constant 1 : i32
        %add3A_970 = arith.addi %add3A_903, %add3A_969 : i32
        %get3A_971 = arith.index_cast %add3A_970 : i32 to index
        %get3A_972 = arith.constant 48 : index
        %get3A_973 = tpu.vector_load %arg6[%get3A_971, %get3A_972] {strides = array<i32>} : memref<200x128xf32, #tpu.memory_space<vmem>>, vector<1x16xf32>,
        %get3A_974 = vector.shape_cast %get3A_973 : vector<1x16xf32> to vector<16xf32>
        %add3A_975 = arith.constant 1 : i32
        %add3A_976 = arith.addi %add3A_903, %add3A_975 : i32
        %get3A_977 = arith.index_cast %add3A_976 : i32 to index
        %get3A_978 = arith.constant 64 : index
        %get3A_979 = tpu.vector_load %arg6[%get3A_977, %get3A_978] {strides = array<i32>} : memref<200x128xf32, #tpu.memory_space<vmem>>, vector<1x16xf32>,
        %get3A_980 = vector.shape_cast %get3A_979 : vector<1x16xf32> to vector<16xf32>
        %add3A_981 = arith.constant 1 : i32
        %add3A_982 = arith.addi %add3A_903, %add3A_981 : i32
        %get3A_983 = arith.index_cast %add3A_982 : i32 to index
        %get3A_984 = arith.constant 80 : index
        %get3A_985 = tpu.vector_load %arg6[%get3A_983, %get3A_984] {strides = array<i32>} : memref<200x128xf32, #tpu.memory_space<vmem>>, vector<1x16xf32>,
        %get3A_986 = vector.shape_cast %get3A_985 : vector<1x16xf32> to vector<16xf32>
        %add3A_987 = arith.constant 1 : i32
        %add3A_988 = arith.addi %add3A_903, %add3A_987 : i32
        %get3A_989 = arith.index_cast %add3A_988 : i32 to index
        %get3A_990 = arith.constant 96 : index
        %get3A_991 = tpu.vector_load %arg6[%get3A_989, %get3A_990] {strides = array<i32>} : memref<200x128xf32, #tpu.memory_space<vmem>>, vector<1x16xf32>,
        %get3A_992 = vector.shape_cast %get3A_991 : vector<1x16xf32> to vector<16xf32>
        %add3A_993 = arith.constant 1 : i32
        %add3A_994 = arith.addi %add3A_903, %add3A_993 : i32
        %get3A_995 = arith.index_cast %add3A_994 : i32 to index
        %get3A_996 = arith.constant 112 : index
        %get3A_997 = tpu.vector_load %arg6[%get3A_995, %get3A_996] {strides = array<i32>} : memref<200x128xf32, #tpu.memory_space<vmem>>, vector<1x16xf32>,
        %get3A_998 = vector.shape_cast %get3A_997 : vector<1x16xf32> to vector<16xf32>
        %exp3A = math.exp %get3A_908 : vector<16xf32>
        %exp3A_999 = math.exp %get3A_914 : vector<16xf32>
        %exp3A_1000 = math.exp %get3A_920 : vector<16xf32>
        %exp3A_1001 = math.exp %get3A_926 : vector<16xf32>
        %exp3A_1002 = math.exp %get3A_932 : vector<16xf32>
        %exp3A_1003 = math.exp %get3A_938 : vector<16xf32>
        %exp3A_1004 = math.exp %get3A_944 : vector<16xf32>
        %exp3A_1005 = math.exp %get3A_950 : vector<16xf32>
        %exp3A_1006 = math.exp %get3A_956 : vector<16xf32>
        %exp3A_1007 = math.exp %get3A_962 : vector<16xf32>
        %exp3A_1008 = math.exp %get3A_968 : vector<16xf32>
        %exp3A_1009 = math.exp %get3A_974 : vector<16xf32>
        %exp3A_1010 = math.exp %get3A_980 : vector<16xf32>
        %exp3A_1011 = math.exp %get3A_986 : vector<16xf32>
        %exp3A_1012 = math.exp %get3A_992 : vector<16xf32>
        %exp3A_1013 = math.exp %get3A_998 : vector<16xf32>
        %add3A_1014 = arith.constant 0 : i32
        %add3A_1015 = arith.addi %add3A_903, %add3A_1014 : i32
        %swap3A_1016 = arith.index_cast %add3A_1015 : i32 to index
        %swap3A_1017 = arith.constant 0 : index
        %swap3A_1018 = tpu.vector_load %arg6[%swap3A_1016, %swap3A_1017] {strides = array<i32>} : memref<200x128xf32, #tpu.memory_space<vmem>>, vector<1x16xf32>,
        %swap3A_1019 = vector.shape_cast %swap3A_1018 : vector<1x16xf32> to vector<16xf32>
        %swap3A_1020 = vector.shape_cast %exp3A : vector<16xf32> to vector<1x16xf32>
        tpu.vector_store %arg6[%swap3A_1016, %swap3A_1017], %swap3A_1020 {strides = array<i32>} : memref<200x128xf32, #tpu.memory_space<vmem>>, vector<1x16xf32>,
        %add3A_1021 = arith.constant 0 : i32
        %add3A_1022 = arith.addi %add3A_903, %add3A_1021 : i32
        %swap3A_1023 = arith.index_cast %add3A_1022 : i32 to index
        %swap3A_1024 = arith.constant 16 : index
        %swap3A_1025 = tpu.vector_load %arg6[%swap3A_1023, %swap3A_1024] {strides = array<i32>} : memref<200x128xf32, #tpu.memory_space<vmem>>, vector<1x16xf32>,
        %swap3A_1026 = vector.shape_cast %swap3A_1025 : vector<1x16xf32> to vector<16xf32>
        %swap3A_1027 = vector.shape_cast %exp3A_999 : vector<16xf32> to vector<1x16xf32>
        tpu.vector_store %arg6[%swap3A_1023, %swap3A_1024], %swap3A_1027 {strides = array<i32>} : memref<200x128xf32, #tpu.memory_space<vmem>>, vector<1x16xf32>,
        %add3A_1028 = arith.constant 0 : i32
        %add3A_1029 = arith.addi %add3A_903, %add3A_1028 : i32
        %swap3A_1030 = arith.index_cast %add3A_1029 : i32 to index
        %swap3A_1031 = arith.constant 32 : index
        %swap3A_1032 = tpu.vector_load %arg6[%swap3A_1030, %swap3A_1031] {strides = array<i32>} : memref<200x128xf32, #tpu.memory_space<vmem>>, vector<1x16xf32>,
        %swap3A_1033 = vector.shape_cast %swap3A_1032 : vector<1x16xf32> to vector<16xf32>
        %swap3A_1034 = vector.shape_cast %exp3A_1000 : vector<16xf32> to vector<1x16xf32>
        tpu.vector_store %arg6[%swap3A_1030, %swap3A_1031], %swap3A_1034 {strides = array<i32>} : memref<200x128xf32, #tpu.memory_space<vmem>>, vector<1x16xf32>,
        %add3A_1035 = arith.constant 0 : i32
        %add3A_1036 = arith.addi %add3A_903, %add3A_1035 : i32
        %swap3A_1037 = arith.index_cast %add3A_1036 : i32 to index
        %swap3A_1038 = arith.constant 48 : index
        %swap3A_1039 = tpu.vector_load %arg6[%swap3A_1037, %swap3A_1038] {strides = array<i32>} : memref<200x128xf32, #tpu.memory_space<vmem>>, vector<1x16xf32>,
        %swap3A_1040 = vector.shape_cast %swap3A_1039 : vector<1x16xf32> to vector<16xf32>
        %swap3A_1041 = vector.shape_cast %exp3A_1001 : vector<16xf32> to vector<1x16xf32>
        tpu.vector_store %arg6[%swap3A_1037, %swap3A_1038], %swap3A_1041 {strides = array<i32>} : memref<200x128xf32, #tpu.memory_space<vmem>>, vector<1x16xf32>,
        %add3A_1042 = arith.constant 0 : i32
        %add3A_1043 = arith.addi %add3A_903, %add3A_1042 : i32
        %swap3A_1044 = arith.index_cast %add3A_1043 : i32 to index
        %swap3A_1045 = arith.constant 64 : index
        %swap3A_1046 = tpu.vector_load %arg6[%swap3A_1044, %swap3A_1045] {strides = array<i32>} : memref<200x128xf32, #tpu.memory_space<vmem>>, vector<1x16xf32>,
        %swap3A_1047 = vector.shape_cast %swap3A_1046 : vector<1x16xf32> to vector<16xf32>
        %swap3A_1048 = vector.shape_cast %exp3A_1002 : vector<16xf32> to vector<1x16xf32>
        tpu.vector_store %arg6[%swap3A_1044, %swap3A_1045], %swap3A_1048 {strides = array<i32>} : memref<200x128xf32, #tpu.memory_space<vmem>>, vector<1x16xf32>,
        %add3A_1049 = arith.constant 0 : i32
        %add3A_1050 = arith.addi %add3A_903, %add3A_1049 : i32
        %swap3A_1051 = arith.index_cast %add3A_1050 : i32 to index
        %swap3A_1052 = arith.constant 80 : index
        %swap3A_1053 = tpu.vector_load %arg6[%swap3A_1051, %swap3A_1052] {strides = array<i32>} : memref<200x128xf32, #tpu.memory_space<vmem>>, vector<1x16xf32>,
        %swap3A_1054 = vector.shape_cast %swap3A_1053 : vector<1x16xf32> to vector<16xf32>
        %swap3A_1055 = vector.shape_cast %exp3A_1003 : vector<16xf32> to vector<1x16xf32>
        tpu.vector_store %arg6[%swap3A_1051, %swap3A_1052], %swap3A_1055 {strides = array<i32>} : memref<200x128xf32, #tpu.memory_space<vmem>>, vector<1x16xf32>,
        %add3A_1056 = arith.constant 0 : i32
        %add3A_1057 = arith.addi %add3A_903, %add3A_1056 : i32
        %swap3A_1058 = arith.index_cast %add3A_1057 : i32 to index
        %swap3A_1059 = arith.constant 96 : index
        %swap3A_1060 = tpu.vector_load %arg6[%swap3A_1058, %swap3A_1059] {strides = array<i32>} : memref<200x128xf32, #tpu.memory_space<vmem>>, vector<1x16xf32>,
        %swap3A_1061 = vector.shape_cast %swap3A_1060 : vector<1x16xf32> to vector<16xf32>
        %swap3A_1062 = vector.shape_cast %exp3A_1004 : vector<16xf32> to vector<1x16xf32>
        tpu.vector_store %arg6[%swap3A_1058, %swap3A_1059], %swap3A_1062 {strides = array<i32>} : memref<200x128xf32, #tpu.memory_space<vmem>>, vector<1x16xf32>,
        %add3A_1063 = arith.constant 0 : i32
        %add3A_1064 = arith.addi %add3A_903, %add3A_1063 : i32
        %swap3A_1065 = arith.index_cast %add3A_1064 : i32 to index
        %swap3A_1066 = arith.constant 112 : index
        %swap3A_1067 = tpu.vector_load %arg6[%swap3A_1065, %swap3A_1066] {strides = array<i32>} : memref<200x128xf32, #tpu.memory_space<vmem>>, vector<1x16xf32>,
        %swap3A_1068 = vector.shape_cast %swap3A_1067 : vector<1x16xf32> to vector<16xf32>
        %swap3A_1069 = vector.shape_cast %exp3A_1005 : vector<16xf32> to vector<1x16xf32>
        tpu.vector_store %arg6[%swap3A_1065, %swap3A_1066], %swap3A_1069 {strides = array<i32>} : memref<200x128xf32, #tpu.memory_space<vmem>>, vector<1x16xf32>,
        %add3A_1070 = arith.constant 1 : i32
        %add3A_1071 = arith.addi %add3A_903, %add3A_1070 : i32
        %swap3A_1072 = arith.index_cast %add3A_1071 : i32 to index
        %swap3A_1073 = arith.constant 0 : index
        %swap3A_1074 = tpu.vector_load %arg6[%swap3A_1072, %swap3A_1073] {strides = array<i32>} : memref<200x128xf32, #tpu.memory_space<vmem>>, vector<1x16xf32>,
        %swap3A_1075 = vector.shape_cast %swap3A_1074 : vector<1x16xf32> to vector<16xf32>
        %swap3A_1076 = vector.shape_cast %exp3A_1006 : vector<16xf32> to vector<1x16xf32>
        tpu.vector_store %arg6[%swap3A_1072, %swap3A_1073], %swap3A_1076 {strides = array<i32>} : memref<200x128xf32, #tpu.memory_space<vmem>>, vector<1x16xf32>,
        %add3A_1077 = arith.constant 1 : i32
        %add3A_1078 = arith.addi %add3A_903, %add3A_1077 : i32
        %swap3A_1079 = arith.index_cast %add3A_1078 : i32 to index
        %swap3A_1080 = arith.constant 16 : index
        %swap3A_1081 = tpu.vector_load %arg6[%swap3A_1079, %swap3A_1080] {strides = array<i32>} : memref<200x128xf32, #tpu.memory_space<vmem>>, vector<1x16xf32>,
        %swap3A_1082 = vector.shape_cast %swap3A_1081 : vector<1x16xf32> to vector<16xf32>
        %swap3A_1083 = vector.shape_cast %exp3A_1007 : vector<16xf32> to vector<1x16xf32>
        tpu.vector_store %arg6[%swap3A_1079, %swap3A_1080], %swap3A_1083 {strides = array<i32>} : memref<200x128xf32, #tpu.memory_space<vmem>>, vector<1x16xf32>,
        %add3A_1084 = arith.constant 1 : i32
        %add3A_1085 = arith.addi %add3A_903, %add3A_1084 : i32
        %swap3A_1086 = arith.index_cast %add3A_1085 : i32 to index
        %swap3A_1087 = arith.constant 32 : index
        %swap3A_1088 = tpu.vector_load %arg6[%swap3A_1086, %swap3A_1087] {strides = array<i32>} : memref<200x128xf32, #tpu.memory_space<vmem>>, vector<1x16xf32>,
        %swap3A_1089 = vector.shape_cast %swap3A_1088 : vector<1x16xf32> to vector<16xf32>
        %swap3A_1090 = vector.shape_cast %exp3A_1008 : vector<16xf32> to vector<1x16xf32>
        tpu.vector_store %arg6[%swap3A_1086, %swap3A_1087], %swap3A_1090 {strides = array<i32>} : memref<200x128xf32, #tpu.memory_space<vmem>>, vector<1x16xf32>,
        %add3A_1091 = arith.constant 1 : i32
        %add3A_1092 = arith.addi %add3A_903, %add3A_1091 : i32
        %swap3A_1093 = arith.index_cast %add3A_1092 : i32 to index
        %swap3A_1094 = arith.constant 48 : index
        %swap3A_1095 = tpu.vector_load %arg6[%swap3A_1093, %swap3A_1094] {strides = array<i32>} : memref<200x128xf32, #tpu.memory_space<vmem>>, vector<1x16xf32>,
        %swap3A_1096 = vector.shape_cast %swap3A_1095 : vector<1x16xf32> to vector<16xf32>
        %swap3A_1097 = vector.shape_cast %exp3A_1009 : vector<16xf32> to vector<1x16xf32>
        tpu.vector_store %arg6[%swap3A_1093, %swap3A_1094], %swap3A_1097 {strides = array<i32>} : memref<200x128xf32, #tpu.memory_space<vmem>>, vector<1x16xf32>,
        %add3A_1098 = arith.constant 1 : i32
        %add3A_1099 = arith.addi %add3A_903, %add3A_1098 : i32
        %swap3A_1100 = arith.index_cast %add3A_1099 : i32 to index
        %swap3A_1101 = arith.constant 64 : index
        %swap3A_1102 = tpu.vector_load %arg6[%swap3A_1100, %swap3A_1101] {strides = array<i32>} : memref<200x128xf32, #tpu.memory_space<vmem>>, vector<1x16xf32>,
        %swap3A_1103 = vector.shape_cast %swap3A_1102 : vector<1x16xf32> to vector<16xf32>
        %swap3A_1104 = vector.shape_cast %exp3A_1010 : vector<16xf32> to vector<1x16xf32>
        tpu.vector_store %arg6[%swap3A_1100, %swap3A_1101], %swap3A_1104 {strides = array<i32>} : memref<200x128xf32, #tpu.memory_space<vmem>>, vector<1x16xf32>,
        %add3A_1105 = arith.constant 1 : i32
        %add3A_1106 = arith.addi %add3A_903, %add3A_1105 : i32
        %swap3A_1107 = arith.index_cast %add3A_1106 : i32 to index
        %swap3A_1108 = arith.constant 80 : index
        %swap3A_1109 = tpu.vector_load %arg6[%swap3A_1107, %swap3A_1108] {strides = array<i32>} : memref<200x128xf32, #tpu.memory_space<vmem>>, vector<1x16xf32>,
        %swap3A_1110 = vector.shape_cast %swap3A_1109 : vector<1x16xf32> to vector<16xf32>
        %swap3A_1111 = vector.shape_cast %exp3A_1011 : vector<16xf32> to vector<1x16xf32>
        tpu.vector_store %arg6[%swap3A_1107, %swap3A_1108], %swap3A_1111 {strides = array<i32>} : memref<200x128xf32, #tpu.memory_space<vmem>>, vector<1x16xf32>,
        %add3A_1112 = arith.constant 1 : i32
        %add3A_1113 = arith.addi %add3A_903, %add3A_1112 : i32
        %swap3A_1114 = arith.index_cast %add3A_1113 : i32 to index
        %swap3A_1115 = arith.constant 96 : index
        %swap3A_1116 = tpu.vector_load %arg6[%swap3A_1114, %swap3A_1115] {strides = array<i32>} : memref<200x128xf32, #tpu.memory_space<vmem>>, vector<1x16xf32>,
        %swap3A_1117 = vector.shape_cast %swap3A_1116 : vector<1x16xf32> to vector<16xf32>
        %swap3A_1118 = vector.shape_cast %exp3A_1012 : vector<16xf32> to vector<1x16xf32>
        tpu.vector_store %arg6[%swap3A_1114, %swap3A_1115], %swap3A_1118 {strides = array<i32>} : memref<200x128xf32, #tpu.memory_space<vmem>>, vector<1x16xf32>,
        %add3A_1119 = arith.constant 1 : i32
        %add3A_1120 = arith.addi %add3A_903, %add3A_1119 : i32
        %swap3A_1121 = arith.index_cast %add3A_1120 : i32 to index
        %swap3A_1122 = arith.constant 112 : index
        %swap3A_1123 = tpu.vector_load %arg6[%swap3A_1121, %swap3A_1122] {strides = array<i32>} : memref<200x128xf32, #tpu.memory_space<vmem>>, vector<1x16xf32>,
        %swap3A_1124 = vector.shape_cast %swap3A_1123 : vector<1x16xf32> to vector<16xf32>
        %swap3A_1125 = vector.shape_cast %exp3A_1013 : vector<16xf32> to vector<1x16xf32>
        tpu.vector_store %arg6[%swap3A_1121, %swap3A_1122], %swap3A_1125 {strides = array<i32>} : memref<200x128xf32, #tpu.memory_space<vmem>>, vector<1x16xf32>,
        %add3A_1126 = arith.addf %scan3A_898, %exp3A : vector<16xf32>
        %add3A_1127 = arith.addf %add3A_1126, %exp3A_999 : vector<16xf32>
        %add3A_1128 = arith.addf %add3A_1127, %exp3A_1000 : vector<16xf32>
        %add3A_1129 = arith.addf %add3A_1128, %exp3A_1001 : vector<16xf32>
        %add3A_1130 = arith.addf %add3A_1129, %exp3A_1002 : vector<16xf32>
        %add3A_1131 = arith.addf %add3A_1130, %exp3A_1003 : vector<16xf32>
        %add3A_1132 = arith.addf %add3A_1131, %exp3A_1004 : vector<16xf32>
        %add3A_1133 = arith.addf %add3A_1132, %exp3A_1005 : vector<16xf32>
        %add3A_1134 = arith.addf %add3A_1133, %exp3A_1006 : vector<16xf32>
        %add3A_1135 = arith.addf %add3A_1134, %exp3A_1007 : vector<16xf32>
        %add3A_1136 = arith.addf %add3A_1135, %exp3A_1008 : vector<16xf32>
        %add3A_1137 = arith.addf %add3A_1136, %exp3A_1009 : vector<16xf32>
        %add3A_1138 = arith.addf %add3A_1137, %exp3A_1010 : vector<16xf32>
        %add3A_1139 = arith.addf %add3A_1138, %exp3A_1011 : vector<16xf32>
        %add3A_1140 = arith.addf %add3A_1139, %exp3A_1012 : vector<16xf32>
        %add3A_1141 = arith.addf %add3A_1140, %exp3A_1013 : vector<16xf32>
        scf.yield %add3A_1141 : vector<16xf32>
      }
      %scan3A_859 = arith.constant 4 : i32
      %jit3A = arith.constant 8 : i32
      %div3A = arith.divsi %scan3A_852, %jit3A : i32
      %sign3A = arith.constant 0 : i32
      %sign3A_860 = arith.cmpi sgt, %scan3A_852, %sign3A : i32
      %sign3A_861 = arith.extui %sign3A_860 : i1 to i32
      %sign3A_862 = arith.constant 0 : i32
      %sign3A_863 = arith.cmpi slt, %scan3A_852, %sign3A_862 : i32
      %sign3A_864 = arith.extui %sign3A_863 : i1 to i32
      %sign3A_865 = arith.subi %sign3A_861, %sign3A_864 : i32
      %sign3A_866 = arith.constant 0 : i32
      %sign3A_867 = arith.cmpi sgt, %jit3A, %sign3A_866 : i32
      %sign3A_868 = arith.extui %sign3A_867 : i1 to i32
      %sign3A_869 = arith.constant 0 : i32
      %sign3A_870 = arith.cmpi slt, %jit3A, %sign3A_869 : i32
      %sign3A_871 = arith.extui %sign3A_870 : i1 to i32
      %sign3A_872 = arith.subi %sign3A_868, %sign3A_871 : i32
      %ne3A = arith.cmpi ne, %sign3A_865, %sign3A_872 : i32
      %rem3A = arith.remsi %scan3A_852, %jit3A : i32
      %ne3A_873 = arith.constant 0 : i32
      %ne3A_874 = arith.cmpi ne, %rem3A, %ne3A_873 : i32
      %and3A = arith.andi %ne3A, %ne3A_874 : i1
      %sub3A = arith.constant 1 : i32
      %sub3A_875 = arith.subi %div3A, %sub3A : i32
      %select_n3A = arith.select %and3A, %sub3A_875, %div3A : i32
      %jit3A_876 = arith.constant 8 : i32
      %eq3A_877 = arith.constant 0 : i32
      %eq3A_878 = arith.cmpi eq, %jit3A_876, %eq3A_877 : i32
      %jit3A_879 = arith.constant 1 : i32
      %select_n3A_880 = arith.select %eq3A_878, %jit3A_879, %jit3A_876 : i32
      %rem3A_881 = arith.remsi %scan3A_852, %select_n3A_880 : i32
      %ne3A_882 = arith.constant 0 : i32
      %ne3A_883 = arith.cmpi ne, %rem3A_881, %ne3A_882 : i32
      %lt3A = arith.constant 0 : i32
      %lt3A_884 = arith.cmpi slt, %rem3A_881, %lt3A : i32
      %lt3A_885 = arith.constant 0 : i32
      %lt3A_886 = arith.cmpi slt, %select_n3A_880, %lt3A_885 : i32
      %ne3A_887 = arith.xori %lt3A_884, %lt3A_886 : i1
      %and3A_888 = arith.andi %ne3A_887, %ne3A_883 : i1
      %add3A_889 = arith.addi %rem3A_881, %select_n3A_880 : i32
      %select_n3A_890 = arith.select %and3A_888, %add3A_889, %rem3A_881 : i32
      %mul3A_891 = arith.constant 16 : i32
      %mul3A_892 = arith.muli %select_n3A_890, %mul3A_891 : i32
      %swap3A = arith.index_cast %select_n3A : i32 to index
      %swap3A_893 = arith.index_cast %mul3A_892 : i32 to index
      %swap3A_894 = tpu.vector_load %arg7[%swap3A, %swap3A_893] {strides = array<i32>} : memref<4x128xf32, #tpu.memory_space<vmem>>, vector<1x16xf32>,
      %swap3A_895 = vector.shape_cast %swap3A_894 : vector<1x16xf32> to vector<16xf32>
      %swap3A_896 = vector.shape_cast %scan3A_858 : vector<16xf32> to vector<1x16xf32>
      tpu.vector_store %arg7[%swap3A, %swap3A_893], %swap3A_896 {strides = array<i32>} : memref<4x128xf32, #tpu.memory_space<vmem>>, vector<1x16xf32>,
    }
    %scan3A_171 = arith.constant 25 : i32
    "tpu.region"() ({
      %run_scoped3A = tpu.sem_alloc : memref<!tpu.dma_semaphore, #tpu.memory_space<semaphore_mem>>
      %dma_start3A_852 = arith.constant 0 : i32
      %dma_start3A_853 = arith.constant 0 : i32
      %dma_start3A_854 = tpu.memref_slice %arg4[%add3A, %dma_start3A_852, %dma_start3A_853] : memref<32x200x128xf32, #tpu.memory_space<hbm>> -> memref<1x4x128xf32, #tpu.memory_space<hbm>>
      %dma_start3A_855 = tpu.memref_squeeze %dma_start3A_854 : memref<1x4x128xf32, #tpu.memory_space<hbm>> -> memref<4x128xf32, #tpu.memory_space<hbm>>
      %dma_start3A_856 = arith.constant 0 : i32
      %dma_start3A_857 = arith.constant 0 : i32
      %dma_start3A_858 = tpu.memref_slice %arg4[%add3A, %dma_start3A_856, %dma_start3A_857] : memref<32x200x128xf32, #tpu.memory_space<hbm>> -> memref<1x4x128xf32, #tpu.memory_space<hbm>>
      %dma_start3A_859 = tpu.memref_squeeze %dma_start3A_858 : memref<1x4x128xf32, #tpu.memory_space<hbm>> -> memref<4x128xf32, #tpu.memory_space<hbm>>
      tpu.enqueue_dma source(%arg7 : memref<4x128xf32, #tpu.memory_space<vmem>>) target(%dma_start3A_859 : memref<4x128xf32, #tpu.memory_space<hbm>>) target_semaphore(%run_scoped3A : memref<!tpu.dma_semaphore, #tpu.memory_space<semaphore_mem>>)
      %dma_wait3A_860 = arith.constant 0 : i32
      %dma_wait3A_861 = arith.constant 0 : i32
      %dma_wait3A_862 = tpu.memref_slice %arg4[%add3A, %dma_wait3A_860, %dma_wait3A_861] : memref<32x200x128xf32, #tpu.memory_space<hbm>> -> memref<1x4x128xf32, #tpu.memory_space<hbm>>
      %dma_wait3A_863 = tpu.memref_squeeze %dma_wait3A_862 : memref<1x4x128xf32, #tpu.memory_space<hbm>> -> memref<4x128xf32, #tpu.memory_space<hbm>>
      %dma_wait3A_864 = arith.constant 0 : i32
      %dma_wait3A_865 = arith.constant 0 : i32
      %dma_wait3A_866 = tpu.memref_slice %arg4[%add3A, %dma_wait3A_864, %dma_wait3A_865] : memref<32x200x128xf32, #tpu.memory_space<hbm>> -> memref<1x4x128xf32, #tpu.memory_space<hbm>>
      %dma_wait3A_867 = tpu.memref_squeeze %dma_wait3A_866 : memref<1x4x128xf32, #tpu.memory_space<hbm>> -> memref<4x128xf32, #tpu.memory_space<hbm>>
      tpu.wait_dma2 semaphore(%run_scoped3A : memref<!tpu.dma_semaphore, #tpu.memory_space<semaphore_mem>>) src(%arg7 : memref<4x128xf32, #tpu.memory_space<vmem>>) dst(%dma_wait3A_867 : memref<4x128xf32, #tpu.memory_space<hbm>>)
      tpu.yield
    }) : () -> ()
    %barrier3A_172 = arith.constant 0 : index
    tpu.barrier barrier_id(%barrier3A_172)
    %mul3A_173 = arith.constant 16 : i32
    %mul3A_174 = arith.muli %arg0, %mul3A_173 : i32
    %add3A_175 = arith.constant 0 : i32
    %add3A_176 = arith.addi %mul3A_174, %add3A_175 : i32
    %dma_start3A_177 = arith.constant 0 : i32
    %dma_start3A_178 = arith.constant 0 : i32
    %dma_start3A_179 = arith.constant 0 : i32
    %dma_start3A_180 = tpu.memref_slice %arg8[%dma_start3A_177, %dma_start3A_178, %dma_start3A_179] : memref<16x4x128xf32, #tpu.memory_space<vmem>> -> memref<1x4x128xf32, #tpu.memory_space<vmem>>
    %dma_start3A_181 = tpu.memref_squeeze %dma_start3A_180 : memref<1x4x128xf32, #tpu.memory_space<vmem>> -> memref<4x128xf32, #tpu.memory_space<vmem>>
    %dma_start3A_182 = arith.constant 0 : i32
    %dma_start3A_183 = arith.constant 0 : i32
    %dma_start3A_184 = tpu.memref_slice %arg4[%add3A_176, %dma_start3A_182, %dma_start3A_183] : memref<32x200x128xf32, #tpu.memory_space<hbm>> -> memref<1x4x128xf32, #tpu.memory_space<hbm>>
    %dma_start3A_185 = tpu.memref_squeeze %dma_start3A_184 : memref<1x4x128xf32, #tpu.memory_space<hbm>> -> memref<4x128xf32, #tpu.memory_space<hbm>>
    %dma_start3A_186 = arith.constant 0 : i32
    %dma_start3A_187 = arith.constant 0 : i32
    %dma_start3A_188 = tpu.memref_slice %arg8[%dma_start3A_177, %dma_start3A_186, %dma_start3A_187] : memref<16x4x128xf32, #tpu.memory_space<vmem>> -> memref<1x4x128xf32, #tpu.memory_space<vmem>>
    %dma_start3A_189 = tpu.memref_squeeze %dma_start3A_188 : memref<1x4x128xf32, #tpu.memory_space<vmem>> -> memref<4x128xf32, #tpu.memory_space<vmem>>
    %dma_start3A_190 = arith.constant 0 : i32
    %dma_start3A_191 = arith.constant 0 : i32
    %dma_start3A_192 = tpu.memref_slice %arg4[%add3A_176, %dma_start3A_190, %dma_start3A_191] : memref<32x200x128xf32, #tpu.memory_space<hbm>> -> memref<1x4x128xf32, #tpu.memory_space<hbm>>
    %dma_start3A_193 = tpu.memref_squeeze %dma_start3A_192 : memref<1x4x128xf32, #tpu.memory_space<hbm>> -> memref<4x128xf32, #tpu.memory_space<hbm>>
    tpu.enqueue_dma source(%dma_start3A_193 : memref<4x128xf32, #tpu.memory_space<hbm>>) target(%dma_start3A_189 : memref<4x128xf32, #tpu.memory_space<vmem>>) target_semaphore(%arg10 : memref<!tpu.dma_semaphore, #tpu.memory_space<semaphore_mem>>)
    %mul3A_194 = arith.constant 16 : i32
    %mul3A_195 = arith.muli %arg0, %mul3A_194 : i32
    %add3A_196 = arith.constant 1 : i32
    %add3A_197 = arith.addi %mul3A_195, %add3A_196 : i32
    %dma_start3A_198 = arith.constant 1 : i32
    %dma_start3A_199 = arith.constant 0 : i32
    %dma_start3A_200 = arith.constant 0 : i32
    %dma_start3A_201 = tpu.memref_slice %arg8[%dma_start3A_198, %dma_start3A_199, %dma_start3A_200] : memref<16x4x128xf32, #tpu.memory_space<vmem>> -> memref<1x4x128xf32, #tpu.memory_space<vmem>>
    %dma_start3A_202 = tpu.memref_squeeze %dma_start3A_201 : memref<1x4x128xf32, #tpu.memory_space<vmem>> -> memref<4x128xf32, #tpu.memory_space<vmem>>
    %dma_start3A_203 = arith.constant 0 : i32
    %dma_start3A_204 = arith.constant 0 : i32
    %dma_start3A_205 = tpu.memref_slice %arg4[%add3A_197, %dma_start3A_203, %dma_start3A_204] : memref<32x200x128xf32, #tpu.memory_space<hbm>> -> memref<1x4x128xf32, #tpu.memory_space<hbm>>
    %dma_start3A_206 = tpu.memref_squeeze %dma_start3A_205 : memref<1x4x128xf32, #tpu.memory_space<hbm>> -> memref<4x128xf32, #tpu.memory_space<hbm>>
    %dma_start3A_207 = arith.constant 0 : i32
    %dma_start3A_208 = arith.constant 0 : i32
    %dma_start3A_209 = tpu.memref_slice %arg8[%dma_start3A_198, %dma_start3A_207, %dma_start3A_208] : memref<16x4x128xf32, #tpu.memory_space<vmem>> -> memref<1x4x128xf32, #tpu.memory_space<vmem>>
    %dma_start3A_210 = tpu.memref_squeeze %dma_start3A_209 : memref<1x4x128xf32, #tpu.memory_space<vmem>> -> memref<4x128xf32, #tpu.memory_space<vmem>>
    %dma_start3A_211 = arith.constant 0 : i32
    %dma_start3A_212 = arith.constant 0 : i32
    %dma_start3A_213 = tpu.memref_slice %arg4[%add3A_197, %dma_start3A_211, %dma_start3A_212] : memref<32x200x128xf32, #tpu.memory_space<hbm>> -> memref<1x4x128xf32, #tpu.memory_space<hbm>>
    %dma_start3A_214 = tpu.memref_squeeze %dma_start3A_213 : memref<1x4x128xf32, #tpu.memory_space<hbm>> -> memref<4x128xf32, #tpu.memory_space<hbm>>
    tpu.enqueue_dma source(%dma_start3A_214 : memref<4x128xf32, #tpu.memory_space<hbm>>) target(%dma_start3A_210 : memref<4x128xf32, #tpu.memory_space<vmem>>) target_semaphore(%arg10 : memref<!tpu.dma_semaphore, #tpu.memory_space<semaphore_mem>>)
    %mul3A_215 = arith.constant 16 : i32
    %mul3A_216 = arith.muli %arg0, %mul3A_215 : i32
    %add3A_217 = arith.constant 2 : i32
    %add3A_218 = arith.addi %mul3A_216, %add3A_217 : i32
    %dma_start3A_219 = arith.constant 2 : i32
    %dma_start3A_220 = arith.constant 0 : i32
    %dma_start3A_221 = arith.constant 0 : i32
    %dma_start3A_222 = tpu.memref_slice %arg8[%dma_start3A_219, %dma_start3A_220, %dma_start3A_221] : memref<16x4x128xf32, #tpu.memory_space<vmem>> -> memref<1x4x128xf32, #tpu.memory_space<vmem>>
    %dma_start3A_223 = tpu.memref_squeeze %dma_start3A_222 : memref<1x4x128xf32, #tpu.memory_space<vmem>> -> memref<4x128xf32, #tpu.memory_space<vmem>>
    %dma_start3A_224 = arith.constant 0 : i32
    %dma_start3A_225 = arith.constant 0 : i32
    %dma_start3A_226 = tpu.memref_slice %arg4[%add3A_218, %dma_start3A_224, %dma_start3A_225] : memref<32x200x128xf32, #tpu.memory_space<hbm>> -> memref<1x4x128xf32, #tpu.memory_space<hbm>>
    %dma_start3A_227 = tpu.memref_squeeze %dma_start3A_226 : memref<1x4x128xf32, #tpu.memory_space<hbm>> -> memref<4x128xf32, #tpu.memory_space<hbm>>
    %dma_start3A_228 = arith.constant 0 : i32
    %dma_start3A_229 = arith.constant 0 : i32
    %dma_start3A_230 = tpu.memref_slice %arg8[%dma_start3A_219, %dma_start3A_228, %dma_start3A_229] : memref<16x4x128xf32, #tpu.memory_space<vmem>> -> memref<1x4x128xf32, #tpu.memory_space<vmem>>
    %dma_start3A_231 = tpu.memref_squeeze %dma_start3A_230 : memref<1x4x128xf32, #tpu.memory_space<vmem>> -> memref<4x128xf32, #tpu.memory_space<vmem>>
    %dma_start3A_232 = arith.constant 0 : i32
    %dma_start3A_233 = arith.constant 0 : i32
    %dma_start3A_234 = tpu.memref_slice %arg4[%add3A_218, %dma_start3A_232, %dma_start3A_233] : memref<32x200x128xf32, #tpu.memory_space<hbm>> -> memref<1x4x128xf32, #tpu.memory_space<hbm>>
    %dma_start3A_235 = tpu.memref_squeeze %dma_start3A_234 : memref<1x4x128xf32, #tpu.memory_space<hbm>> -> memref<4x128xf32, #tpu.memory_space<hbm>>
    tpu.enqueue_dma source(%dma_start3A_235 : memref<4x128xf32, #tpu.memory_space<hbm>>) target(%dma_start3A_231 : memref<4x128xf32, #tpu.memory_space<vmem>>) target_semaphore(%arg10 : memref<!tpu.dma_semaphore, #tpu.memory_space<semaphore_mem>>)
    %mul3A_236 = arith.constant 16 : i32
    %mul3A_237 = arith.muli %arg0, %mul3A_236 : i32
    %add3A_238 = arith.constant 3 : i32
    %add3A_239 = arith.addi %mul3A_237, %add3A_238 : i32
    %dma_start3A_240 = arith.constant 3 : i32
    %dma_start3A_241 = arith.constant 0 : i32
    %dma_start3A_242 = arith.constant 0 : i32
    %dma_start3A_243 = tpu.memref_slice %arg8[%dma_start3A_240, %dma_start3A_241, %dma_start3A_242] : memref<16x4x128xf32, #tpu.memory_space<vmem>> -> memref<1x4x128xf32, #tpu.memory_space<vmem>>
    %dma_start3A_244 = tpu.memref_squeeze %dma_start3A_243 : memref<1x4x128xf32, #tpu.memory_space<vmem>> -> memref<4x128xf32, #tpu.memory_space<vmem>>
    %dma_start3A_245 = arith.constant 0 : i32
    %dma_start3A_246 = arith.constant 0 : i32
    %dma_start3A_247 = tpu.memref_slice %arg4[%add3A_239, %dma_start3A_245, %dma_start3A_246] : memref<32x200x128xf32, #tpu.memory_space<hbm>> -> memref<1x4x128xf32, #tpu.memory_space<hbm>>
    %dma_start3A_248 = tpu.memref_squeeze %dma_start3A_247 : memref<1x4x128xf32, #tpu.memory_space<hbm>> -> memref<4x128xf32, #tpu.memory_space<hbm>>
    %dma_start3A_249 = arith.constant 0 : i32
    %dma_start3A_250 = arith.constant 0 : i32
    %dma_start3A_251 = tpu.memref_slice %arg8[%dma_start3A_240, %dma_start3A_249, %dma_start3A_250] : memref<16x4x128xf32, #tpu.memory_space<vmem>> -> memref<1x4x128xf32, #tpu.memory_space<vmem>>
    %dma_start3A_252 = tpu.memref_squeeze %dma_start3A_251 : memref<1x4x128xf32, #tpu.memory_space<vmem>> -> memref<4x128xf32, #tpu.memory_space<vmem>>
    %dma_start3A_253 = arith.constant 0 : i32
    %dma_start3A_254 = arith.constant 0 : i32
    %dma_start3A_255 = tpu.memref_slice %arg4[%add3A_239, %dma_start3A_253, %dma_start3A_254] : memref<32x200x128xf32, #tpu.memory_space<hbm>> -> memref<1x4x128xf32, #tpu.memory_space<hbm>>
    %dma_start3A_256 = tpu.memref_squeeze %dma_start3A_255 : memref<1x4x128xf32, #tpu.memory_space<hbm>> -> memref<4x128xf32, #tpu.memory_space<hbm>>
    tpu.enqueue_dma source(%dma_start3A_256 : memref<4x128xf32, #tpu.memory_space<hbm>>) target(%dma_start3A_252 : memref<4x128xf32, #tpu.memory_space<vmem>>) target_semaphore(%arg10 : memref<!tpu.dma_semaphore, #tpu.memory_space<semaphore_mem>>)
    %mul3A_257 = arith.constant 16 : i32
    %mul3A_258 = arith.muli %arg0, %mul3A_257 : i32
    %add3A_259 = arith.constant 4 : i32
    %add3A_260 = arith.addi %mul3A_258, %add3A_259 : i32
    %dma_start3A_261 = arith.constant 4 : i32
    %dma_start3A_262 = arith.constant 0 : i32
    %dma_start3A_263 = arith.constant 0 : i32
    %dma_start3A_264 = tpu.memref_slice %arg8[%dma_start3A_261, %dma_start3A_262, %dma_start3A_263] : memref<16x4x128xf32, #tpu.memory_space<vmem>> -> memref<1x4x128xf32, #tpu.memory_space<vmem>>
    %dma_start3A_265 = tpu.memref_squeeze %dma_start3A_264 : memref<1x4x128xf32, #tpu.memory_space<vmem>> -> memref<4x128xf32, #tpu.memory_space<vmem>>
    %dma_start3A_266 = arith.constant 0 : i32
    %dma_start3A_267 = arith.constant 0 : i32
    %dma_start3A_268 = tpu.memref_slice %arg4[%add3A_260, %dma_start3A_266, %dma_start3A_267] : memref<32x200x128xf32, #tpu.memory_space<hbm>> -> memref<1x4x128xf32, #tpu.memory_space<hbm>>
    %dma_start3A_269 = tpu.memref_squeeze %dma_start3A_268 : memref<1x4x128xf32, #tpu.memory_space<hbm>> -> memref<4x128xf32, #tpu.memory_space<hbm>>
    %dma_start3A_270 = arith.constant 0 : i32
    %dma_start3A_271 = arith.constant 0 : i32
    %dma_start3A_272 = tpu.memref_slice %arg8[%dma_start3A_261, %dma_start3A_270, %dma_start3A_271] : memref<16x4x128xf32, #tpu.memory_space<vmem>> -> memref<1x4x128xf32, #tpu.memory_space<vmem>>
    %dma_start3A_273 = tpu.memref_squeeze %dma_start3A_272 : memref<1x4x128xf32, #tpu.memory_space<vmem>> -> memref<4x128xf32, #tpu.memory_space<vmem>>
    %dma_start3A_274 = arith.constant 0 : i32
    %dma_start3A_275 = arith.constant 0 : i32
    %dma_start3A_276 = tpu.memref_slice %arg4[%add3A_260, %dma_start3A_274, %dma_start3A_275] : memref<32x200x128xf32, #tpu.memory_space<hbm>> -> memref<1x4x128xf32, #tpu.memory_space<hbm>>
    %dma_start3A_277 = tpu.memref_squeeze %dma_start3A_276 : memref<1x4x128xf32, #tpu.memory_space<hbm>> -> memref<4x128xf32, #tpu.memory_space<hbm>>
    tpu.enqueue_dma source(%dma_start3A_277 : memref<4x128xf32, #tpu.memory_space<hbm>>) target(%dma_start3A_273 : memref<4x128xf32, #tpu.memory_space<vmem>>) target_semaphore(%arg10 : memref<!tpu.dma_semaphore, #tpu.memory_space<semaphore_mem>>)
    %mul3A_278 = arith.constant 16 : i32
    %mul3A_279 = arith.muli %arg0, %mul3A_278 : i32
    %add3A_280 = arith.constant 5 : i32
    %add3A_281 = arith.addi %mul3A_279, %add3A_280 : i32
    %dma_start3A_282 = arith.constant 5 : i32
    %dma_start3A_283 = arith.constant 0 : i32
    %dma_start3A_284 = arith.constant 0 : i32
    %dma_start3A_285 = tpu.memref_slice %arg8[%dma_start3A_282, %dma_start3A_283, %dma_start3A_284] : memref<16x4x128xf32, #tpu.memory_space<vmem>> -> memref<1x4x128xf32, #tpu.memory_space<vmem>>
    %dma_start3A_286 = tpu.memref_squeeze %dma_start3A_285 : memref<1x4x128xf32, #tpu.memory_space<vmem>> -> memref<4x128xf32, #tpu.memory_space<vmem>>
    %dma_start3A_287 = arith.constant 0 : i32
    %dma_start3A_288 = arith.constant 0 : i32
    %dma_start3A_289 = tpu.memref_slice %arg4[%add3A_281, %dma_start3A_287, %dma_start3A_288] : memref<32x200x128xf32, #tpu.memory_space<hbm>> -> memref<1x4x128xf32, #tpu.memory_space<hbm>>
    %dma_start3A_290 = tpu.memref_squeeze %dma_start3A_289 : memref<1x4x128xf32, #tpu.memory_space<hbm>> -> memref<4x128xf32, #tpu.memory_space<hbm>>
    %dma_start3A_291 = arith.constant 0 : i32
    %dma_start3A_292 = arith.constant 0 : i32
    %dma_start3A_293 = tpu.memref_slice %arg8[%dma_start3A_282, %dma_start3A_291, %dma_start3A_292] : memref<16x4x128xf32, #tpu.memory_space<vmem>> -> memref<1x4x128xf32, #tpu.memory_space<vmem>>
    %dma_start3A_294 = tpu.memref_squeeze %dma_start3A_293 : memref<1x4x128xf32, #tpu.memory_space<vmem>> -> memref<4x128xf32, #tpu.memory_space<vmem>>
    %dma_start3A_295 = arith.constant 0 : i32
    %dma_start3A_296 = arith.constant 0 : i32
    %dma_start3A_297 = tpu.memref_slice %arg4[%add3A_281, %dma_start3A_295, %dma_start3A_296] : memref<32x200x128xf32, #tpu.memory_space<hbm>> -> memref<1x4x128xf32, #tpu.memory_space<hbm>>
    %dma_start3A_298 = tpu.memref_squeeze %dma_start3A_297 : memref<1x4x128xf32, #tpu.memory_space<hbm>> -> memref<4x128xf32, #tpu.memory_space<hbm>>
    tpu.enqueue_dma source(%dma_start3A_298 : memref<4x128xf32, #tpu.memory_space<hbm>>) target(%dma_start3A_294 : memref<4x128xf32, #tpu.memory_space<vmem>>) target_semaphore(%arg10 : memref<!tpu.dma_semaphore, #tpu.memory_space<semaphore_mem>>)
    %mul3A_299 = arith.constant 16 : i32
    %mul3A_300 = arith.muli %arg0, %mul3A_299 : i32
    %add3A_301 = arith.constant 6 : i32
    %add3A_302 = arith.addi %mul3A_300, %add3A_301 : i32
    %dma_start3A_303 = arith.constant 6 : i32
    %dma_start3A_304 = arith.constant 0 : i32
    %dma_start3A_305 = arith.constant 0 : i32
    %dma_start3A_306 = tpu.memref_slice %arg8[%dma_start3A_303, %dma_start3A_304, %dma_start3A_305] : memref<16x4x128xf32, #tpu.memory_space<vmem>> -> memref<1x4x128xf32, #tpu.memory_space<vmem>>
    %dma_start3A_307 = tpu.memref_squeeze %dma_start3A_306 : memref<1x4x128xf32, #tpu.memory_space<vmem>> -> memref<4x128xf32, #tpu.memory_space<vmem>>
    %dma_start3A_308 = arith.constant 0 : i32
    %dma_start3A_309 = arith.constant 0 : i32
    %dma_start3A_310 = tpu.memref_slice %arg4[%add3A_302, %dma_start3A_308, %dma_start3A_309] : memref<32x200x128xf32, #tpu.memory_space<hbm>> -> memref<1x4x128xf32, #tpu.memory_space<hbm>>
    %dma_start3A_311 = tpu.memref_squeeze %dma_start3A_310 : memref<1x4x128xf32, #tpu.memory_space<hbm>> -> memref<4x128xf32, #tpu.memory_space<hbm>>
    %dma_start3A_312 = arith.constant 0 : i32
    %dma_start3A_313 = arith.constant 0 : i32
    %dma_start3A_314 = tpu.memref_slice %arg8[%dma_start3A_303, %dma_start3A_312, %dma_start3A_313] : memref<16x4x128xf32, #tpu.memory_space<vmem>> -> memref<1x4x128xf32, #tpu.memory_space<vmem>>
    %dma_start3A_315 = tpu.memref_squeeze %dma_start3A_314 : memref<1x4x128xf32, #tpu.memory_space<vmem>> -> memref<4x128xf32, #tpu.memory_space<vmem>>
    %dma_start3A_316 = arith.constant 0 : i32
    %dma_start3A_317 = arith.constant 0 : i32
    %dma_start3A_318 = tpu.memref_slice %arg4[%add3A_302, %dma_start3A_316, %dma_start3A_317] : memref<32x200x128xf32, #tpu.memory_space<hbm>> -> memref<1x4x128xf32, #tpu.memory_space<hbm>>
    %dma_start3A_319 = tpu.memref_squeeze %dma_start3A_318 : memref<1x4x128xf32, #tpu.memory_space<hbm>> -> memref<4x128xf32, #tpu.memory_space<hbm>>
    tpu.enqueue_dma source(%dma_start3A_319 : memref<4x128xf32, #tpu.memory_space<hbm>>) target(%dma_start3A_315 : memref<4x128xf32, #tpu.memory_space<vmem>>) target_semaphore(%arg10 : memref<!tpu.dma_semaphore, #tpu.memory_space<semaphore_mem>>)
    %mul3A_320 = arith.constant 16 : i32
    %mul3A_321 = arith.muli %arg0, %mul3A_320 : i32
    %add3A_322 = arith.constant 7 : i32
    %add3A_323 = arith.addi %mul3A_321, %add3A_322 : i32
    %dma_start3A_324 = arith.constant 7 : i32
    %dma_start3A_325 = arith.constant 0 : i32
    %dma_start3A_326 = arith.constant 0 : i32
    %dma_start3A_327 = tpu.memref_slice %arg8[%dma_start3A_324, %dma_start3A_325, %dma_start3A_326] : memref<16x4x128xf32, #tpu.memory_space<vmem>> -> memref<1x4x128xf32, #tpu.memory_space<vmem>>
    %dma_start3A_328 = tpu.memref_squeeze %dma_start3A_327 : memref<1x4x128xf32, #tpu.memory_space<vmem>> -> memref<4x128xf32, #tpu.memory_space<vmem>>
    %dma_start3A_329 = arith.constant 0 : i32
    %dma_start3A_330 = arith.constant 0 : i32
    %dma_start3A_331 = tpu.memref_slice %arg4[%add3A_323, %dma_start3A_329, %dma_start3A_330] : memref<32x200x128xf32, #tpu.memory_space<hbm>> -> memref<1x4x128xf32, #tpu.memory_space<hbm>>
    %dma_start3A_332 = tpu.memref_squeeze %dma_start3A_331 : memref<1x4x128xf32, #tpu.memory_space<hbm>> -> memref<4x128xf32, #tpu.memory_space<hbm>>
    %dma_start3A_333 = arith.constant 0 : i32
    %dma_start3A_334 = arith.constant 0 : i32
    %dma_start3A_335 = tpu.memref_slice %arg8[%dma_start3A_324, %dma_start3A_333, %dma_start3A_334] : memref<16x4x128xf32, #tpu.memory_space<vmem>> -> memref<1x4x128xf32, #tpu.memory_space<vmem>>
    %dma_start3A_336 = tpu.memref_squeeze %dma_start3A_335 : memref<1x4x128xf32, #tpu.memory_space<vmem>> -> memref<4x128xf32, #tpu.memory_space<vmem>>
    %dma_start3A_337 = arith.constant 0 : i32
    %dma_start3A_338 = arith.constant 0 : i32
    %dma_start3A_339 = tpu.memref_slice %arg4[%add3A_323, %dma_start3A_337, %dma_start3A_338] : memref<32x200x128xf32, #tpu.memory_space<hbm>> -> memref<1x4x128xf32, #tpu.memory_space<hbm>>
    %dma_start3A_340 = tpu.memref_squeeze %dma_start3A_339 : memref<1x4x128xf32, #tpu.memory_space<hbm>> -> memref<4x128xf32, #tpu.memory_space<hbm>>
    tpu.enqueue_dma source(%dma_start3A_340 : memref<4x128xf32, #tpu.memory_space<hbm>>) target(%dma_start3A_336 : memref<4x128xf32, #tpu.memory_space<vmem>>) target_semaphore(%arg10 : memref<!tpu.dma_semaphore, #tpu.memory_space<semaphore_mem>>)
    %mul3A_341 = arith.constant 16 : i32
    %mul3A_342 = arith.muli %arg0, %mul3A_341 : i32
    %add3A_343 = arith.constant 8 : i32
    %add3A_344 = arith.addi %mul3A_342, %add3A_343 : i32
    %dma_start3A_345 = arith.constant 8 : i32
    %dma_start3A_346 = arith.constant 0 : i32
    %dma_start3A_347 = arith.constant 0 : i32
    %dma_start3A_348 = tpu.memref_slice %arg8[%dma_start3A_345, %dma_start3A_346, %dma_start3A_347] : memref<16x4x128xf32, #tpu.memory_space<vmem>> -> memref<1x4x128xf32, #tpu.memory_space<vmem>>
    %dma_start3A_349 = tpu.memref_squeeze %dma_start3A_348 : memref<1x4x128xf32, #tpu.memory_space<vmem>> -> memref<4x128xf32, #tpu.memory_space<vmem>>
    %dma_start3A_350 = arith.constant 0 : i32
    %dma_start3A_351 = arith.constant 0 : i32
    %dma_start3A_352 = tpu.memref_slice %arg4[%add3A_344, %dma_start3A_350, %dma_start3A_351] : memref<32x200x128xf32, #tpu.memory_space<hbm>> -> memref<1x4x128xf32, #tpu.memory_space<hbm>>
    %dma_start3A_353 = tpu.memref_squeeze %dma_start3A_352 : memref<1x4x128xf32, #tpu.memory_space<hbm>> -> memref<4x128xf32, #tpu.memory_space<hbm>>
    %dma_start3A_354 = arith.constant 0 : i32
    %dma_start3A_355 = arith.constant 0 : i32
    %dma_start3A_356 = tpu.memref_slice %arg8[%dma_start3A_345, %dma_start3A_354, %dma_start3A_355] : memref<16x4x128xf32, #tpu.memory_space<vmem>> -> memref<1x4x128xf32, #tpu.memory_space<vmem>>
    %dma_start3A_357 = tpu.memref_squeeze %dma_start3A_356 : memref<1x4x128xf32, #tpu.memory_space<vmem>> -> memref<4x128xf32, #tpu.memory_space<vmem>>
    %dma_start3A_358 = arith.constant 0 : i32
    %dma_start3A_359 = arith.constant 0 : i32
    %dma_start3A_360 = tpu.memref_slice %arg4[%add3A_344, %dma_start3A_358, %dma_start3A_359] : memref<32x200x128xf32, #tpu.memory_space<hbm>> -> memref<1x4x128xf32, #tpu.memory_space<hbm>>
    %dma_start3A_361 = tpu.memref_squeeze %dma_start3A_360 : memref<1x4x128xf32, #tpu.memory_space<hbm>> -> memref<4x128xf32, #tpu.memory_space<hbm>>
    tpu.enqueue_dma source(%dma_start3A_361 : memref<4x128xf32, #tpu.memory_space<hbm>>) target(%dma_start3A_357 : memref<4x128xf32, #tpu.memory_space<vmem>>) target_semaphore(%arg10 : memref<!tpu.dma_semaphore, #tpu.memory_space<semaphore_mem>>)
    %mul3A_362 = arith.constant 16 : i32
    %mul3A_363 = arith.muli %arg0, %mul3A_362 : i32
    %add3A_364 = arith.constant 9 : i32
    %add3A_365 = arith.addi %mul3A_363, %add3A_364 : i32
    %dma_start3A_366 = arith.constant 9 : i32
    %dma_start3A_367 = arith.constant 0 : i32
    %dma_start3A_368 = arith.constant 0 : i32
    %dma_start3A_369 = tpu.memref_slice %arg8[%dma_start3A_366, %dma_start3A_367, %dma_start3A_368] : memref<16x4x128xf32, #tpu.memory_space<vmem>> -> memref<1x4x128xf32, #tpu.memory_space<vmem>>
    %dma_start3A_370 = tpu.memref_squeeze %dma_start3A_369 : memref<1x4x128xf32, #tpu.memory_space<vmem>> -> memref<4x128xf32, #tpu.memory_space<vmem>>
    %dma_start3A_371 = arith.constant 0 : i32
    %dma_start3A_372 = arith.constant 0 : i32
    %dma_start3A_373 = tpu.memref_slice %arg4[%add3A_365, %dma_start3A_371, %dma_start3A_372] : memref<32x200x128xf32, #tpu.memory_space<hbm>> -> memref<1x4x128xf32, #tpu.memory_space<hbm>>
    %dma_start3A_374 = tpu.memref_squeeze %dma_start3A_373 : memref<1x4x128xf32, #tpu.memory_space<hbm>> -> memref<4x128xf32, #tpu.memory_space<hbm>>
    %dma_start3A_375 = arith.constant 0 : i32
    %dma_start3A_376 = arith.constant 0 : i32
    %dma_start3A_377 = tpu.memref_slice %arg8[%dma_start3A_366, %dma_start3A_375, %dma_start3A_376] : memref<16x4x128xf32, #tpu.memory_space<vmem>> -> memref<1x4x128xf32, #tpu.memory_space<vmem>>
    %dma_start3A_378 = tpu.memref_squeeze %dma_start3A_377 : memref<1x4x128xf32, #tpu.memory_space<vmem>> -> memref<4x128xf32, #tpu.memory_space<vmem>>
    %dma_start3A_379 = arith.constant 0 : i32
    %dma_start3A_380 = arith.constant 0 : i32
    %dma_start3A_381 = tpu.memref_slice %arg4[%add3A_365, %dma_start3A_379, %dma_start3A_380] : memref<32x200x128xf32, #tpu.memory_space<hbm>> -> memref<1x4x128xf32, #tpu.memory_space<hbm>>
    %dma_start3A_382 = tpu.memref_squeeze %dma_start3A_381 : memref<1x4x128xf32, #tpu.memory_space<hbm>> -> memref<4x128xf32, #tpu.memory_space<hbm>>
    tpu.enqueue_dma source(%dma_start3A_382 : memref<4x128xf32, #tpu.memory_space<hbm>>) target(%dma_start3A_378 : memref<4x128xf32, #tpu.memory_space<vmem>>) target_semaphore(%arg10 : memref<!tpu.dma_semaphore, #tpu.memory_space<semaphore_mem>>)
    %mul3A_383 = arith.constant 16 : i32
    %mul3A_384 = arith.muli %arg0, %mul3A_383 : i32
    %add3A_385 = arith.constant 10 : i32
    %add3A_386 = arith.addi %mul3A_384, %add3A_385 : i32
    %dma_start3A_387 = arith.constant 10 : i32
    %dma_start3A_388 = arith.constant 0 : i32
    %dma_start3A_389 = arith.constant 0 : i32
    %dma_start3A_390 = tpu.memref_slice %arg8[%dma_start3A_387, %dma_start3A_388, %dma_start3A_389] : memref<16x4x128xf32, #tpu.memory_space<vmem>> -> memref<1x4x128xf32, #tpu.memory_space<vmem>>
    %dma_start3A_391 = tpu.memref_squeeze %dma_start3A_390 : memref<1x4x128xf32, #tpu.memory_space<vmem>> -> memref<4x128xf32, #tpu.memory_space<vmem>>
    %dma_start3A_392 = arith.constant 0 : i32
    %dma_start3A_393 = arith.constant 0 : i32
    %dma_start3A_394 = tpu.memref_slice %arg4[%add3A_386, %dma_start3A_392, %dma_start3A_393] : memref<32x200x128xf32, #tpu.memory_space<hbm>> -> memref<1x4x128xf32, #tpu.memory_space<hbm>>
    %dma_start3A_395 = tpu.memref_squeeze %dma_start3A_394 : memref<1x4x128xf32, #tpu.memory_space<hbm>> -> memref<4x128xf32, #tpu.memory_space<hbm>>
    %dma_start3A_396 = arith.constant 0 : i32
    %dma_start3A_397 = arith.constant 0 : i32
    %dma_start3A_398 = tpu.memref_slice %arg8[%dma_start3A_387, %dma_start3A_396, %dma_start3A_397] : memref<16x4x128xf32, #tpu.memory_space<vmem>> -> memref<1x4x128xf32, #tpu.memory_space<vmem>>
    %dma_start3A_399 = tpu.memref_squeeze %dma_start3A_398 : memref<1x4x128xf32, #tpu.memory_space<vmem>> -> memref<4x128xf32, #tpu.memory_space<vmem>>
    %dma_start3A_400 = arith.constant 0 : i32
    %dma_start3A_401 = arith.constant 0 : i32
    %dma_start3A_402 = tpu.memref_slice %arg4[%add3A_386, %dma_start3A_400, %dma_start3A_401] : memref<32x200x128xf32, #tpu.memory_space<hbm>> -> memref<1x4x128xf32, #tpu.memory_space<hbm>>
    %dma_start3A_403 = tpu.memref_squeeze %dma_start3A_402 : memref<1x4x128xf32, #tpu.memory_space<hbm>> -> memref<4x128xf32, #tpu.memory_space<hbm>>
    tpu.enqueue_dma source(%dma_start3A_403 : memref<4x128xf32, #tpu.memory_space<hbm>>) target(%dma_start3A_399 : memref<4x128xf32, #tpu.memory_space<vmem>>) target_semaphore(%arg10 : memref<!tpu.dma_semaphore, #tpu.memory_space<semaphore_mem>>)
    %mul3A_404 = arith.constant 16 : i32
    %mul3A_405 = arith.muli %arg0, %mul3A_404 : i32
    %add3A_406 = arith.constant 11 : i32
    %add3A_407 = arith.addi %mul3A_405, %add3A_406 : i32
    %dma_start3A_408 = arith.constant 11 : i32
    %dma_start3A_409 = arith.constant 0 : i32
    %dma_start3A_410 = arith.constant 0 : i32
    %dma_start3A_411 = tpu.memref_slice %arg8[%dma_start3A_408, %dma_start3A_409, %dma_start3A_410] : memref<16x4x128xf32, #tpu.memory_space<vmem>> -> memref<1x4x128xf32, #tpu.memory_space<vmem>>
    %dma_start3A_412 = tpu.memref_squeeze %dma_start3A_411 : memref<1x4x128xf32, #tpu.memory_space<vmem>> -> memref<4x128xf32, #tpu.memory_space<vmem>>
    %dma_start3A_413 = arith.constant 0 : i32
    %dma_start3A_414 = arith.constant 0 : i32
    %dma_start3A_415 = tpu.memref_slice %arg4[%add3A_407, %dma_start3A_413, %dma_start3A_414] : memref<32x200x128xf32, #tpu.memory_space<hbm>> -> memref<1x4x128xf32, #tpu.memory_space<hbm>>
    %dma_start3A_416 = tpu.memref_squeeze %dma_start3A_415 : memref<1x4x128xf32, #tpu.memory_space<hbm>> -> memref<4x128xf32, #tpu.memory_space<hbm>>
    %dma_start3A_417 = arith.constant 0 : i32
    %dma_start3A_418 = arith.constant 0 : i32
    %dma_start3A_419 = tpu.memref_slice %arg8[%dma_start3A_408, %dma_start3A_417, %dma_start3A_418] : memref<16x4x128xf32, #tpu.memory_space<vmem>> -> memref<1x4x128xf32, #tpu.memory_space<vmem>>
    %dma_start3A_420 = tpu.memref_squeeze %dma_start3A_419 : memref<1x4x128xf32, #tpu.memory_space<vmem>> -> memref<4x128xf32, #tpu.memory_space<vmem>>
    %dma_start3A_421 = arith.constant 0 : i32
    %dma_start3A_422 = arith.constant 0 : i32
    %dma_start3A_423 = tpu.memref_slice %arg4[%add3A_407, %dma_start3A_421, %dma_start3A_422] : memref<32x200x128xf32, #tpu.memory_space<hbm>> -> memref<1x4x128xf32, #tpu.memory_space<hbm>>
    %dma_start3A_424 = tpu.memref_squeeze %dma_start3A_423 : memref<1x4x128xf32, #tpu.memory_space<hbm>> -> memref<4x128xf32, #tpu.memory_space<hbm>>
    tpu.enqueue_dma source(%dma_start3A_424 : memref<4x128xf32, #tpu.memory_space<hbm>>) target(%dma_start3A_420 : memref<4x128xf32, #tpu.memory_space<vmem>>) target_semaphore(%arg10 : memref<!tpu.dma_semaphore, #tpu.memory_space<semaphore_mem>>)
    %mul3A_425 = arith.constant 16 : i32
    %mul3A_426 = arith.muli %arg0, %mul3A_425 : i32
    %add3A_427 = arith.constant 12 : i32
    %add3A_428 = arith.addi %mul3A_426, %add3A_427 : i32
    %dma_start3A_429 = arith.constant 12 : i32
    %dma_start3A_430 = arith.constant 0 : i32
    %dma_start3A_431 = arith.constant 0 : i32
    %dma_start3A_432 = tpu.memref_slice %arg8[%dma_start3A_429, %dma_start3A_430, %dma_start3A_431] : memref<16x4x128xf32, #tpu.memory_space<vmem>> -> memref<1x4x128xf32, #tpu.memory_space<vmem>>
    %dma_start3A_433 = tpu.memref_squeeze %dma_start3A_432 : memref<1x4x128xf32, #tpu.memory_space<vmem>> -> memref<4x128xf32, #tpu.memory_space<vmem>>
    %dma_start3A_434 = arith.constant 0 : i32
    %dma_start3A_435 = arith.constant 0 : i32
    %dma_start3A_436 = tpu.memref_slice %arg4[%add3A_428, %dma_start3A_434, %dma_start3A_435] : memref<32x200x128xf32, #tpu.memory_space<hbm>> -> memref<1x4x128xf32, #tpu.memory_space<hbm>>
    %dma_start3A_437 = tpu.memref_squeeze %dma_start3A_436 : memref<1x4x128xf32, #tpu.memory_space<hbm>> -> memref<4x128xf32, #tpu.memory_space<hbm>>
    %dma_start3A_438 = arith.constant 0 : i32
    %dma_start3A_439 = arith.constant 0 : i32
    %dma_start3A_440 = tpu.memref_slice %arg8[%dma_start3A_429, %dma_start3A_438, %dma_start3A_439] : memref<16x4x128xf32, #tpu.memory_space<vmem>> -> memref<1x4x128xf32, #tpu.memory_space<vmem>>
    %dma_start3A_441 = tpu.memref_squeeze %dma_start3A_440 : memref<1x4x128xf32, #tpu.memory_space<vmem>> -> memref<4x128xf32, #tpu.memory_space<vmem>>
    %dma_start3A_442 = arith.constant 0 : i32
    %dma_start3A_443 = arith.constant 0 : i32
    %dma_start3A_444 = tpu.memref_slice %arg4[%add3A_428, %dma_start3A_442, %dma_start3A_443] : memref<32x200x128xf32, #tpu.memory_space<hbm>> -> memref<1x4x128xf32, #tpu.memory_space<hbm>>
    %dma_start3A_445 = tpu.memref_squeeze %dma_start3A_444 : memref<1x4x128xf32, #tpu.memory_space<hbm>> -> memref<4x128xf32, #tpu.memory_space<hbm>>
    tpu.enqueue_dma source(%dma_start3A_445 : memref<4x128xf32, #tpu.memory_space<hbm>>) target(%dma_start3A_441 : memref<4x128xf32, #tpu.memory_space<vmem>>) target_semaphore(%arg10 : memref<!tpu.dma_semaphore, #tpu.memory_space<semaphore_mem>>)
    %mul3A_446 = arith.constant 16 : i32
    %mul3A_447 = arith.muli %arg0, %mul3A_446 : i32
    %add3A_448 = arith.constant 13 : i32
    %add3A_449 = arith.addi %mul3A_447, %add3A_448 : i32
    %dma_start3A_450 = arith.constant 13 : i32
    %dma_start3A_451 = arith.constant 0 : i32
    %dma_start3A_452 = arith.constant 0 : i32
    %dma_start3A_453 = tpu.memref_slice %arg8[%dma_start3A_450, %dma_start3A_451, %dma_start3A_452] : memref<16x4x128xf32, #tpu.memory_space<vmem>> -> memref<1x4x128xf32, #tpu.memory_space<vmem>>
    %dma_start3A_454 = tpu.memref_squeeze %dma_start3A_453 : memref<1x4x128xf32, #tpu.memory_space<vmem>> -> memref<4x128xf32, #tpu.memory_space<vmem>>
    %dma_start3A_455 = arith.constant 0 : i32
    %dma_start3A_456 = arith.constant 0 : i32
    %dma_start3A_457 = tpu.memref_slice %arg4[%add3A_449, %dma_start3A_455, %dma_start3A_456] : memref<32x200x128xf32, #tpu.memory_space<hbm>> -> memref<1x4x128xf32, #tpu.memory_space<hbm>>
    %dma_start3A_458 = tpu.memref_squeeze %dma_start3A_457 : memref<1x4x128xf32, #tpu.memory_space<hbm>> -> memref<4x128xf32, #tpu.memory_space<hbm>>
    %dma_start3A_459 = arith.constant 0 : i32
    %dma_start3A_460 = arith.constant 0 : i32
    %dma_start3A_461 = tpu.memref_slice %arg8[%dma_start3A_450, %dma_start3A_459, %dma_start3A_460] : memref<16x4x128xf32, #tpu.memory_space<vmem>> -> memref<1x4x128xf32, #tpu.memory_space<vmem>>
    %dma_start3A_462 = tpu.memref_squeeze %dma_start3A_461 : memref<1x4x128xf32, #tpu.memory_space<vmem>> -> memref<4x128xf32, #tpu.memory_space<vmem>>
    %dma_start3A_463 = arith.constant 0 : i32
    %dma_start3A_464 = arith.constant 0 : i32
    %dma_start3A_465 = tpu.memref_slice %arg4[%add3A_449, %dma_start3A_463, %dma_start3A_464] : memref<32x200x128xf32, #tpu.memory_space<hbm>> -> memref<1x4x128xf32, #tpu.memory_space<hbm>>
    %dma_start3A_466 = tpu.memref_squeeze %dma_start3A_465 : memref<1x4x128xf32, #tpu.memory_space<hbm>> -> memref<4x128xf32, #tpu.memory_space<hbm>>
    tpu.enqueue_dma source(%dma_start3A_466 : memref<4x128xf32, #tpu.memory_space<hbm>>) target(%dma_start3A_462 : memref<4x128xf32, #tpu.memory_space<vmem>>) target_semaphore(%arg10 : memref<!tpu.dma_semaphore, #tpu.memory_space<semaphore_mem>>)
    %mul3A_467 = arith.constant 16 : i32
    %mul3A_468 = arith.muli %arg0, %mul3A_467 : i32
    %add3A_469 = arith.constant 14 : i32
    %add3A_470 = arith.addi %mul3A_468, %add3A_469 : i32
    %dma_start3A_471 = arith.constant 14 : i32
    %dma_start3A_472 = arith.constant 0 : i32
    %dma_start3A_473 = arith.constant 0 : i32
    %dma_start3A_474 = tpu.memref_slice %arg8[%dma_start3A_471, %dma_start3A_472, %dma_start3A_473] : memref<16x4x128xf32, #tpu.memory_space<vmem>> -> memref<1x4x128xf32, #tpu.memory_space<vmem>>
    %dma_start3A_475 = tpu.memref_squeeze %dma_start3A_474 : memref<1x4x128xf32, #tpu.memory_space<vmem>> -> memref<4x128xf32, #tpu.memory_space<vmem>>
    %dma_start3A_476 = arith.constant 0 : i32
    %dma_start3A_477 = arith.constant 0 : i32
    %dma_start3A_478 = tpu.memref_slice %arg4[%add3A_470, %dma_start3A_476, %dma_start3A_477] : memref<32x200x128xf32, #tpu.memory_space<hbm>> -> memref<1x4x128xf32, #tpu.memory_space<hbm>>
    %dma_start3A_479 = tpu.memref_squeeze %dma_start3A_478 : memref<1x4x128xf32, #tpu.memory_space<hbm>> -> memref<4x128xf32, #tpu.memory_space<hbm>>
    %dma_start3A_480 = arith.constant 0 : i32
    %dma_start3A_481 = arith.constant 0 : i32
    %dma_start3A_482 = tpu.memref_slice %arg8[%dma_start3A_471, %dma_start3A_480, %dma_start3A_481] : memref<16x4x128xf32, #tpu.memory_space<vmem>> -> memref<1x4x128xf32, #tpu.memory_space<vmem>>
    %dma_start3A_483 = tpu.memref_squeeze %dma_start3A_482 : memref<1x4x128xf32, #tpu.memory_space<vmem>> -> memref<4x128xf32, #tpu.memory_space<vmem>>
    %dma_start3A_484 = arith.constant 0 : i32
    %dma_start3A_485 = arith.constant 0 : i32
    %dma_start3A_486 = tpu.memref_slice %arg4[%add3A_470, %dma_start3A_484, %dma_start3A_485] : memref<32x200x128xf32, #tpu.memory_space<hbm>> -> memref<1x4x128xf32, #tpu.memory_space<hbm>>
    %dma_start3A_487 = tpu.memref_squeeze %dma_start3A_486 : memref<1x4x128xf32, #tpu.memory_space<hbm>> -> memref<4x128xf32, #tpu.memory_space<hbm>>
    tpu.enqueue_dma source(%dma_start3A_487 : memref<4x128xf32, #tpu.memory_space<hbm>>) target(%dma_start3A_483 : memref<4x128xf32, #tpu.memory_space<vmem>>) target_semaphore(%arg10 : memref<!tpu.dma_semaphore, #tpu.memory_space<semaphore_mem>>)
    %mul3A_488 = arith.constant 16 : i32
    %mul3A_489 = arith.muli %arg0, %mul3A_488 : i32
    %add3A_490 = arith.constant 15 : i32
    %add3A_491 = arith.addi %mul3A_489, %add3A_490 : i32
    %dma_start3A_492 = arith.constant 15 : i32
    %dma_start3A_493 = arith.constant 0 : i32
    %dma_start3A_494 = arith.constant 0 : i32
    %dma_start3A_495 = tpu.memref_slice %arg8[%dma_start3A_492, %dma_start3A_493, %dma_start3A_494] : memref<16x4x128xf32, #tpu.memory_space<vmem>> -> memref<1x4x128xf32, #tpu.memory_space<vmem>>
    %dma_start3A_496 = tpu.memref_squeeze %dma_start3A_495 : memref<1x4x128xf32, #tpu.memory_space<vmem>> -> memref<4x128xf32, #tpu.memory_space<vmem>>
    %dma_start3A_497 = arith.constant 0 : i32
    %dma_start3A_498 = arith.constant 0 : i32
    %dma_start3A_499 = tpu.memref_slice %arg4[%add3A_491, %dma_start3A_497, %dma_start3A_498] : memref<32x200x128xf32, #tpu.memory_space<hbm>> -> memref<1x4x128xf32, #tpu.memory_space<hbm>>
    %dma_start3A_500 = tpu.memref_squeeze %dma_start3A_499 : memref<1x4x128xf32, #tpu.memory_space<hbm>> -> memref<4x128xf32, #tpu.memory_space<hbm>>
    %dma_start3A_501 = arith.constant 0 : i32
    %dma_start3A_502 = arith.constant 0 : i32
    %dma_start3A_503 = tpu.memref_slice %arg8[%dma_start3A_492, %dma_start3A_501, %dma_start3A_502] : memref<16x4x128xf32, #tpu.memory_space<vmem>> -> memref<1x4x128xf32, #tpu.memory_space<vmem>>
    %dma_start3A_504 = tpu.memref_squeeze %dma_start3A_503 : memref<1x4x128xf32, #tpu.memory_space<vmem>> -> memref<4x128xf32, #tpu.memory_space<vmem>>
    %dma_start3A_505 = arith.constant 0 : i32
    %dma_start3A_506 = arith.constant 0 : i32
    %dma_start3A_507 = tpu.memref_slice %arg4[%add3A_491, %dma_start3A_505, %dma_start3A_506] : memref<32x200x128xf32, #tpu.memory_space<hbm>> -> memref<1x4x128xf32, #tpu.memory_space<hbm>>
    %dma_start3A_508 = tpu.memref_squeeze %dma_start3A_507 : memref<1x4x128xf32, #tpu.memory_space<hbm>> -> memref<4x128xf32, #tpu.memory_space<hbm>>
    tpu.enqueue_dma source(%dma_start3A_508 : memref<4x128xf32, #tpu.memory_space<hbm>>) target(%dma_start3A_504 : memref<4x128xf32, #tpu.memory_space<vmem>>) target_semaphore(%arg10 : memref<!tpu.dma_semaphore, #tpu.memory_space<semaphore_mem>>)
    %mul3A_509 = arith.constant 16 : i32
    %mul3A_510 = arith.muli %arg0, %mul3A_509 : i32
    %add3A_511 = arith.constant 0 : i32
    %add3A_512 = arith.addi %mul3A_510, %add3A_511 : i32
    %dma_wait3A_513 = arith.constant 0 : i32
    %dma_wait3A_514 = arith.constant 0 : i32
    %dma_wait3A_515 = arith.constant 0 : i32
    %dma_wait3A_516 = tpu.memref_slice %arg8[%dma_wait3A_513, %dma_wait3A_514, %dma_wait3A_515] : memref<16x4x128xf32, #tpu.memory_space<vmem>> -> memref<1x4x128xf32, #tpu.memory_space<vmem>>
    %dma_wait3A_517 = tpu.memref_squeeze %dma_wait3A_516 : memref<1x4x128xf32, #tpu.memory_space<vmem>> -> memref<4x128xf32, #tpu.memory_space<vmem>>
    %dma_wait3A_518 = arith.constant 0 : i32
    %dma_wait3A_519 = arith.constant 0 : i32
    %dma_wait3A_520 = tpu.memref_slice %arg4[%add3A_512, %dma_wait3A_518, %dma_wait3A_519] : memref<32x200x128xf32, #tpu.memory_space<hbm>> -> memref<1x4x128xf32, #tpu.memory_space<hbm>>
    %dma_wait3A_521 = tpu.memref_squeeze %dma_wait3A_520 : memref<1x4x128xf32, #tpu.memory_space<hbm>> -> memref<4x128xf32, #tpu.memory_space<hbm>>
    %dma_wait3A_522 = arith.constant 0 : i32
    %dma_wait3A_523 = arith.constant 0 : i32
    %dma_wait3A_524 = tpu.memref_slice %arg8[%dma_wait3A_513, %dma_wait3A_522, %dma_wait3A_523] : memref<16x4x128xf32, #tpu.memory_space<vmem>> -> memref<1x4x128xf32, #tpu.memory_space<vmem>>
    %dma_wait3A_525 = tpu.memref_squeeze %dma_wait3A_524 : memref<1x4x128xf32, #tpu.memory_space<vmem>> -> memref<4x128xf32, #tpu.memory_space<vmem>>
    %dma_wait3A_526 = arith.constant 0 : i32
    %dma_wait3A_527 = arith.constant 0 : i32
    %dma_wait3A_528 = tpu.memref_slice %arg4[%add3A_512, %dma_wait3A_526, %dma_wait3A_527] : memref<32x200x128xf32, #tpu.memory_space<hbm>> -> memref<1x4x128xf32, #tpu.memory_space<hbm>>
    %dma_wait3A_529 = tpu.memref_squeeze %dma_wait3A_528 : memref<1x4x128xf32, #tpu.memory_space<hbm>> -> memref<4x128xf32, #tpu.memory_space<hbm>>
    tpu.wait_dma2 semaphore(%arg10 : memref<!tpu.dma_semaphore, #tpu.memory_space<semaphore_mem>>) src(%dma_wait3A_529 : memref<4x128xf32, #tpu.memory_space<hbm>>) dst(%dma_wait3A_525 : memref<4x128xf32, #tpu.memory_space<vmem>>)
    %mul3A_530 = arith.constant 16 : i32
    %mul3A_531 = arith.muli %arg0, %mul3A_530 : i32
    %add3A_532 = arith.constant 1 : i32
    %add3A_533 = arith.addi %mul3A_531, %add3A_532 : i32
    %dma_wait3A_534 = arith.constant 1 : i32
    %dma_wait3A_535 = arith.constant 0 : i32
    %dma_wait3A_536 = arith.constant 0 : i32
    %dma_wait3A_537 = tpu.memref_slice %arg8[%dma_wait3A_534, %dma_wait3A_535, %dma_wait3A_536] : memref<16x4x128xf32, #tpu.memory_space<vmem>> -> memref<1x4x128xf32, #tpu.memory_space<vmem>>
    %dma_wait3A_538 = tpu.memref_squeeze %dma_wait3A_537 : memref<1x4x128xf32, #tpu.memory_space<vmem>> -> memref<4x128xf32, #tpu.memory_space<vmem>>
    %dma_wait3A_539 = arith.constant 0 : i32
    %dma_wait3A_540 = arith.constant 0 : i32
    %dma_wait3A_541 = tpu.memref_slice %arg4[%add3A_533, %dma_wait3A_539, %dma_wait3A_540] : memref<32x200x128xf32, #tpu.memory_space<hbm>> -> memref<1x4x128xf32, #tpu.memory_space<hbm>>
    %dma_wait3A_542 = tpu.memref_squeeze %dma_wait3A_541 : memref<1x4x128xf32, #tpu.memory_space<hbm>> -> memref<4x128xf32, #tpu.memory_space<hbm>>
    %dma_wait3A_543 = arith.constant 0 : i32
    %dma_wait3A_544 = arith.constant 0 : i32
    %dma_wait3A_545 = tpu.memref_slice %arg8[%dma_wait3A_534, %dma_wait3A_543, %dma_wait3A_544] : memref<16x4x128xf32, #tpu.memory_space<vmem>> -> memref<1x4x128xf32, #tpu.memory_space<vmem>>
    %dma_wait3A_546 = tpu.memref_squeeze %dma_wait3A_545 : memref<1x4x128xf32, #tpu.memory_space<vmem>> -> memref<4x128xf32, #tpu.memory_space<vmem>>
    %dma_wait3A_547 = arith.constant 0 : i32
    %dma_wait3A_548 = arith.constant 0 : i32
    %dma_wait3A_549 = tpu.memref_slice %arg4[%add3A_533, %dma_wait3A_547, %dma_wait3A_548] : memref<32x200x128xf32, #tpu.memory_space<hbm>> -> memref<1x4x128xf32, #tpu.memory_space<hbm>>
    %dma_wait3A_550 = tpu.memref_squeeze %dma_wait3A_549 : memref<1x4x128xf32, #tpu.memory_space<hbm>> -> memref<4x128xf32, #tpu.memory_space<hbm>>
    tpu.wait_dma2 semaphore(%arg10 : memref<!tpu.dma_semaphore, #tpu.memory_space<semaphore_mem>>) src(%dma_wait3A_550 : memref<4x128xf32, #tpu.memory_space<hbm>>) dst(%dma_wait3A_546 : memref<4x128xf32, #tpu.memory_space<vmem>>)
    %mul3A_551 = arith.constant 16 : i32
    %mul3A_552 = arith.muli %arg0, %mul3A_551 : i32
    %add3A_553 = arith.constant 2 : i32
    %add3A_554 = arith.addi %mul3A_552, %add3A_553 : i32
    %dma_wait3A_555 = arith.constant 2 : i32
    %dma_wait3A_556 = arith.constant 0 : i32
    %dma_wait3A_557 = arith.constant 0 : i32
    %dma_wait3A_558 = tpu.memref_slice %arg8[%dma_wait3A_555, %dma_wait3A_556, %dma_wait3A_557] : memref<16x4x128xf32, #tpu.memory_space<vmem>> -> memref<1x4x128xf32, #tpu.memory_space<vmem>>
    %dma_wait3A_559 = tpu.memref_squeeze %dma_wait3A_558 : memref<1x4x128xf32, #tpu.memory_space<vmem>> -> memref<4x128xf32, #tpu.memory_space<vmem>>
    %dma_wait3A_560 = arith.constant 0 : i32
    %dma_wait3A_561 = arith.constant 0 : i32
    %dma_wait3A_562 = tpu.memref_slice %arg4[%add3A_554, %dma_wait3A_560, %dma_wait3A_561] : memref<32x200x128xf32, #tpu.memory_space<hbm>> -> memref<1x4x128xf32, #tpu.memory_space<hbm>>
    %dma_wait3A_563 = tpu.memref_squeeze %dma_wait3A_562 : memref<1x4x128xf32, #tpu.memory_space<hbm>> -> memref<4x128xf32, #tpu.memory_space<hbm>>
    %dma_wait3A_564 = arith.constant 0 : i32
    %dma_wait3A_565 = arith.constant 0 : i32
    %dma_wait3A_566 = tpu.memref_slice %arg8[%dma_wait3A_555, %dma_wait3A_564, %dma_wait3A_565] : memref<16x4x128xf32, #tpu.memory_space<vmem>> -> memref<1x4x128xf32, #tpu.memory_space<vmem>>
    %dma_wait3A_567 = tpu.memref_squeeze %dma_wait3A_566 : memref<1x4x128xf32, #tpu.memory_space<vmem>> -> memref<4x128xf32, #tpu.memory_space<vmem>>
    %dma_wait3A_568 = arith.constant 0 : i32
    %dma_wait3A_569 = arith.constant 0 : i32
    %dma_wait3A_570 = tpu.memref_slice %arg4[%add3A_554, %dma_wait3A_568, %dma_wait3A_569] : memref<32x200x128xf32, #tpu.memory_space<hbm>> -> memref<1x4x128xf32, #tpu.memory_space<hbm>>
    %dma_wait3A_571 = tpu.memref_squeeze %dma_wait3A_570 : memref<1x4x128xf32, #tpu.memory_space<hbm>> -> memref<4x128xf32, #tpu.memory_space<hbm>>
    tpu.wait_dma2 semaphore(%arg10 : memref<!tpu.dma_semaphore, #tpu.memory_space<semaphore_mem>>) src(%dma_wait3A_571 : memref<4x128xf32, #tpu.memory_space<hbm>>) dst(%dma_wait3A_567 : memref<4x128xf32, #tpu.memory_space<vmem>>)
    %mul3A_572 = arith.constant 16 : i32
    %mul3A_573 = arith.muli %arg0, %mul3A_572 : i32
    %add3A_574 = arith.constant 3 : i32
    %add3A_575 = arith.addi %mul3A_573, %add3A_574 : i32
    %dma_wait3A_576 = arith.constant 3 : i32
    %dma_wait3A_577 = arith.constant 0 : i32
    %dma_wait3A_578 = arith.constant 0 : i32
    %dma_wait3A_579 = tpu.memref_slice %arg8[%dma_wait3A_576, %dma_wait3A_577, %dma_wait3A_578] : memref<16x4x128xf32, #tpu.memory_space<vmem>> -> memref<1x4x128xf32, #tpu.memory_space<vmem>>
    %dma_wait3A_580 = tpu.memref_squeeze %dma_wait3A_579 : memref<1x4x128xf32, #tpu.memory_space<vmem>> -> memref<4x128xf32, #tpu.memory_space<vmem>>
    %dma_wait3A_581 = arith.constant 0 : i32
    %dma_wait3A_582 = arith.constant 0 : i32
    %dma_wait3A_583 = tpu.memref_slice %arg4[%add3A_575, %dma_wait3A_581, %dma_wait3A_582] : memref<32x200x128xf32, #tpu.memory_space<hbm>> -> memref<1x4x128xf32, #tpu.memory_space<hbm>>
    %dma_wait3A_584 = tpu.memref_squeeze %dma_wait3A_583 : memref<1x4x128xf32, #tpu.memory_space<hbm>> -> memref<4x128xf32, #tpu.memory_space<hbm>>
    %dma_wait3A_585 = arith.constant 0 : i32
    %dma_wait3A_586 = arith.constant 0 : i32
    %dma_wait3A_587 = tpu.memref_slice %arg8[%dma_wait3A_576, %dma_wait3A_585, %dma_wait3A_586] : memref<16x4x128xf32, #tpu.memory_space<vmem>> -> memref<1x4x128xf32, #tpu.memory_space<vmem>>
    %dma_wait3A_588 = tpu.memref_squeeze %dma_wait3A_587 : memref<1x4x128xf32, #tpu.memory_space<vmem>> -> memref<4x128xf32, #tpu.memory_space<vmem>>
    %dma_wait3A_589 = arith.constant 0 : i32
    %dma_wait3A_590 = arith.constant 0 : i32
    %dma_wait3A_591 = tpu.memref_slice %arg4[%add3A_575, %dma_wait3A_589, %dma_wait3A_590] : memref<32x200x128xf32, #tpu.memory_space<hbm>> -> memref<1x4x128xf32, #tpu.memory_space<hbm>>
    %dma_wait3A_592 = tpu.memref_squeeze %dma_wait3A_591 : memref<1x4x128xf32, #tpu.memory_space<hbm>> -> memref<4x128xf32, #tpu.memory_space<hbm>>
    tpu.wait_dma2 semaphore(%arg10 : memref<!tpu.dma_semaphore, #tpu.memory_space<semaphore_mem>>) src(%dma_wait3A_592 : memref<4x128xf32, #tpu.memory_space<hbm>>) dst(%dma_wait3A_588 : memref<4x128xf32, #tpu.memory_space<vmem>>)
    %mul3A_593 = arith.constant 16 : i32
    %mul3A_594 = arith.muli %arg0, %mul3A_593 : i32
    %add3A_595 = arith.constant 4 : i32
    %add3A_596 = arith.addi %mul3A_594, %add3A_595 : i32
    %dma_wait3A_597 = arith.constant 4 : i32
    %dma_wait3A_598 = arith.constant 0 : i32
    %dma_wait3A_599 = arith.constant 0 : i32
    %dma_wait3A_600 = tpu.memref_slice %arg8[%dma_wait3A_597, %dma_wait3A_598, %dma_wait3A_599] : memref<16x4x128xf32, #tpu.memory_space<vmem>> -> memref<1x4x128xf32, #tpu.memory_space<vmem>>
    %dma_wait3A_601 = tpu.memref_squeeze %dma_wait3A_600 : memref<1x4x128xf32, #tpu.memory_space<vmem>> -> memref<4x128xf32, #tpu.memory_space<vmem>>
    %dma_wait3A_602 = arith.constant 0 : i32
    %dma_wait3A_603 = arith.constant 0 : i32
    %dma_wait3A_604 = tpu.memref_slice %arg4[%add3A_596, %dma_wait3A_602, %dma_wait3A_603] : memref<32x200x128xf32, #tpu.memory_space<hbm>> -> memref<1x4x128xf32, #tpu.memory_space<hbm>>
    %dma_wait3A_605 = tpu.memref_squeeze %dma_wait3A_604 : memref<1x4x128xf32, #tpu.memory_space<hbm>> -> memref<4x128xf32, #tpu.memory_space<hbm>>
    %dma_wait3A_606 = arith.constant 0 : i32
    %dma_wait3A_607 = arith.constant 0 : i32
    %dma_wait3A_608 = tpu.memref_slice %arg8[%dma_wait3A_597, %dma_wait3A_606, %dma_wait3A_607] : memref<16x4x128xf32, #tpu.memory_space<vmem>> -> memref<1x4x128xf32, #tpu.memory_space<vmem>>
    %dma_wait3A_609 = tpu.memref_squeeze %dma_wait3A_608 : memref<1x4x128xf32, #tpu.memory_space<vmem>> -> memref<4x128xf32, #tpu.memory_space<vmem>>
    %dma_wait3A_610 = arith.constant 0 : i32
    %dma_wait3A_611 = arith.constant 0 : i32
    %dma_wait3A_612 = tpu.memref_slice %arg4[%add3A_596, %dma_wait3A_610, %dma_wait3A_611] : memref<32x200x128xf32, #tpu.memory_space<hbm>> -> memref<1x4x128xf32, #tpu.memory_space<hbm>>
    %dma_wait3A_613 = tpu.memref_squeeze %dma_wait3A_612 : memref<1x4x128xf32, #tpu.memory_space<hbm>> -> memref<4x128xf32, #tpu.memory_space<hbm>>
    tpu.wait_dma2 semaphore(%arg10 : memref<!tpu.dma_semaphore, #tpu.memory_space<semaphore_mem>>) src(%dma_wait3A_613 : memref<4x128xf32, #tpu.memory_space<hbm>>) dst(%dma_wait3A_609 : memref<4x128xf32, #tpu.memory_space<vmem>>)
    %mul3A_614 = arith.constant 16 : i32
    %mul3A_615 = arith.muli %arg0, %mul3A_614 : i32
    %add3A_616 = arith.constant 5 : i32
    %add3A_617 = arith.addi %mul3A_615, %add3A_616 : i32
    %dma_wait3A_618 = arith.constant 5 : i32
    %dma_wait3A_619 = arith.constant 0 : i32
    %dma_wait3A_620 = arith.constant 0 : i32
    %dma_wait3A_621 = tpu.memref_slice %arg8[%dma_wait3A_618, %dma_wait3A_619, %dma_wait3A_620] : memref<16x4x128xf32, #tpu.memory_space<vmem>> -> memref<1x4x128xf32, #tpu.memory_space<vmem>>
    %dma_wait3A_622 = tpu.memref_squeeze %dma_wait3A_621 : memref<1x4x128xf32, #tpu.memory_space<vmem>> -> memref<4x128xf32, #tpu.memory_space<vmem>>
    %dma_wait3A_623 = arith.constant 0 : i32
    %dma_wait3A_624 = arith.constant 0 : i32
    %dma_wait3A_625 = tpu.memref_slice %arg4[%add3A_617, %dma_wait3A_623, %dma_wait3A_624] : memref<32x200x128xf32, #tpu.memory_space<hbm>> -> memref<1x4x128xf32, #tpu.memory_space<hbm>>
    %dma_wait3A_626 = tpu.memref_squeeze %dma_wait3A_625 : memref<1x4x128xf32, #tpu.memory_space<hbm>> -> memref<4x128xf32, #tpu.memory_space<hbm>>
    %dma_wait3A_627 = arith.constant 0 : i32
    %dma_wait3A_628 = arith.constant 0 : i32
    %dma_wait3A_629 = tpu.memref_slice %arg8[%dma_wait3A_618, %dma_wait3A_627, %dma_wait3A_628] : memref<16x4x128xf32, #tpu.memory_space<vmem>> -> memref<1x4x128xf32, #tpu.memory_space<vmem>>
    %dma_wait3A_630 = tpu.memref_squeeze %dma_wait3A_629 : memref<1x4x128xf32, #tpu.memory_space<vmem>> -> memref<4x128xf32, #tpu.memory_space<vmem>>
    %dma_wait3A_631 = arith.constant 0 : i32
    %dma_wait3A_632 = arith.constant 0 : i32
    %dma_wait3A_633 = tpu.memref_slice %arg4[%add3A_617, %dma_wait3A_631, %dma_wait3A_632] : memref<32x200x128xf32, #tpu.memory_space<hbm>> -> memref<1x4x128xf32, #tpu.memory_space<hbm>>
    %dma_wait3A_634 = tpu.memref_squeeze %dma_wait3A_633 : memref<1x4x128xf32, #tpu.memory_space<hbm>> -> memref<4x128xf32, #tpu.memory_space<hbm>>
    tpu.wait_dma2 semaphore(%arg10 : memref<!tpu.dma_semaphore, #tpu.memory_space<semaphore_mem>>) src(%dma_wait3A_634 : memref<4x128xf32, #tpu.memory_space<hbm>>) dst(%dma_wait3A_630 : memref<4x128xf32, #tpu.memory_space<vmem>>)
    %mul3A_635 = arith.constant 16 : i32
    %mul3A_636 = arith.muli %arg0, %mul3A_635 : i32
    %add3A_637 = arith.constant 6 : i32
    %add3A_638 = arith.addi %mul3A_636, %add3A_637 : i32
    %dma_wait3A_639 = arith.constant 6 : i32
    %dma_wait3A_640 = arith.constant 0 : i32
    %dma_wait3A_641 = arith.constant 0 : i32
    %dma_wait3A_642 = tpu.memref_slice %arg8[%dma_wait3A_639, %dma_wait3A_640, %dma_wait3A_641] : memref<16x4x128xf32, #tpu.memory_space<vmem>> -> memref<1x4x128xf32, #tpu.memory_space<vmem>>
    %dma_wait3A_643 = tpu.memref_squeeze %dma_wait3A_642 : memref<1x4x128xf32, #tpu.memory_space<vmem>> -> memref<4x128xf32, #tpu.memory_space<vmem>>
    %dma_wait3A_644 = arith.constant 0 : i32
    %dma_wait3A_645 = arith.constant 0 : i32
    %dma_wait3A_646 = tpu.memref_slice %arg4[%add3A_638, %dma_wait3A_644, %dma_wait3A_645] : memref<32x200x128xf32, #tpu.memory_space<hbm>> -> memref<1x4x128xf32, #tpu.memory_space<hbm>>
    %dma_wait3A_647 = tpu.memref_squeeze %dma_wait3A_646 : memref<1x4x128xf32, #tpu.memory_space<hbm>> -> memref<4x128xf32, #tpu.memory_space<hbm>>
    %dma_wait3A_648 = arith.constant 0 : i32
    %dma_wait3A_649 = arith.constant 0 : i32
    %dma_wait3A_650 = tpu.memref_slice %arg8[%dma_wait3A_639, %dma_wait3A_648, %dma_wait3A_649] : memref<16x4x128xf32, #tpu.memory_space<vmem>> -> memref<1x4x128xf32, #tpu.memory_space<vmem>>
    %dma_wait3A_651 = tpu.memref_squeeze %dma_wait3A_650 : memref<1x4x128xf32, #tpu.memory_space<vmem>> -> memref<4x128xf32, #tpu.memory_space<vmem>>
    %dma_wait3A_652 = arith.constant 0 : i32
    %dma_wait3A_653 = arith.constant 0 : i32
    %dma_wait3A_654 = tpu.memref_slice %arg4[%add3A_638, %dma_wait3A_652, %dma_wait3A_653] : memref<32x200x128xf32, #tpu.memory_space<hbm>> -> memref<1x4x128xf32, #tpu.memory_space<hbm>>
    %dma_wait3A_655 = tpu.memref_squeeze %dma_wait3A_654 : memref<1x4x128xf32, #tpu.memory_space<hbm>> -> memref<4x128xf32, #tpu.memory_space<hbm>>
    tpu.wait_dma2 semaphore(%arg10 : memref<!tpu.dma_semaphore, #tpu.memory_space<semaphore_mem>>) src(%dma_wait3A_655 : memref<4x128xf32, #tpu.memory_space<hbm>>) dst(%dma_wait3A_651 : memref<4x128xf32, #tpu.memory_space<vmem>>)
    %mul3A_656 = arith.constant 16 : i32
    %mul3A_657 = arith.muli %arg0, %mul3A_656 : i32
    %add3A_658 = arith.constant 7 : i32
    %add3A_659 = arith.addi %mul3A_657, %add3A_658 : i32
    %dma_wait3A_660 = arith.constant 7 : i32
    %dma_wait3A_661 = arith.constant 0 : i32
    %dma_wait3A_662 = arith.constant 0 : i32
    %dma_wait3A_663 = tpu.memref_slice %arg8[%dma_wait3A_660, %dma_wait3A_661, %dma_wait3A_662] : memref<16x4x128xf32, #tpu.memory_space<vmem>> -> memref<1x4x128xf32, #tpu.memory_space<vmem>>
    %dma_wait3A_664 = tpu.memref_squeeze %dma_wait3A_663 : memref<1x4x128xf32, #tpu.memory_space<vmem>> -> memref<4x128xf32, #tpu.memory_space<vmem>>
    %dma_wait3A_665 = arith.constant 0 : i32
    %dma_wait3A_666 = arith.constant 0 : i32
    %dma_wait3A_667 = tpu.memref_slice %arg4[%add3A_659, %dma_wait3A_665, %dma_wait3A_666] : memref<32x200x128xf32, #tpu.memory_space<hbm>> -> memref<1x4x128xf32, #tpu.memory_space<hbm>>
    %dma_wait3A_668 = tpu.memref_squeeze %dma_wait3A_667 : memref<1x4x128xf32, #tpu.memory_space<hbm>> -> memref<4x128xf32, #tpu.memory_space<hbm>>
    %dma_wait3A_669 = arith.constant 0 : i32
    %dma_wait3A_670 = arith.constant 0 : i32
    %dma_wait3A_671 = tpu.memref_slice %arg8[%dma_wait3A_660, %dma_wait3A_669, %dma_wait3A_670] : memref<16x4x128xf32, #tpu.memory_space<vmem>> -> memref<1x4x128xf32, #tpu.memory_space<vmem>>
    %dma_wait3A_672 = tpu.memref_squeeze %dma_wait3A_671 : memref<1x4x128xf32, #tpu.memory_space<vmem>> -> memref<4x128xf32, #tpu.memory_space<vmem>>
    %dma_wait3A_673 = arith.constant 0 : i32
    %dma_wait3A_674 = arith.constant 0 : i32
    %dma_wait3A_675 = tpu.memref_slice %arg4[%add3A_659, %dma_wait3A_673, %dma_wait3A_674] : memref<32x200x128xf32, #tpu.memory_space<hbm>> -> memref<1x4x128xf32, #tpu.memory_space<hbm>>
    %dma_wait3A_676 = tpu.memref_squeeze %dma_wait3A_675 : memref<1x4x128xf32, #tpu.memory_space<hbm>> -> memref<4x128xf32, #tpu.memory_space<hbm>>
    tpu.wait_dma2 semaphore(%arg10 : memref<!tpu.dma_semaphore, #tpu.memory_space<semaphore_mem>>) src(%dma_wait3A_676 : memref<4x128xf32, #tpu.memory_space<hbm>>) dst(%dma_wait3A_672 : memref<4x128xf32, #tpu.memory_space<vmem>>)
    %mul3A_677 = arith.constant 16 : i32
    %mul3A_678 = arith.muli %arg0, %mul3A_677 : i32
    %add3A_679 = arith.constant 8 : i32
    %add3A_680 = arith.addi %mul3A_678, %add3A_679 : i32
    %dma_wait3A_681 = arith.constant 8 : i32
    %dma_wait3A_682 = arith.constant 0 : i32
    %dma_wait3A_683 = arith.constant 0 : i32
    %dma_wait3A_684 = tpu.memref_slice %arg8[%dma_wait3A_681, %dma_wait3A_682, %dma_wait3A_683] : memref<16x4x128xf32, #tpu.memory_space<vmem>> -> memref<1x4x128xf32, #tpu.memory_space<vmem>>
    %dma_wait3A_685 = tpu.memref_squeeze %dma_wait3A_684 : memref<1x4x128xf32, #tpu.memory_space<vmem>> -> memref<4x128xf32, #tpu.memory_space<vmem>>
    %dma_wait3A_686 = arith.constant 0 : i32
    %dma_wait3A_687 = arith.constant 0 : i32
    %dma_wait3A_688 = tpu.memref_slice %arg4[%add3A_680, %dma_wait3A_686, %dma_wait3A_687] : memref<32x200x128xf32, #tpu.memory_space<hbm>> -> memref<1x4x128xf32, #tpu.memory_space<hbm>>
    %dma_wait3A_689 = tpu.memref_squeeze %dma_wait3A_688 : memref<1x4x128xf32, #tpu.memory_space<hbm>> -> memref<4x128xf32, #tpu.memory_space<hbm>>
    %dma_wait3A_690 = arith.constant 0 : i32
    %dma_wait3A_691 = arith.constant 0 : i32
    %dma_wait3A_692 = tpu.memref_slice %arg8[%dma_wait3A_681, %dma_wait3A_690, %dma_wait3A_691] : memref<16x4x128xf32, #tpu.memory_space<vmem>> -> memref<1x4x128xf32, #tpu.memory_space<vmem>>
    %dma_wait3A_693 = tpu.memref_squeeze %dma_wait3A_692 : memref<1x4x128xf32, #tpu.memory_space<vmem>> -> memref<4x128xf32, #tpu.memory_space<vmem>>
    %dma_wait3A_694 = arith.constant 0 : i32
    %dma_wait3A_695 = arith.constant 0 : i32
    %dma_wait3A_696 = tpu.memref_slice %arg4[%add3A_680, %dma_wait3A_694, %dma_wait3A_695] : memref<32x200x128xf32, #tpu.memory_space<hbm>> -> memref<1x4x128xf32, #tpu.memory_space<hbm>>
    %dma_wait3A_697 = tpu.memref_squeeze %dma_wait3A_696 : memref<1x4x128xf32, #tpu.memory_space<hbm>> -> memref<4x128xf32, #tpu.memory_space<hbm>>
    tpu.wait_dma2 semaphore(%arg10 : memref<!tpu.dma_semaphore, #tpu.memory_space<semaphore_mem>>) src(%dma_wait3A_697 : memref<4x128xf32, #tpu.memory_space<hbm>>) dst(%dma_wait3A_693 : memref<4x128xf32, #tpu.memory_space<vmem>>)
    %mul3A_698 = arith.constant 16 : i32
    %mul3A_699 = arith.muli %arg0, %mul3A_698 : i32
    %add3A_700 = arith.constant 9 : i32
    %add3A_701 = arith.addi %mul3A_699, %add3A_700 : i32
    %dma_wait3A_702 = arith.constant 9 : i32
    %dma_wait3A_703 = arith.constant 0 : i32
    %dma_wait3A_704 = arith.constant 0 : i32
    %dma_wait3A_705 = tpu.memref_slice %arg8[%dma_wait3A_702, %dma_wait3A_703, %dma_wait3A_704] : memref<16x4x128xf32, #tpu.memory_space<vmem>> -> memref<1x4x128xf32, #tpu.memory_space<vmem>>
    %dma_wait3A_706 = tpu.memref_squeeze %dma_wait3A_705 : memref<1x4x128xf32, #tpu.memory_space<vmem>> -> memref<4x128xf32, #tpu.memory_space<vmem>>
    %dma_wait3A_707 = arith.constant 0 : i32
    %dma_wait3A_708 = arith.constant 0 : i32
    %dma_wait3A_709 = tpu.memref_slice %arg4[%add3A_701, %dma_wait3A_707, %dma_wait3A_708] : memref<32x200x128xf32, #tpu.memory_space<hbm>> -> memref<1x4x128xf32, #tpu.memory_space<hbm>>
    %dma_wait3A_710 = tpu.memref_squeeze %dma_wait3A_709 : memref<1x4x128xf32, #tpu.memory_space<hbm>> -> memref<4x128xf32, #tpu.memory_space<hbm>>
    %dma_wait3A_711 = arith.constant 0 : i32
    %dma_wait3A_712 = arith.constant 0 : i32
    %dma_wait3A_713 = tpu.memref_slice %arg8[%dma_wait3A_702, %dma_wait3A_711, %dma_wait3A_712] : memref<16x4x128xf32, #tpu.memory_space<vmem>> -> memref<1x4x128xf32, #tpu.memory_space<vmem>>
    %dma_wait3A_714 = tpu.memref_squeeze %dma_wait3A_713 : memref<1x4x128xf32, #tpu.memory_space<vmem>> -> memref<4x128xf32, #tpu.memory_space<vmem>>
    %dma_wait3A_715 = arith.constant 0 : i32
    %dma_wait3A_716 = arith.constant 0 : i32
    %dma_wait3A_717 = tpu.memref_slice %arg4[%add3A_701, %dma_wait3A_715, %dma_wait3A_716] : memref<32x200x128xf32, #tpu.memory_space<hbm>> -> memref<1x4x128xf32, #tpu.memory_space<hbm>>
    %dma_wait3A_718 = tpu.memref_squeeze %dma_wait3A_717 : memref<1x4x128xf32, #tpu.memory_space<hbm>> -> memref<4x128xf32, #tpu.memory_space<hbm>>
    tpu.wait_dma2 semaphore(%arg10 : memref<!tpu.dma_semaphore, #tpu.memory_space<semaphore_mem>>) src(%dma_wait3A_718 : memref<4x128xf32, #tpu.memory_space<hbm>>) dst(%dma_wait3A_714 : memref<4x128xf32, #tpu.memory_space<vmem>>)
    %mul3A_719 = arith.constant 16 : i32
    %mul3A_720 = arith.muli %arg0, %mul3A_719 : i32
    %add3A_721 = arith.constant 10 : i32
    %add3A_722 = arith.addi %mul3A_720, %add3A_721 : i32
    %dma_wait3A_723 = arith.constant 10 : i32
    %dma_wait3A_724 = arith.constant 0 : i32
    %dma_wait3A_725 = arith.constant 0 : i32
    %dma_wait3A_726 = tpu.memref_slice %arg8[%dma_wait3A_723, %dma_wait3A_724, %dma_wait3A_725] : memref<16x4x128xf32, #tpu.memory_space<vmem>> -> memref<1x4x128xf32, #tpu.memory_space<vmem>>
    %dma_wait3A_727 = tpu.memref_squeeze %dma_wait3A_726 : memref<1x4x128xf32, #tpu.memory_space<vmem>> -> memref<4x128xf32, #tpu.memory_space<vmem>>
    %dma_wait3A_728 = arith.constant 0 : i32
    %dma_wait3A_729 = arith.constant 0 : i32
    %dma_wait3A_730 = tpu.memref_slice %arg4[%add3A_722, %dma_wait3A_728, %dma_wait3A_729] : memref<32x200x128xf32, #tpu.memory_space<hbm>> -> memref<1x4x128xf32, #tpu.memory_space<hbm>>
    %dma_wait3A_731 = tpu.memref_squeeze %dma_wait3A_730 : memref<1x4x128xf32, #tpu.memory_space<hbm>> -> memref<4x128xf32, #tpu.memory_space<hbm>>
    %dma_wait3A_732 = arith.constant 0 : i32
    %dma_wait3A_733 = arith.constant 0 : i32
    %dma_wait3A_734 = tpu.memref_slice %arg8[%dma_wait3A_723, %dma_wait3A_732, %dma_wait3A_733] : memref<16x4x128xf32, #tpu.memory_space<vmem>> -> memref<1x4x128xf32, #tpu.memory_space<vmem>>
    %dma_wait3A_735 = tpu.memref_squeeze %dma_wait3A_734 : memref<1x4x128xf32, #tpu.memory_space<vmem>> -> memref<4x128xf32, #tpu.memory_space<vmem>>
    %dma_wait3A_736 = arith.constant 0 : i32
    %dma_wait3A_737 = arith.constant 0 : i32
    %dma_wait3A_738 = tpu.memref_slice %arg4[%add3A_722, %dma_wait3A_736, %dma_wait3A_737] : memref<32x200x128xf32, #tpu.memory_space<hbm>> -> memref<1x4x128xf32, #tpu.memory_space<hbm>>
    %dma_wait3A_739 = tpu.memref_squeeze %dma_wait3A_738 : memref<1x4x128xf32, #tpu.memory_space<hbm>> -> memref<4x128xf32, #tpu.memory_space<hbm>>
    tpu.wait_dma2 semaphore(%arg10 : memref<!tpu.dma_semaphore, #tpu.memory_space<semaphore_mem>>) src(%dma_wait3A_739 : memref<4x128xf32, #tpu.memory_space<hbm>>) dst(%dma_wait3A_735 : memref<4x128xf32, #tpu.memory_space<vmem>>)
    %mul3A_740 = arith.constant 16 : i32
    %mul3A_741 = arith.muli %arg0, %mul3A_740 : i32
    %add3A_742 = arith.constant 11 : i32
    %add3A_743 = arith.addi %mul3A_741, %add3A_742 : i32
    %dma_wait3A_744 = arith.constant 11 : i32
    %dma_wait3A_745 = arith.constant 0 : i32
    %dma_wait3A_746 = arith.constant 0 : i32
    %dma_wait3A_747 = tpu.memref_slice %arg8[%dma_wait3A_744, %dma_wait3A_745, %dma_wait3A_746] : memref<16x4x128xf32, #tpu.memory_space<vmem>> -> memref<1x4x128xf32, #tpu.memory_space<vmem>>
    %dma_wait3A_748 = tpu.memref_squeeze %dma_wait3A_747 : memref<1x4x128xf32, #tpu.memory_space<vmem>> -> memref<4x128xf32, #tpu.memory_space<vmem>>
    %dma_wait3A_749 = arith.constant 0 : i32
    %dma_wait3A_750 = arith.constant 0 : i32
    %dma_wait3A_751 = tpu.memref_slice %arg4[%add3A_743, %dma_wait3A_749, %dma_wait3A_750] : memref<32x200x128xf32, #tpu.memory_space<hbm>> -> memref<1x4x128xf32, #tpu.memory_space<hbm>>
    %dma_wait3A_752 = tpu.memref_squeeze %dma_wait3A_751 : memref<1x4x128xf32, #tpu.memory_space<hbm>> -> memref<4x128xf32, #tpu.memory_space<hbm>>
    %dma_wait3A_753 = arith.constant 0 : i32
    %dma_wait3A_754 = arith.constant 0 : i32
    %dma_wait3A_755 = tpu.memref_slice %arg8[%dma_wait3A_744, %dma_wait3A_753, %dma_wait3A_754] : memref<16x4x128xf32, #tpu.memory_space<vmem>> -> memref<1x4x128xf32, #tpu.memory_space<vmem>>
    %dma_wait3A_756 = tpu.memref_squeeze %dma_wait3A_755 : memref<1x4x128xf32, #tpu.memory_space<vmem>> -> memref<4x128xf32, #tpu.memory_space<vmem>>
    %dma_wait3A_757 = arith.constant 0 : i32
    %dma_wait3A_758 = arith.constant 0 : i32
    %dma_wait3A_759 = tpu.memref_slice %arg4[%add3A_743, %dma_wait3A_757, %dma_wait3A_758] : memref<32x200x128xf32, #tpu.memory_space<hbm>> -> memref<1x4x128xf32, #tpu.memory_space<hbm>>
    %dma_wait3A_760 = tpu.memref_squeeze %dma_wait3A_759 : memref<1x4x128xf32, #tpu.memory_space<hbm>> -> memref<4x128xf32, #tpu.memory_space<hbm>>
    tpu.wait_dma2 semaphore(%arg10 : memref<!tpu.dma_semaphore, #tpu.memory_space<semaphore_mem>>) src(%dma_wait3A_760 : memref<4x128xf32, #tpu.memory_space<hbm>>) dst(%dma_wait3A_756 : memref<4x128xf32, #tpu.memory_space<vmem>>)
    %mul3A_761 = arith.constant 16 : i32
    %mul3A_762 = arith.muli %arg0, %mul3A_761 : i32
    %add3A_763 = arith.constant 12 : i32
    %add3A_764 = arith.addi %mul3A_762, %add3A_763 : i32
    %dma_wait3A_765 = arith.constant 12 : i32
    %dma_wait3A_766 = arith.constant 0 : i32
    %dma_wait3A_767 = arith.constant 0 : i32
    %dma_wait3A_768 = tpu.memref_slice %arg8[%dma_wait3A_765, %dma_wait3A_766, %dma_wait3A_767] : memref<16x4x128xf32, #tpu.memory_space<vmem>> -> memref<1x4x128xf32, #tpu.memory_space<vmem>>
    %dma_wait3A_769 = tpu.memref_squeeze %dma_wait3A_768 : memref<1x4x128xf32, #tpu.memory_space<vmem>> -> memref<4x128xf32, #tpu.memory_space<vmem>>
    %dma_wait3A_770 = arith.constant 0 : i32
    %dma_wait3A_771 = arith.constant 0 : i32
    %dma_wait3A_772 = tpu.memref_slice %arg4[%add3A_764, %dma_wait3A_770, %dma_wait3A_771] : memref<32x200x128xf32, #tpu.memory_space<hbm>> -> memref<1x4x128xf32, #tpu.memory_space<hbm>>
    %dma_wait3A_773 = tpu.memref_squeeze %dma_wait3A_772 : memref<1x4x128xf32, #tpu.memory_space<hbm>> -> memref<4x128xf32, #tpu.memory_space<hbm>>
    %dma_wait3A_774 = arith.constant 0 : i32
    %dma_wait3A_775 = arith.constant 0 : i32
    %dma_wait3A_776 = tpu.memref_slice %arg8[%dma_wait3A_765, %dma_wait3A_774, %dma_wait3A_775] : memref<16x4x128xf32, #tpu.memory_space<vmem>> -> memref<1x4x128xf32, #tpu.memory_space<vmem>>
    %dma_wait3A_777 = tpu.memref_squeeze %dma_wait3A_776 : memref<1x4x128xf32, #tpu.memory_space<vmem>> -> memref<4x128xf32, #tpu.memory_space<vmem>>
    %dma_wait3A_778 = arith.constant 0 : i32
    %dma_wait3A_779 = arith.constant 0 : i32
    %dma_wait3A_780 = tpu.memref_slice %arg4[%add3A_764, %dma_wait3A_778, %dma_wait3A_779] : memref<32x200x128xf32, #tpu.memory_space<hbm>> -> memref<1x4x128xf32, #tpu.memory_space<hbm>>
    %dma_wait3A_781 = tpu.memref_squeeze %dma_wait3A_780 : memref<1x4x128xf32, #tpu.memory_space<hbm>> -> memref<4x128xf32, #tpu.memory_space<hbm>>
    tpu.wait_dma2 semaphore(%arg10 : memref<!tpu.dma_semaphore, #tpu.memory_space<semaphore_mem>>) src(%dma_wait3A_781 : memref<4x128xf32, #tpu.memory_space<hbm>>) dst(%dma_wait3A_777 : memref<4x128xf32, #tpu.memory_space<vmem>>)
    %mul3A_782 = arith.constant 16 : i32
    %mul3A_783 = arith.muli %arg0, %mul3A_782 : i32
    %add3A_784 = arith.constant 13 : i32
    %add3A_785 = arith.addi %mul3A_783, %add3A_784 : i32
    %dma_wait3A_786 = arith.constant 13 : i32
    %dma_wait3A_787 = arith.constant 0 : i32
    %dma_wait3A_788 = arith.constant 0 : i32
    %dma_wait3A_789 = tpu.memref_slice %arg8[%dma_wait3A_786, %dma_wait3A_787, %dma_wait3A_788] : memref<16x4x128xf32, #tpu.memory_space<vmem>> -> memref<1x4x128xf32, #tpu.memory_space<vmem>>
    %dma_wait3A_790 = tpu.memref_squeeze %dma_wait3A_789 : memref<1x4x128xf32, #tpu.memory_space<vmem>> -> memref<4x128xf32, #tpu.memory_space<vmem>>
    %dma_wait3A_791 = arith.constant 0 : i32
    %dma_wait3A_792 = arith.constant 0 : i32
    %dma_wait3A_793 = tpu.memref_slice %arg4[%add3A_785, %dma_wait3A_791, %dma_wait3A_792] : memref<32x200x128xf32, #tpu.memory_space<hbm>> -> memref<1x4x128xf32, #tpu.memory_space<hbm>>
    %dma_wait3A_794 = tpu.memref_squeeze %dma_wait3A_793 : memref<1x4x128xf32, #tpu.memory_space<hbm>> -> memref<4x128xf32, #tpu.memory_space<hbm>>
    %dma_wait3A_795 = arith.constant 0 : i32
    %dma_wait3A_796 = arith.constant 0 : i32
    %dma_wait3A_797 = tpu.memref_slice %arg8[%dma_wait3A_786, %dma_wait3A_795, %dma_wait3A_796] : memref<16x4x128xf32, #tpu.memory_space<vmem>> -> memref<1x4x128xf32, #tpu.memory_space<vmem>>
    %dma_wait3A_798 = tpu.memref_squeeze %dma_wait3A_797 : memref<1x4x128xf32, #tpu.memory_space<vmem>> -> memref<4x128xf32, #tpu.memory_space<vmem>>
    %dma_wait3A_799 = arith.constant 0 : i32
    %dma_wait3A_800 = arith.constant 0 : i32
    %dma_wait3A_801 = tpu.memref_slice %arg4[%add3A_785, %dma_wait3A_799, %dma_wait3A_800] : memref<32x200x128xf32, #tpu.memory_space<hbm>> -> memref<1x4x128xf32, #tpu.memory_space<hbm>>
    %dma_wait3A_802 = tpu.memref_squeeze %dma_wait3A_801 : memref<1x4x128xf32, #tpu.memory_space<hbm>> -> memref<4x128xf32, #tpu.memory_space<hbm>>
    tpu.wait_dma2 semaphore(%arg10 : memref<!tpu.dma_semaphore, #tpu.memory_space<semaphore_mem>>) src(%dma_wait3A_802 : memref<4x128xf32, #tpu.memory_space<hbm>>) dst(%dma_wait3A_798 : memref<4x128xf32, #tpu.memory_space<vmem>>)
    %mul3A_803 = arith.constant 16 : i32
    %mul3A_804 = arith.muli %arg0, %mul3A_803 : i32
    %add3A_805 = arith.constant 14 : i32
    %add3A_806 = arith.addi %mul3A_804, %add3A_805 : i32
    %dma_wait3A_807 = arith.constant 14 : i32
    %dma_wait3A_808 = arith.constant 0 : i32
    %dma_wait3A_809 = arith.constant 0 : i32
    %dma_wait3A_810 = tpu.memref_slice %arg8[%dma_wait3A_807, %dma_wait3A_808, %dma_wait3A_809] : memref<16x4x128xf32, #tpu.memory_space<vmem>> -> memref<1x4x128xf32, #tpu.memory_space<vmem>>
    %dma_wait3A_811 = tpu.memref_squeeze %dma_wait3A_810 : memref<1x4x128xf32, #tpu.memory_space<vmem>> -> memref<4x128xf32, #tpu.memory_space<vmem>>
    %dma_wait3A_812 = arith.constant 0 : i32
    %dma_wait3A_813 = arith.constant 0 : i32
    %dma_wait3A_814 = tpu.memref_slice %arg4[%add3A_806, %dma_wait3A_812, %dma_wait3A_813] : memref<32x200x128xf32, #tpu.memory_space<hbm>> -> memref<1x4x128xf32, #tpu.memory_space<hbm>>
    %dma_wait3A_815 = tpu.memref_squeeze %dma_wait3A_814 : memref<1x4x128xf32, #tpu.memory_space<hbm>> -> memref<4x128xf32, #tpu.memory_space<hbm>>
    %dma_wait3A_816 = arith.constant 0 : i32
    %dma_wait3A_817 = arith.constant 0 : i32
    %dma_wait3A_818 = tpu.memref_slice %arg8[%dma_wait3A_807, %dma_wait3A_816, %dma_wait3A_817] : memref<16x4x128xf32, #tpu.memory_space<vmem>> -> memref<1x4x128xf32, #tpu.memory_space<vmem>>
    %dma_wait3A_819 = tpu.memref_squeeze %dma_wait3A_818 : memref<1x4x128xf32, #tpu.memory_space<vmem>> -> memref<4x128xf32, #tpu.memory_space<vmem>>
    %dma_wait3A_820 = arith.constant 0 : i32
    %dma_wait3A_821 = arith.constant 0 : i32
    %dma_wait3A_822 = tpu.memref_slice %arg4[%add3A_806, %dma_wait3A_820, %dma_wait3A_821] : memref<32x200x128xf32, #tpu.memory_space<hbm>> -> memref<1x4x128xf32, #tpu.memory_space<hbm>>
    %dma_wait3A_823 = tpu.memref_squeeze %dma_wait3A_822 : memref<1x4x128xf32, #tpu.memory_space<hbm>> -> memref<4x128xf32, #tpu.memory_space<hbm>>
    tpu.wait_dma2 semaphore(%arg10 : memref<!tpu.dma_semaphore, #tpu.memory_space<semaphore_mem>>) src(%dma_wait3A_823 : memref<4x128xf32, #tpu.memory_space<hbm>>) dst(%dma_wait3A_819 : memref<4x128xf32, #tpu.memory_space<vmem>>)
    %mul3A_824 = arith.constant 16 : i32
    %mul3A_825 = arith.muli %arg0, %mul3A_824 : i32
    %add3A_826 = arith.constant 15 : i32
    %add3A_827 = arith.addi %mul3A_825, %add3A_826 : i32
    %dma_wait3A_828 = arith.constant 15 : i32
    %dma_wait3A_829 = arith.constant 0 : i32
    %dma_wait3A_830 = arith.constant 0 : i32
    %dma_wait3A_831 = tpu.memref_slice %arg8[%dma_wait3A_828, %dma_wait3A_829, %dma_wait3A_830] : memref<16x4x128xf32, #tpu.memory_space<vmem>> -> memref<1x4x128xf32, #tpu.memory_space<vmem>>
    %dma_wait3A_832 = tpu.memref_squeeze %dma_wait3A_831 : memref<1x4x128xf32, #tpu.memory_space<vmem>> -> memref<4x128xf32, #tpu.memory_space<vmem>>
    %dma_wait3A_833 = arith.constant 0 : i32
    %dma_wait3A_834 = arith.constant 0 : i32
    %dma_wait3A_835 = tpu.memref_slice %arg4[%add3A_827, %dma_wait3A_833, %dma_wait3A_834] : memref<32x200x128xf32, #tpu.memory_space<hbm>> -> memref<1x4x128xf32, #tpu.memory_space<hbm>>
    %dma_wait3A_836 = tpu.memref_squeeze %dma_wait3A_835 : memref<1x4x128xf32, #tpu.memory_space<hbm>> -> memref<4x128xf32, #tpu.memory_space<hbm>>
    %dma_wait3A_837 = arith.constant 0 : i32
    %dma_wait3A_838 = arith.constant 0 : i32
    %dma_wait3A_839 = tpu.memref_slice %arg8[%dma_wait3A_828, %dma_wait3A_837, %dma_wait3A_838] : memref<16x4x128xf32, #tpu.memory_space<vmem>> -> memref<1x4x128xf32, #tpu.memory_space<vmem>>
    %dma_wait3A_840 = tpu.memref_squeeze %dma_wait3A_839 : memref<1x4x128xf32, #tpu.memory_space<vmem>> -> memref<4x128xf32, #tpu.memory_space<vmem>>
    %dma_wait3A_841 = arith.constant 0 : i32
    %dma_wait3A_842 = arith.constant 0 : i32
    %dma_wait3A_843 = tpu.memref_slice %arg4[%add3A_827, %dma_wait3A_841, %dma_wait3A_842] : memref<32x200x128xf32, #tpu.memory_space<hbm>> -> memref<1x4x128xf32, #tpu.memory_space<hbm>>
    %dma_wait3A_844 = tpu.memref_squeeze %dma_wait3A_843 : memref<1x4x128xf32, #tpu.memory_space<hbm>> -> memref<4x128xf32, #tpu.memory_space<hbm>>
    tpu.wait_dma2 semaphore(%arg10 : memref<!tpu.dma_semaphore, #tpu.memory_space<semaphore_mem>>) src(%dma_wait3A_844 : memref<4x128xf32, #tpu.memory_space<hbm>>) dst(%dma_wait3A_840 : memref<4x128xf32, #tpu.memory_space<vmem>>)
    %barrier3A_845 = arith.constant 0 : index
    tpu.barrier barrier_id(%barrier3A_845)
    %iota3A = tpu.iota {dimensions = array<i32: 0>} : vector<16xi32>
    %scan3A_846 = arith.constant 0 : i32
    %scan3A_847 = arith.constant 0 : i32
    %scan3A_848 = arith.constant 25 : i32
    %scan3A_849 = arith.addi %scan3A_847, %scan3A_848 : i32
    %scan3A_850 = arith.constant 1 : i32
    scf.for %scan3A_852 = %scan3A_847 to %scan3A_849 step %scan3A_850  : i32 {
      %jit3A = arith.constant 8 : i32
      %div3A = arith.divsi %scan3A_852, %jit3A : i32
      %sign3A = arith.constant 0 : i32
      %sign3A_853 = arith.cmpi sgt, %scan3A_852, %sign3A : i32
      %sign3A_854 = arith.extui %sign3A_853 : i1 to i32
      %sign3A_855 = arith.constant 0 : i32
      %sign3A_856 = arith.cmpi slt, %scan3A_852, %sign3A_855 : i32
      %sign3A_857 = arith.extui %sign3A_856 : i1 to i32
      %sign3A_858 = arith.subi %sign3A_854, %sign3A_857 : i32
      %sign3A_859 = arith.constant 0 : i32
      %sign3A_860 = arith.cmpi sgt, %jit3A, %sign3A_859 : i32
      %sign3A_861 = arith.extui %sign3A_860 : i1 to i32
      %sign3A_862 = arith.constant 0 : i32
      %sign3A_863 = arith.cmpi slt, %jit3A, %sign3A_862 : i32
      %sign3A_864 = arith.extui %sign3A_863 : i1 to i32
      %sign3A_865 = arith.subi %sign3A_861, %sign3A_864 : i32
      %ne3A = arith.cmpi ne, %sign3A_858, %sign3A_865 : i32
      %rem3A = arith.remsi %scan3A_852, %jit3A : i32
      %ne3A_866 = arith.constant 0 : i32
      %ne3A_867 = arith.cmpi ne, %rem3A, %ne3A_866 : i32
      %and3A = arith.andi %ne3A, %ne3A_867 : i1
      %sub3A = arith.constant 1 : i32
      %sub3A_868 = arith.subi %div3A, %sub3A : i32
      %select_n3A = arith.select %and3A, %sub3A_868, %div3A : i32
      %jit3A_869 = arith.constant 8 : i32
      %eq3A_870 = arith.constant 0 : i32
      %eq3A_871 = arith.cmpi eq, %jit3A_869, %eq3A_870 : i32
      %jit3A_872 = arith.constant 1 : i32
      %select_n3A_873 = arith.select %eq3A_871, %jit3A_872, %jit3A_869 : i32
      %rem3A_874 = arith.remsi %scan3A_852, %select_n3A_873 : i32
      %ne3A_875 = arith.constant 0 : i32
      %ne3A_876 = arith.cmpi ne, %rem3A_874, %ne3A_875 : i32
      %lt3A = arith.constant 0 : i32
      %lt3A_877 = arith.cmpi slt, %rem3A_874, %lt3A : i32
      %lt3A_878 = arith.constant 0 : i32
      %lt3A_879 = arith.cmpi slt, %select_n3A_873, %lt3A_878 : i32
      %ne3A_880 = arith.xori %lt3A_877, %lt3A_879 : i1
      %and3A_881 = arith.andi %ne3A_880, %ne3A_876 : i1
      %add3A_882 = arith.addi %rem3A_874, %select_n3A_873 : i32
      %select_n3A_883 = arith.select %and3A_881, %add3A_882, %rem3A_874 : i32
      %mul3A_884 = arith.constant 16 : i32
      %mul3A_885 = arith.muli %select_n3A_883, %mul3A_884 : i32
      %get3A = arith.constant 0 : i32
      %get3A_886 = arith.index_cast %get3A : i32 to index
      %get3A_887 = arith.index_cast %select_n3A : i32 to index
      %get3A_888 = arith.index_cast %mul3A_885 : i32 to index
      %get3A_889 = tpu.vector_load %arg8[%get3A_886, %get3A_887, %get3A_888] {strides = array<i32>} : memref<16x4x128xf32, #tpu.memory_space<vmem>>, vector<1x1x16xf32>,
      %get3A_890 = vector.shape_cast %get3A_889 : vector<1x1x16xf32> to vector<16xf32>
      %get3A_891 = arith.constant 1 : i32
      %get3A_892 = arith.index_cast %get3A_891 : i32 to index
      %get3A_893 = arith.index_cast %select_n3A : i32 to index
      %get3A_894 = arith.index_cast %mul3A_885 : i32 to index
      %get3A_895 = tpu.vector_load %arg8[%get3A_892, %get3A_893, %get3A_894] {strides = array<i32>} : memref<16x4x128xf32, #tpu.memory_space<vmem>>, vector<1x1x16xf32>,
      %get3A_896 = vector.shape_cast %get3A_895 : vector<1x1x16xf32> to vector<16xf32>
      %add3A_897 = arith.addf %get3A_890, %get3A_896 : vector<16xf32>
      %get3A_898 = arith.constant 2 : i32
      %get3A_899 = arith.index_cast %get3A_898 : i32 to index
      %get3A_900 = arith.index_cast %select_n3A : i32 to index
      %get3A_901 = arith.index_cast %mul3A_885 : i32 to index
      %get3A_902 = tpu.vector_load %arg8[%get3A_899, %get3A_900, %get3A_901] {strides = array<i32>} : memref<16x4x128xf32, #tpu.memory_space<vmem>>, vector<1x1x16xf32>,
      %get3A_903 = vector.shape_cast %get3A_902 : vector<1x1x16xf32> to vector<16xf32>
      %add3A_904 = arith.addf %add3A_897, %get3A_903 : vector<16xf32>
      %get3A_905 = arith.constant 3 : i32
      %get3A_906 = arith.index_cast %get3A_905 : i32 to index
      %get3A_907 = arith.index_cast %select_n3A : i32 to index
      %get3A_908 = arith.index_cast %mul3A_885 : i32 to index
      %get3A_909 = tpu.vector_load %arg8[%get3A_906, %get3A_907, %get3A_908] {strides = array<i32>} : memref<16x4x128xf32, #tpu.memory_space<vmem>>, vector<1x1x16xf32>,
      %get3A_910 = vector.shape_cast %get3A_909 : vector<1x1x16xf32> to vector<16xf32>
      %add3A_911 = arith.addf %add3A_904, %get3A_910 : vector<16xf32>
      %get3A_912 = arith.constant 4 : i32
      %get3A_913 = arith.index_cast %get3A_912 : i32 to index
      %get3A_914 = arith.index_cast %select_n3A : i32 to index
      %get3A_915 = arith.index_cast %mul3A_885 : i32 to index
      %get3A_916 = tpu.vector_load %arg8[%get3A_913, %get3A_914, %get3A_915] {strides = array<i32>} : memref<16x4x128xf32, #tpu.memory_space<vmem>>, vector<1x1x16xf32>,
      %get3A_917 = vector.shape_cast %get3A_916 : vector<1x1x16xf32> to vector<16xf32>
      %add3A_918 = arith.addf %add3A_911, %get3A_917 : vector<16xf32>
      %get3A_919 = arith.constant 5 : i32
      %get3A_920 = arith.index_cast %get3A_919 : i32 to index
      %get3A_921 = arith.index_cast %select_n3A : i32 to index
      %get3A_922 = arith.index_cast %mul3A_885 : i32 to index
      %get3A_923 = tpu.vector_load %arg8[%get3A_920, %get3A_921, %get3A_922] {strides = array<i32>} : memref<16x4x128xf32, #tpu.memory_space<vmem>>, vector<1x1x16xf32>,
      %get3A_924 = vector.shape_cast %get3A_923 : vector<1x1x16xf32> to vector<16xf32>
      %add3A_925 = arith.addf %add3A_918, %get3A_924 : vector<16xf32>
      %get3A_926 = arith.constant 6 : i32
      %get3A_927 = arith.index_cast %get3A_926 : i32 to index
      %get3A_928 = arith.index_cast %select_n3A : i32 to index
      %get3A_929 = arith.index_cast %mul3A_885 : i32 to index
      %get3A_930 = tpu.vector_load %arg8[%get3A_927, %get3A_928, %get3A_929] {strides = array<i32>} : memref<16x4x128xf32, #tpu.memory_space<vmem>>, vector<1x1x16xf32>,
      %get3A_931 = vector.shape_cast %get3A_930 : vector<1x1x16xf32> to vector<16xf32>
      %add3A_932 = arith.addf %add3A_925, %get3A_931 : vector<16xf32>
      %get3A_933 = arith.constant 7 : i32
      %get3A_934 = arith.index_cast %get3A_933 : i32 to index
      %get3A_935 = arith.index_cast %select_n3A : i32 to index
      %get3A_936 = arith.index_cast %mul3A_885 : i32 to index
      %get3A_937 = tpu.vector_load %arg8[%get3A_934, %get3A_935, %get3A_936] {strides = array<i32>} : memref<16x4x128xf32, #tpu.memory_space<vmem>>, vector<1x1x16xf32>,
      %get3A_938 = vector.shape_cast %get3A_937 : vector<1x1x16xf32> to vector<16xf32>
      %add3A_939 = arith.addf %add3A_932, %get3A_938 : vector<16xf32>
      %get3A_940 = arith.constant 8 : i32
      %get3A_941 = arith.index_cast %get3A_940 : i32 to index
      %get3A_942 = arith.index_cast %select_n3A : i32 to index
      %get3A_943 = arith.index_cast %mul3A_885 : i32 to index
      %get3A_944 = tpu.vector_load %arg8[%get3A_941, %get3A_942, %get3A_943] {strides = array<i32>} : memref<16x4x128xf32, #tpu.memory_space<vmem>>, vector<1x1x16xf32>,
      %get3A_945 = vector.shape_cast %get3A_944 : vector<1x1x16xf32> to vector<16xf32>
      %add3A_946 = arith.addf %add3A_939, %get3A_945 : vector<16xf32>
      %get3A_947 = arith.constant 9 : i32
      %get3A_948 = arith.index_cast %get3A_947 : i32 to index
      %get3A_949 = arith.index_cast %select_n3A : i32 to index
      %get3A_950 = arith.index_cast %mul3A_885 : i32 to index
      %get3A_951 = tpu.vector_load %arg8[%get3A_948, %get3A_949, %get3A_950] {strides = array<i32>} : memref<16x4x128xf32, #tpu.memory_space<vmem>>, vector<1x1x16xf32>,
      %get3A_952 = vector.shape_cast %get3A_951 : vector<1x1x16xf32> to vector<16xf32>
      %add3A_953 = arith.addf %add3A_946, %get3A_952 : vector<16xf32>
      %get3A_954 = arith.constant 10 : i32
      %get3A_955 = arith.index_cast %get3A_954 : i32 to index
      %get3A_956 = arith.index_cast %select_n3A : i32 to index
      %get3A_957 = arith.index_cast %mul3A_885 : i32 to index
      %get3A_958 = tpu.vector_load %arg8[%get3A_955, %get3A_956, %get3A_957] {strides = array<i32>} : memref<16x4x128xf32, #tpu.memory_space<vmem>>, vector<1x1x16xf32>,
      %get3A_959 = vector.shape_cast %get3A_958 : vector<1x1x16xf32> to vector<16xf32>
      %add3A_960 = arith.addf %add3A_953, %get3A_959 : vector<16xf32>
      %get3A_961 = arith.constant 11 : i32
      %get3A_962 = arith.index_cast %get3A_961 : i32 to index
      %get3A_963 = arith.index_cast %select_n3A : i32 to index
      %get3A_964 = arith.index_cast %mul3A_885 : i32 to index
      %get3A_965 = tpu.vector_load %arg8[%get3A_962, %get3A_963, %get3A_964] {strides = array<i32>} : memref<16x4x128xf32, #tpu.memory_space<vmem>>, vector<1x1x16xf32>,
      %get3A_966 = vector.shape_cast %get3A_965 : vector<1x1x16xf32> to vector<16xf32>
      %add3A_967 = arith.addf %add3A_960, %get3A_966 : vector<16xf32>
      %get3A_968 = arith.constant 12 : i32
      %get3A_969 = arith.index_cast %get3A_968 : i32 to index
      %get3A_970 = arith.index_cast %select_n3A : i32 to index
      %get3A_971 = arith.index_cast %mul3A_885 : i32 to index
      %get3A_972 = tpu.vector_load %arg8[%get3A_969, %get3A_970, %get3A_971] {strides = array<i32>} : memref<16x4x128xf32, #tpu.memory_space<vmem>>, vector<1x1x16xf32>,
      %get3A_973 = vector.shape_cast %get3A_972 : vector<1x1x16xf32> to vector<16xf32>
      %add3A_974 = arith.addf %add3A_967, %get3A_973 : vector<16xf32>
      %get3A_975 = arith.constant 13 : i32
      %get3A_976 = arith.index_cast %get3A_975 : i32 to index
      %get3A_977 = arith.index_cast %select_n3A : i32 to index
      %get3A_978 = arith.index_cast %mul3A_885 : i32 to index
      %get3A_979 = tpu.vector_load %arg8[%get3A_976, %get3A_977, %get3A_978] {strides = array<i32>} : memref<16x4x128xf32, #tpu.memory_space<vmem>>, vector<1x1x16xf32>,
      %get3A_980 = vector.shape_cast %get3A_979 : vector<1x1x16xf32> to vector<16xf32>
      %add3A_981 = arith.addf %add3A_974, %get3A_980 : vector<16xf32>
      %get3A_982 = arith.constant 14 : i32
      %get3A_983 = arith.index_cast %get3A_982 : i32 to index
      %get3A_984 = arith.index_cast %select_n3A : i32 to index
      %get3A_985 = arith.index_cast %mul3A_885 : i32 to index
      %get3A_986 = tpu.vector_load %arg8[%get3A_983, %get3A_984, %get3A_985] {strides = array<i32>} : memref<16x4x128xf32, #tpu.memory_space<vmem>>, vector<1x1x16xf32>,
      %get3A_987 = vector.shape_cast %get3A_986 : vector<1x1x16xf32> to vector<16xf32>
      %add3A_988 = arith.addf %add3A_981, %get3A_987 : vector<16xf32>
      %get3A_989 = arith.constant 15 : i32
      %get3A_990 = arith.index_cast %get3A_989 : i32 to index
      %get3A_991 = arith.index_cast %select_n3A : i32 to index
      %get3A_992 = arith.index_cast %mul3A_885 : i32 to index
      %get3A_993 = tpu.vector_load %arg8[%get3A_990, %get3A_991, %get3A_992] {strides = array<i32>} : memref<16x4x128xf32, #tpu.memory_space<vmem>>, vector<1x1x16xf32>,
      %get3A_994 = vector.shape_cast %get3A_993 : vector<1x1x16xf32> to vector<16xf32>
      %add3A_995 = arith.addf %add3A_988, %get3A_994 : vector<16xf32>
      %xor3A = arith.constant 1 : i32
      %xor3A_996 = vector.broadcast %xor3A : i32 to vector<16xi32>
      %xor3A_997 = arith.xori %iota3A, %xor3A_996 : vector<16xi32>
      %broadcast_in_dim3A = vector.shape_cast %xor3A_997 : vector<16xi32> to vector<16x1xi32>
      %gather3A = vector.shape_cast %broadcast_in_dim3A : vector<16x1xi32> to vector<16xi32>
      %gather3A_998 = tpu.dynamic_gather %add3A_995[%gather3A] in [0] : vector<16xf32>, vector<16xi32> -> vector<16xf32>
      %add3A_999 = arith.addf %add3A_995, %gather3A_998 : vector<16xf32>
      %xor3A_1000 = arith.constant 2 : i32
      %xor3A_1001 = vector.broadcast %xor3A_1000 : i32 to vector<16xi32>
      %xor3A_1002 = arith.xori %iota3A, %xor3A_1001 : vector<16xi32>
      %broadcast_in_dim3A_1003 = vector.shape_cast %xor3A_1002 : vector<16xi32> to vector<16x1xi32>
      %gather3A_1004 = vector.shape_cast %broadcast_in_dim3A_1003 : vector<16x1xi32> to vector<16xi32>
      %gather3A_1005 = tpu.dynamic_gather %add3A_999[%gather3A_1004] in [0] : vector<16xf32>, vector<16xi32> -> vector<16xf32>
      %add3A_1006 = arith.addf %add3A_999, %gather3A_1005 : vector<16xf32>
      %xor3A_1007 = arith.constant 4 : i32
      %xor3A_1008 = vector.broadcast %xor3A_1007 : i32 to vector<16xi32>
      %xor3A_1009 = arith.xori %iota3A, %xor3A_1008 : vector<16xi32>
      %broadcast_in_dim3A_1010 = vector.shape_cast %xor3A_1009 : vector<16xi32> to vector<16x1xi32>
      %gather3A_1011 = vector.shape_cast %broadcast_in_dim3A_1010 : vector<16x1xi32> to vector<16xi32>
      %gather3A_1012 = tpu.dynamic_gather %add3A_1006[%gather3A_1011] in [0] : vector<16xf32>, vector<16xi32> -> vector<16xf32>
      %add3A_1013 = arith.addf %add3A_1006, %gather3A_1012 : vector<16xf32>
      %xor3A_1014 = arith.constant 8 : i32
      %xor3A_1015 = vector.broadcast %xor3A_1014 : i32 to vector<16xi32>
      %xor3A_1016 = arith.xori %iota3A, %xor3A_1015 : vector<16xi32>
      %broadcast_in_dim3A_1017 = vector.shape_cast %xor3A_1016 : vector<16xi32> to vector<16x1xi32>
      %gather3A_1018 = vector.shape_cast %broadcast_in_dim3A_1017 : vector<16x1xi32> to vector<16xi32>
      %gather3A_1019 = tpu.dynamic_gather %add3A_1013[%gather3A_1018] in [0] : vector<16xf32>, vector<16xi32> -> vector<16xf32>
      %add3A_1020 = arith.addf %add3A_1013, %gather3A_1019 : vector<16xf32>
      %div3A_1021 = arith.constant 1.000000e+00 : f32
      %div3A_1022 = vector.broadcast %div3A_1021 : f32 to vector<16xf32>
      %div3A_1023 = arith.divf %div3A_1022, %add3A_1020 : vector<16xf32>
      %scan3A_1024 = arith.constant 0 : i32
      %scan3A_1025 = arith.constant 0 : i32
      %scan3A_1026 = arith.constant 4 : i32
      %scan3A_1027 = arith.addi %scan3A_1025, %scan3A_1026 : i32
      %scan3A_1028 = arith.constant 1 : i32
      scf.for %scan3A_1030 = %scan3A_1025 to %scan3A_1027 step %scan3A_1028  : i32 {
        %mul3A_1031 = arith.constant 8 : i32
        %mul3A_1032 = arith.muli %scan3A_852, %mul3A_1031 : i32
        %mul3A_1033 = arith.constant 2 : i32
        %mul3A_1034 = arith.muli %scan3A_1030, %mul3A_1033 : i32
        %add3A_1035 = arith.addi %mul3A_1032, %mul3A_1034 : i32
        %add3A_1036 = arith.constant 0 : i32
        %add3A_1037 = arith.addi %add3A_1035, %add3A_1036 : i32
        %get3A_1038 = arith.index_cast %add3A_1037 : i32 to index
        %get3A_1039 = arith.constant 0 : index
        %get3A_1040 = tpu.vector_load %arg6[%get3A_1038, %get3A_1039] {strides = array<i32>} : memref<200x128xf32, #tpu.memory_space<vmem>>, vector<1x16xf32>,
        %get3A_1041 = vector.shape_cast %get3A_1040 : vector<1x16xf32> to vector<16xf32>
        %add3A_1042 = arith.constant 0 : i32
        %add3A_1043 = arith.addi %add3A_1035, %add3A_1042 : i32
        %get3A_1044 = arith.index_cast %add3A_1043 : i32 to index
        %get3A_1045 = arith.constant 16 : index
        %get3A_1046 = tpu.vector_load %arg6[%get3A_1044, %get3A_1045] {strides = array<i32>} : memref<200x128xf32, #tpu.memory_space<vmem>>, vector<1x16xf32>,
        %get3A_1047 = vector.shape_cast %get3A_1046 : vector<1x16xf32> to vector<16xf32>
        %add3A_1048 = arith.constant 0 : i32
        %add3A_1049 = arith.addi %add3A_1035, %add3A_1048 : i32
        %get3A_1050 = arith.index_cast %add3A_1049 : i32 to index
        %get3A_1051 = arith.constant 32 : index
        %get3A_1052 = tpu.vector_load %arg6[%get3A_1050, %get3A_1051] {strides = array<i32>} : memref<200x128xf32, #tpu.memory_space<vmem>>, vector<1x16xf32>,
        %get3A_1053 = vector.shape_cast %get3A_1052 : vector<1x16xf32> to vector<16xf32>
        %add3A_1054 = arith.constant 0 : i32
        %add3A_1055 = arith.addi %add3A_1035, %add3A_1054 : i32
        %get3A_1056 = arith.index_cast %add3A_1055 : i32 to index
        %get3A_1057 = arith.constant 48 : index
        %get3A_1058 = tpu.vector_load %arg6[%get3A_1056, %get3A_1057] {strides = array<i32>} : memref<200x128xf32, #tpu.memory_space<vmem>>, vector<1x16xf32>,
        %get3A_1059 = vector.shape_cast %get3A_1058 : vector<1x16xf32> to vector<16xf32>
        %add3A_1060 = arith.constant 0 : i32
        %add3A_1061 = arith.addi %add3A_1035, %add3A_1060 : i32
        %get3A_1062 = arith.index_cast %add3A_1061 : i32 to index
        %get3A_1063 = arith.constant 64 : index
        %get3A_1064 = tpu.vector_load %arg6[%get3A_1062, %get3A_1063] {strides = array<i32>} : memref<200x128xf32, #tpu.memory_space<vmem>>, vector<1x16xf32>,
        %get3A_1065 = vector.shape_cast %get3A_1064 : vector<1x16xf32> to vector<16xf32>
        %add3A_1066 = arith.constant 0 : i32
        %add3A_1067 = arith.addi %add3A_1035, %add3A_1066 : i32
        %get3A_1068 = arith.index_cast %add3A_1067 : i32 to index
        %get3A_1069 = arith.constant 80 : index
        %get3A_1070 = tpu.vector_load %arg6[%get3A_1068, %get3A_1069] {strides = array<i32>} : memref<200x128xf32, #tpu.memory_space<vmem>>, vector<1x16xf32>,
        %get3A_1071 = vector.shape_cast %get3A_1070 : vector<1x16xf32> to vector<16xf32>
        %add3A_1072 = arith.constant 0 : i32
        %add3A_1073 = arith.addi %add3A_1035, %add3A_1072 : i32
        %get3A_1074 = arith.index_cast %add3A_1073 : i32 to index
        %get3A_1075 = arith.constant 96 : index
        %get3A_1076 = tpu.vector_load %arg6[%get3A_1074, %get3A_1075] {strides = array<i32>} : memref<200x128xf32, #tpu.memory_space<vmem>>, vector<1x16xf32>,
        %get3A_1077 = vector.shape_cast %get3A_1076 : vector<1x16xf32> to vector<16xf32>
        %add3A_1078 = arith.constant 0 : i32
        %add3A_1079 = arith.addi %add3A_1035, %add3A_1078 : i32
        %get3A_1080 = arith.index_cast %add3A_1079 : i32 to index
        %get3A_1081 = arith.constant 112 : index
        %get3A_1082 = tpu.vector_load %arg6[%get3A_1080, %get3A_1081] {strides = array<i32>} : memref<200x128xf32, #tpu.memory_space<vmem>>, vector<1x16xf32>,
        %get3A_1083 = vector.shape_cast %get3A_1082 : vector<1x16xf32> to vector<16xf32>
        %add3A_1084 = arith.constant 1 : i32
        %add3A_1085 = arith.addi %add3A_1035, %add3A_1084 : i32
        %get3A_1086 = arith.index_cast %add3A_1085 : i32 to index
        %get3A_1087 = arith.constant 0 : index
        %get3A_1088 = tpu.vector_load %arg6[%get3A_1086, %get3A_1087] {strides = array<i32>} : memref<200x128xf32, #tpu.memory_space<vmem>>, vector<1x16xf32>,
        %get3A_1089 = vector.shape_cast %get3A_1088 : vector<1x16xf32> to vector<16xf32>
        %add3A_1090 = arith.constant 1 : i32
        %add3A_1091 = arith.addi %add3A_1035, %add3A_1090 : i32
        %get3A_1092 = arith.index_cast %add3A_1091 : i32 to index
        %get3A_1093 = arith.constant 16 : index
        %get3A_1094 = tpu.vector_load %arg6[%get3A_1092, %get3A_1093] {strides = array<i32>} : memref<200x128xf32, #tpu.memory_space<vmem>>, vector<1x16xf32>,
        %get3A_1095 = vector.shape_cast %get3A_1094 : vector<1x16xf32> to vector<16xf32>
        %add3A_1096 = arith.constant 1 : i32
        %add3A_1097 = arith.addi %add3A_1035, %add3A_1096 : i32
        %get3A_1098 = arith.index_cast %add3A_1097 : i32 to index
        %get3A_1099 = arith.constant 32 : index
        %get3A_1100 = tpu.vector_load %arg6[%get3A_1098, %get3A_1099] {strides = array<i32>} : memref<200x128xf32, #tpu.memory_space<vmem>>, vector<1x16xf32>,
        %get3A_1101 = vector.shape_cast %get3A_1100 : vector<1x16xf32> to vector<16xf32>
        %add3A_1102 = arith.constant 1 : i32
        %add3A_1103 = arith.addi %add3A_1035, %add3A_1102 : i32
        %get3A_1104 = arith.index_cast %add3A_1103 : i32 to index
        %get3A_1105 = arith.constant 48 : index
        %get3A_1106 = tpu.vector_load %arg6[%get3A_1104, %get3A_1105] {strides = array<i32>} : memref<200x128xf32, #tpu.memory_space<vmem>>, vector<1x16xf32>,
        %get3A_1107 = vector.shape_cast %get3A_1106 : vector<1x16xf32> to vector<16xf32>
        %add3A_1108 = arith.constant 1 : i32
        %add3A_1109 = arith.addi %add3A_1035, %add3A_1108 : i32
        %get3A_1110 = arith.index_cast %add3A_1109 : i32 to index
        %get3A_1111 = arith.constant 64 : index
        %get3A_1112 = tpu.vector_load %arg6[%get3A_1110, %get3A_1111] {strides = array<i32>} : memref<200x128xf32, #tpu.memory_space<vmem>>, vector<1x16xf32>,
        %get3A_1113 = vector.shape_cast %get3A_1112 : vector<1x16xf32> to vector<16xf32>
        %add3A_1114 = arith.constant 1 : i32
        %add3A_1115 = arith.addi %add3A_1035, %add3A_1114 : i32
        %get3A_1116 = arith.index_cast %add3A_1115 : i32 to index
        %get3A_1117 = arith.constant 80 : index
        %get3A_1118 = tpu.vector_load %arg6[%get3A_1116, %get3A_1117] {strides = array<i32>} : memref<200x128xf32, #tpu.memory_space<vmem>>, vector<1x16xf32>,
        %get3A_1119 = vector.shape_cast %get3A_1118 : vector<1x16xf32> to vector<16xf32>
        %add3A_1120 = arith.constant 1 : i32
        %add3A_1121 = arith.addi %add3A_1035, %add3A_1120 : i32
        %get3A_1122 = arith.index_cast %add3A_1121 : i32 to index
        %get3A_1123 = arith.constant 96 : index
        %get3A_1124 = tpu.vector_load %arg6[%get3A_1122, %get3A_1123] {strides = array<i32>} : memref<200x128xf32, #tpu.memory_space<vmem>>, vector<1x16xf32>,
        %get3A_1125 = vector.shape_cast %get3A_1124 : vector<1x16xf32> to vector<16xf32>
        %add3A_1126 = arith.constant 1 : i32
        %add3A_1127 = arith.addi %add3A_1035, %add3A_1126 : i32
        %get3A_1128 = arith.index_cast %add3A_1127 : i32 to index
        %get3A_1129 = arith.constant 112 : index
        %get3A_1130 = tpu.vector_load %arg6[%get3A_1128, %get3A_1129] {strides = array<i32>} : memref<200x128xf32, #tpu.memory_space<vmem>>, vector<1x16xf32>,
        %get3A_1131 = vector.shape_cast %get3A_1130 : vector<1x16xf32> to vector<16xf32>
        %mul3A_1132 = arith.mulf %get3A_1041, %div3A_1023 : vector<16xf32>
        %add3A_1133 = arith.constant 0 : i32
        %add3A_1134 = arith.addi %add3A_1035, %add3A_1133 : i32
        %swap3A = arith.index_cast %add3A_1134 : i32 to index
        %swap3A_1135 = arith.constant 0 : index
        %swap3A_1136 = tpu.vector_load %arg6[%swap3A, %swap3A_1135] {strides = array<i32>} : memref<200x128xf32, #tpu.memory_space<vmem>>, vector<1x16xf32>,
        %swap3A_1137 = vector.shape_cast %swap3A_1136 : vector<1x16xf32> to vector<16xf32>
        %swap3A_1138 = vector.shape_cast %mul3A_1132 : vector<16xf32> to vector<1x16xf32>
        tpu.vector_store %arg6[%swap3A, %swap3A_1135], %swap3A_1138 {strides = array<i32>} : memref<200x128xf32, #tpu.memory_space<vmem>>, vector<1x16xf32>,
        %mul3A_1139 = arith.mulf %get3A_1047, %div3A_1023 : vector<16xf32>
        %add3A_1140 = arith.constant 0 : i32
        %add3A_1141 = arith.addi %add3A_1035, %add3A_1140 : i32
        %swap3A_1142 = arith.index_cast %add3A_1141 : i32 to index
        %swap3A_1143 = arith.constant 16 : index
        %swap3A_1144 = tpu.vector_load %arg6[%swap3A_1142, %swap3A_1143] {strides = array<i32>} : memref<200x128xf32, #tpu.memory_space<vmem>>, vector<1x16xf32>,
        %swap3A_1145 = vector.shape_cast %swap3A_1144 : vector<1x16xf32> to vector<16xf32>
        %swap3A_1146 = vector.shape_cast %mul3A_1139 : vector<16xf32> to vector<1x16xf32>
        tpu.vector_store %arg6[%swap3A_1142, %swap3A_1143], %swap3A_1146 {strides = array<i32>} : memref<200x128xf32, #tpu.memory_space<vmem>>, vector<1x16xf32>,
        %mul3A_1147 = arith.mulf %get3A_1053, %div3A_1023 : vector<16xf32>
        %add3A_1148 = arith.constant 0 : i32
        %add3A_1149 = arith.addi %add3A_1035, %add3A_1148 : i32
        %swap3A_1150 = arith.index_cast %add3A_1149 : i32 to index
        %swap3A_1151 = arith.constant 32 : index
        %swap3A_1152 = tpu.vector_load %arg6[%swap3A_1150, %swap3A_1151] {strides = array<i32>} : memref<200x128xf32, #tpu.memory_space<vmem>>, vector<1x16xf32>,
        %swap3A_1153 = vector.shape_cast %swap3A_1152 : vector<1x16xf32> to vector<16xf32>
        %swap3A_1154 = vector.shape_cast %mul3A_1147 : vector<16xf32> to vector<1x16xf32>
        tpu.vector_store %arg6[%swap3A_1150, %swap3A_1151], %swap3A_1154 {strides = array<i32>} : memref<200x128xf32, #tpu.memory_space<vmem>>, vector<1x16xf32>,
        %mul3A_1155 = arith.mulf %get3A_1059, %div3A_1023 : vector<16xf32>
        %add3A_1156 = arith.constant 0 : i32
        %add3A_1157 = arith.addi %add3A_1035, %add3A_1156 : i32
        %swap3A_1158 = arith.index_cast %add3A_1157 : i32 to index
        %swap3A_1159 = arith.constant 48 : index
        %swap3A_1160 = tpu.vector_load %arg6[%swap3A_1158, %swap3A_1159] {strides = array<i32>} : memref<200x128xf32, #tpu.memory_space<vmem>>, vector<1x16xf32>,
        %swap3A_1161 = vector.shape_cast %swap3A_1160 : vector<1x16xf32> to vector<16xf32>
        %swap3A_1162 = vector.shape_cast %mul3A_1155 : vector<16xf32> to vector<1x16xf32>
        tpu.vector_store %arg6[%swap3A_1158, %swap3A_1159], %swap3A_1162 {strides = array<i32>} : memref<200x128xf32, #tpu.memory_space<vmem>>, vector<1x16xf32>,
        %mul3A_1163 = arith.mulf %get3A_1065, %div3A_1023 : vector<16xf32>
        %add3A_1164 = arith.constant 0 : i32
        %add3A_1165 = arith.addi %add3A_1035, %add3A_1164 : i32
        %swap3A_1166 = arith.index_cast %add3A_1165 : i32 to index
        %swap3A_1167 = arith.constant 64 : index
        %swap3A_1168 = tpu.vector_load %arg6[%swap3A_1166, %swap3A_1167] {strides = array<i32>} : memref<200x128xf32, #tpu.memory_space<vmem>>, vector<1x16xf32>,
        %swap3A_1169 = vector.shape_cast %swap3A_1168 : vector<1x16xf32> to vector<16xf32>
        %swap3A_1170 = vector.shape_cast %mul3A_1163 : vector<16xf32> to vector<1x16xf32>
        tpu.vector_store %arg6[%swap3A_1166, %swap3A_1167], %swap3A_1170 {strides = array<i32>} : memref<200x128xf32, #tpu.memory_space<vmem>>, vector<1x16xf32>,
        %mul3A_1171 = arith.mulf %get3A_1071, %div3A_1023 : vector<16xf32>
        %add3A_1172 = arith.constant 0 : i32
        %add3A_1173 = arith.addi %add3A_1035, %add3A_1172 : i32
        %swap3A_1174 = arith.index_cast %add3A_1173 : i32 to index
        %swap3A_1175 = arith.constant 80 : index
        %swap3A_1176 = tpu.vector_load %arg6[%swap3A_1174, %swap3A_1175] {strides = array<i32>} : memref<200x128xf32, #tpu.memory_space<vmem>>, vector<1x16xf32>,
        %swap3A_1177 = vector.shape_cast %swap3A_1176 : vector<1x16xf32> to vector<16xf32>
        %swap3A_1178 = vector.shape_cast %mul3A_1171 : vector<16xf32> to vector<1x16xf32>
        tpu.vector_store %arg6[%swap3A_1174, %swap3A_1175], %swap3A_1178 {strides = array<i32>} : memref<200x128xf32, #tpu.memory_space<vmem>>, vector<1x16xf32>,
        %mul3A_1179 = arith.mulf %get3A_1077, %div3A_1023 : vector<16xf32>
        %add3A_1180 = arith.constant 0 : i32
        %add3A_1181 = arith.addi %add3A_1035, %add3A_1180 : i32
        %swap3A_1182 = arith.index_cast %add3A_1181 : i32 to index
        %swap3A_1183 = arith.constant 96 : index
        %swap3A_1184 = tpu.vector_load %arg6[%swap3A_1182, %swap3A_1183] {strides = array<i32>} : memref<200x128xf32, #tpu.memory_space<vmem>>, vector<1x16xf32>,
        %swap3A_1185 = vector.shape_cast %swap3A_1184 : vector<1x16xf32> to vector<16xf32>
        %swap3A_1186 = vector.shape_cast %mul3A_1179 : vector<16xf32> to vector<1x16xf32>
        tpu.vector_store %arg6[%swap3A_1182, %swap3A_1183], %swap3A_1186 {strides = array<i32>} : memref<200x128xf32, #tpu.memory_space<vmem>>, vector<1x16xf32>,
        %mul3A_1187 = arith.mulf %get3A_1083, %div3A_1023 : vector<16xf32>
        %add3A_1188 = arith.constant 0 : i32
        %add3A_1189 = arith.addi %add3A_1035, %add3A_1188 : i32
        %swap3A_1190 = arith.index_cast %add3A_1189 : i32 to index
        %swap3A_1191 = arith.constant 112 : index
        %swap3A_1192 = tpu.vector_load %arg6[%swap3A_1190, %swap3A_1191] {strides = array<i32>} : memref<200x128xf32, #tpu.memory_space<vmem>>, vector<1x16xf32>,
        %swap3A_1193 = vector.shape_cast %swap3A_1192 : vector<1x16xf32> to vector<16xf32>
        %swap3A_1194 = vector.shape_cast %mul3A_1187 : vector<16xf32> to vector<1x16xf32>
        tpu.vector_store %arg6[%swap3A_1190, %swap3A_1191], %swap3A_1194 {strides = array<i32>} : memref<200x128xf32, #tpu.memory_space<vmem>>, vector<1x16xf32>,
        %mul3A_1195 = arith.mulf %get3A_1089, %div3A_1023 : vector<16xf32>
        %add3A_1196 = arith.constant 1 : i32
        %add3A_1197 = arith.addi %add3A_1035, %add3A_1196 : i32
        %swap3A_1198 = arith.index_cast %add3A_1197 : i32 to index
        %swap3A_1199 = arith.constant 0 : index
        %swap3A_1200 = tpu.vector_load %arg6[%swap3A_1198, %swap3A_1199] {strides = array<i32>} : memref<200x128xf32, #tpu.memory_space<vmem>>, vector<1x16xf32>,
        %swap3A_1201 = vector.shape_cast %swap3A_1200 : vector<1x16xf32> to vector<16xf32>
        %swap3A_1202 = vector.shape_cast %mul3A_1195 : vector<16xf32> to vector<1x16xf32>
        tpu.vector_store %arg6[%swap3A_1198, %swap3A_1199], %swap3A_1202 {strides = array<i32>} : memref<200x128xf32, #tpu.memory_space<vmem>>, vector<1x16xf32>,
        %mul3A_1203 = arith.mulf %get3A_1095, %div3A_1023 : vector<16xf32>
        %add3A_1204 = arith.constant 1 : i32
        %add3A_1205 = arith.addi %add3A_1035, %add3A_1204 : i32
        %swap3A_1206 = arith.index_cast %add3A_1205 : i32 to index
        %swap3A_1207 = arith.constant 16 : index
        %swap3A_1208 = tpu.vector_load %arg6[%swap3A_1206, %swap3A_1207] {strides = array<i32>} : memref<200x128xf32, #tpu.memory_space<vmem>>, vector<1x16xf32>,
        %swap3A_1209 = vector.shape_cast %swap3A_1208 : vector<1x16xf32> to vector<16xf32>
        %swap3A_1210 = vector.shape_cast %mul3A_1203 : vector<16xf32> to vector<1x16xf32>
        tpu.vector_store %arg6[%swap3A_1206, %swap3A_1207], %swap3A_1210 {strides = array<i32>} : memref<200x128xf32, #tpu.memory_space<vmem>>, vector<1x16xf32>,
        %mul3A_1211 = arith.mulf %get3A_1101, %div3A_1023 : vector<16xf32>
        %add3A_1212 = arith.constant 1 : i32
        %add3A_1213 = arith.addi %add3A_1035, %add3A_1212 : i32
        %swap3A_1214 = arith.index_cast %add3A_1213 : i32 to index
        %swap3A_1215 = arith.constant 32 : index
        %swap3A_1216 = tpu.vector_load %arg6[%swap3A_1214, %swap3A_1215] {strides = array<i32>} : memref<200x128xf32, #tpu.memory_space<vmem>>, vector<1x16xf32>,
        %swap3A_1217 = vector.shape_cast %swap3A_1216 : vector<1x16xf32> to vector<16xf32>
        %swap3A_1218 = vector.shape_cast %mul3A_1211 : vector<16xf32> to vector<1x16xf32>
        tpu.vector_store %arg6[%swap3A_1214, %swap3A_1215], %swap3A_1218 {strides = array<i32>} : memref<200x128xf32, #tpu.memory_space<vmem>>, vector<1x16xf32>,
        %mul3A_1219 = arith.mulf %get3A_1107, %div3A_1023 : vector<16xf32>
        %add3A_1220 = arith.constant 1 : i32
        %add3A_1221 = arith.addi %add3A_1035, %add3A_1220 : i32
        %swap3A_1222 = arith.index_cast %add3A_1221 : i32 to index
        %swap3A_1223 = arith.constant 48 : index
        %swap3A_1224 = tpu.vector_load %arg6[%swap3A_1222, %swap3A_1223] {strides = array<i32>} : memref<200x128xf32, #tpu.memory_space<vmem>>, vector<1x16xf32>,
        %swap3A_1225 = vector.shape_cast %swap3A_1224 : vector<1x16xf32> to vector<16xf32>
        %swap3A_1226 = vector.shape_cast %mul3A_1219 : vector<16xf32> to vector<1x16xf32>
        tpu.vector_store %arg6[%swap3A_1222, %swap3A_1223], %swap3A_1226 {strides = array<i32>} : memref<200x128xf32, #tpu.memory_space<vmem>>, vector<1x16xf32>,
        %mul3A_1227 = arith.mulf %get3A_1113, %div3A_1023 : vector<16xf32>
        %add3A_1228 = arith.constant 1 : i32
        %add3A_1229 = arith.addi %add3A_1035, %add3A_1228 : i32
        %swap3A_1230 = arith.index_cast %add3A_1229 : i32 to index
        %swap3A_1231 = arith.constant 64 : index
        %swap3A_1232 = tpu.vector_load %arg6[%swap3A_1230, %swap3A_1231] {strides = array<i32>} : memref<200x128xf32, #tpu.memory_space<vmem>>, vector<1x16xf32>,
        %swap3A_1233 = vector.shape_cast %swap3A_1232 : vector<1x16xf32> to vector<16xf32>
        %swap3A_1234 = vector.shape_cast %mul3A_1227 : vector<16xf32> to vector<1x16xf32>
        tpu.vector_store %arg6[%swap3A_1230, %swap3A_1231], %swap3A_1234 {strides = array<i32>} : memref<200x128xf32, #tpu.memory_space<vmem>>, vector<1x16xf32>,
        %mul3A_1235 = arith.mulf %get3A_1119, %div3A_1023 : vector<16xf32>
        %add3A_1236 = arith.constant 1 : i32
        %add3A_1237 = arith.addi %add3A_1035, %add3A_1236 : i32
        %swap3A_1238 = arith.index_cast %add3A_1237 : i32 to index
        %swap3A_1239 = arith.constant 80 : index
        %swap3A_1240 = tpu.vector_load %arg6[%swap3A_1238, %swap3A_1239] {strides = array<i32>} : memref<200x128xf32, #tpu.memory_space<vmem>>, vector<1x16xf32>,
        %swap3A_1241 = vector.shape_cast %swap3A_1240 : vector<1x16xf32> to vector<16xf32>
        %swap3A_1242 = vector.shape_cast %mul3A_1235 : vector<16xf32> to vector<1x16xf32>
        tpu.vector_store %arg6[%swap3A_1238, %swap3A_1239], %swap3A_1242 {strides = array<i32>} : memref<200x128xf32, #tpu.memory_space<vmem>>, vector<1x16xf32>,
        %mul3A_1243 = arith.mulf %get3A_1125, %div3A_1023 : vector<16xf32>
        %add3A_1244 = arith.constant 1 : i32
        %add3A_1245 = arith.addi %add3A_1035, %add3A_1244 : i32
        %swap3A_1246 = arith.index_cast %add3A_1245 : i32 to index
        %swap3A_1247 = arith.constant 96 : index
        %swap3A_1248 = tpu.vector_load %arg6[%swap3A_1246, %swap3A_1247] {strides = array<i32>} : memref<200x128xf32, #tpu.memory_space<vmem>>, vector<1x16xf32>,
        %swap3A_1249 = vector.shape_cast %swap3A_1248 : vector<1x16xf32> to vector<16xf32>
        %swap3A_1250 = vector.shape_cast %mul3A_1243 : vector<16xf32> to vector<1x16xf32>
        tpu.vector_store %arg6[%swap3A_1246, %swap3A_1247], %swap3A_1250 {strides = array<i32>} : memref<200x128xf32, #tpu.memory_space<vmem>>, vector<1x16xf32>,
        %mul3A_1251 = arith.mulf %get3A_1131, %div3A_1023 : vector<16xf32>
        %add3A_1252 = arith.constant 1 : i32
        %add3A_1253 = arith.addi %add3A_1035, %add3A_1252 : i32
        %swap3A_1254 = arith.index_cast %add3A_1253 : i32 to index
        %swap3A_1255 = arith.constant 112 : index
        %swap3A_1256 = tpu.vector_load %arg6[%swap3A_1254, %swap3A_1255] {strides = array<i32>} : memref<200x128xf32, #tpu.memory_space<vmem>>, vector<1x16xf32>,
        %swap3A_1257 = vector.shape_cast %swap3A_1256 : vector<1x16xf32> to vector<16xf32>
        %swap3A_1258 = vector.shape_cast %mul3A_1251 : vector<16xf32> to vector<1x16xf32>
        tpu.vector_store %arg6[%swap3A_1254, %swap3A_1255], %swap3A_1258 {strides = array<i32>} : memref<200x128xf32, #tpu.memory_space<vmem>>, vector<1x16xf32>,
      }
      %scan3A_1029 = arith.constant 4 : i32
    }
    %scan3A_851 = arith.constant 25 : i32
    "tpu.region"() ({
      %run_scoped3A = tpu.sem_alloc : memref<!tpu.dma_semaphore, #tpu.memory_space<semaphore_mem>>
      %dma_start3A_852 = arith.constant 0 : i32
      %dma_start3A_853 = arith.constant 0 : i32
      %dma_start3A_854 = tpu.memref_slice %arg4[%add3A, %dma_start3A_852, %dma_start3A_853] : memref<32x200x128xf32, #tpu.memory_space<hbm>> -> memref<1x200x128xf32, #tpu.memory_space<hbm>>
      %dma_start3A_855 = tpu.memref_squeeze %dma_start3A_854 : memref<1x200x128xf32, #tpu.memory_space<hbm>> -> memref<200x128xf32, #tpu.memory_space<hbm>>
      %dma_start3A_856 = arith.constant 0 : i32
      %dma_start3A_857 = arith.constant 0 : i32
      %dma_start3A_858 = tpu.memref_slice %arg4[%add3A, %dma_start3A_856, %dma_start3A_857] : memref<32x200x128xf32, #tpu.memory_space<hbm>> -> memref<1x200x128xf32, #tpu.memory_space<hbm>>
      %dma_start3A_859 = tpu.memref_squeeze %dma_start3A_858 : memref<1x200x128xf32, #tpu.memory_space<hbm>> -> memref<200x128xf32, #tpu.memory_space<hbm>>
      tpu.enqueue_dma source(%arg6 : memref<200x128xf32, #tpu.memory_space<vmem>>) target(%dma_start3A_859 : memref<200x128xf32, #tpu.memory_space<hbm>>) target_semaphore(%run_scoped3A : memref<!tpu.dma_semaphore, #tpu.memory_space<semaphore_mem>>)
      %dma_wait3A_860 = arith.constant 0 : i32
      %dma_wait3A_861 = arith.constant 0 : i32
      %dma_wait3A_862 = tpu.memref_slice %arg4[%add3A, %dma_wait3A_860, %dma_wait3A_861] : memref<32x200x128xf32, #tpu.memory_space<hbm>> -> memref<1x200x128xf32, #tpu.memory_space<hbm>>
      %dma_wait3A_863 = tpu.memref_squeeze %dma_wait3A_862 : memref<1x200x128xf32, #tpu.memory_space<hbm>> -> memref<200x128xf32, #tpu.memory_space<hbm>>
      %dma_wait3A_864 = arith.constant 0 : i32
      %dma_wait3A_865 = arith.constant 0 : i32
      %dma_wait3A_866 = tpu.memref_slice %arg4[%add3A, %dma_wait3A_864, %dma_wait3A_865] : memref<32x200x128xf32, #tpu.memory_space<hbm>> -> memref<1x200x128xf32, #tpu.memory_space<hbm>>
      %dma_wait3A_867 = tpu.memref_squeeze %dma_wait3A_866 : memref<1x200x128xf32, #tpu.memory_space<hbm>> -> memref<200x128xf32, #tpu.memory_space<hbm>>
      tpu.wait_dma2 semaphore(%run_scoped3A : memref<!tpu.dma_semaphore, #tpu.memory_space<semaphore_mem>>) src(%arg6 : memref<200x128xf32, #tpu.memory_space<vmem>>) dst(%dma_wait3A_867 : memref<200x128xf32, #tpu.memory_space<hbm>>)
      tpu.yield
    }) : () -> ()
    return
  }
}

</mosaic_0001>

<sc_bundles>
// kernel: kernel.3.cloned.1.call-start
scs
__scs_entry_jumppad:
0x0: {  	(pc) =	sbr.rel $0x88, $3  }
0x1: {  	(tag) =	ssettag $0x0;
	lr =	simm.s32 $0x1  }
0x2: {  	[smem:$0x3F9F] =	sst lr;
	_ =	strace $0xD0000000  }
0x3: {  	_ = 	snop  }
0x4: {  	_ = 	snop  }
0x5: {  	_ = 	snop  }
0x6: {  	_ = 	snop  }
0x7: {  	_ = 	snop  }
__scs_overlays_trampoline_lowered:
0x8: {  	[smem:$0x3FAE] =	sst s0  }
0x9: {  	[smem:$0x3FAF] =	sst s1  }
0xa: {  	[smem:$0x3FB0] =	sst s2  }
0xb: {  	[smem:$0x3FB1] =	sst s3  }
0xc: {  	[smem:$0x3FB2] =	sst s4  }
0xd: {  	[smem:$0x3FB3] =	sst s5  }
0xe: {  	[smem:$0x3FB4] =	sst s6  }
0xf: {  	[smem:$0x3FB5] =	sst s7  }
0x10: {  	[smem:$0x3FB6] =	sst s8  }
0x11: {  	[smem:$0x3FB7] =	sst s9;
	s0 =	simm.s32 @!p0 $0x0  }
0x12: {  	s1 =	sld [smem:$0x3F9D];
	s0 =	simm.s32 @p0 $0x1  }
0x13: {  	[smem:$0x3FB8] =	sst s0;
	s0 =	simm.s32 @!p1 $0x0  }
0x14: {  	s2 =	sld [smem:$0x3F9C];
	s0 =	simm.s32 @p1 $0x1  }
0x15: {  	[smem:$0x3FB9] =	sst s0;
	s0 =	simm.s32 @!p2 $0x0  }
0x16: {  	s3 =	sld [smem:$0x3FDB];
	s0 =	simm.s32 @p2 $0x1  }
0x17: {  	s4 =	simm.s32 $0x1BF5;
	[smem:$0x3FBB] =	sst s0  }
0x18: {  	s0 =	sld [smem:$0x3F9E];
	_ =	swait.ge [sflag:s4], $0x0  }
0x19: {  	s7 =	sld [smem:$0x3F9F]  }
0x1a: {  	s8 =	sadd.s32 $0xFFFFE003, lr  }
0x1b: {  	s9 =	sadd.s32 $0xFFFFFEF7, lr;
	s5 =	simm.s32 $0xFFFFFFFF;
	p2 =	slt.u32 s8, $0xFFFFF086  }
0x1c: {  	p1 =	slt.u32 s9, $0xF7A;
	s5 =	simm.s32 @!p2 $0x0  }
0x1d: {  	s5 =	simm.s32 @p1 $0x1;
	p0 =	seq.s32 s7, s2  }
0x1e: {  	s7 =	smul.u32 @!p0 $0xF7A, s2;
	p2 =	seq.s32 @!p0 s5, $0x0  }
0x1f: {  	s9 =	smul.u32 $0xF7A, s1;
	s8 =	simm.s32 @!p0 $0x1BF5;
	p2 =	por !p2, p0  }
0x20: {  	[sflag:s8] =	ssyncset.s32 @!p0 $0xFFFFF086;
	s6 =	sadd.s32 @!p0 s3, s7;
	s7 =	simm.s32 @!p0 $0x108  }
0x21: {  	s3 =	sadd.s32 s3, s9;
	s6 =	sadd.s32 @!p0 $0x88, s6;
	s7 =	simm.s32 @p2 $0x1082  }
0x22: {  	[simem:s7], [sflag:s8] =	dma.local @!p0 [hbm:s6], $0xF7A  }
0x23: {  	s9 =	sor.u32 $0xD0000000, s2;
	s6 =	simm.s32 $0x108;
	_ =	swait.ge @!p0 [sflag:s8], $0x0  }
0x24: {  	s3 =	sadd.s32 $0x88, s3;
	s6 =	simm.s32 @!p1 $0x1082;
	[sflag:s4] =	ssyncset.s32 $0xFFFFF086  }
0x25: {  	[simem:s6], [sflag:s4] =	dma.local [hbm:s3], $0xF7A  }
0x26: {  	[smem:$0x3F9F] =	sst s1;
	(tag) =	ssettag s2;
	_ =	strace s9  }
0x27: {  	s1 =	sld [smem:$0x3FAF]  }
0x28: {  	s2 =	sld [smem:$0x3FB0]  }
0x29: {  	s4 =	sld [smem:$0x3FB2]  }
0x2a: {  	p0 =	seq.s32 s5, $0x0;
	s5 =	sld [smem:$0x3FB3]  }
0x2b: {  	s6 =	sld [smem:$0x3FB4]  }
0x2c: {  	s7 =	sld [smem:$0x3FB5]  }
0x2d: {  	s3 =	simm.s32 $0x108;
	s8 =	sld [smem:$0x3FB6]  }
0x2e: {  	s3 =	simm.s32 @!p0 $0x1082;
	s9 =	sld [smem:$0x3FB7]  }
0x2f: {  	lr =	sadd.s32 s0, s3;
	s0 =	sld [smem:$0x3FAE]  }
0x30: {  	s3 =	sld [smem:$0x3FB1]  }
0x31: {  	[smem:$0x3FBA] =	sst s10  }
0x32: {  	s10 =	sld [smem:$0x3FB8];
	_ =	sdelay $0x3  }
0x33: {  	p0 =	seq.s32 s10, $0x1;
	s10 =	sld [smem:$0x3FBA];
	_ =	sdelay $0x3  }
0x34: {  	[smem:$0x3FBA] =	sst s10  }
0x35: {  	s10 =	sld [smem:$0x3FB9];
	_ =	sdelay $0x3  }
0x36: {  	p1 =	seq.s32 s10, $0x1;
	s10 =	sld [smem:$0x3FBA];
	_ =	sdelay $0x3  }
0x37: {  	[smem:$0x3FBA] =	sst s10  }
0x38: {  	s10 =	sld [smem:$0x3FBB]  }
0x39: {  	_ = 	snop;
	(pc) =	sbr.ind lr, $3  }
0x3a: {  	_ = 	snop  }
0x3b: {  	_ = 	snop  }
0x3c: {  	p2 =	seq.s32 s10, $0x1;
	s10 =	sld [smem:$0x3FBA]  }
0x3d: {  	_ =	shalt  }
0x3e: {  	_ =	shalt  }
0x3f: {  	_ =	shalt  }
0x40: {  	_ =	shalt  }
0x41: {  	_ =	shalt  }
0x42: {  	_ =	shalt  }
0x43: {  	_ =	shalt  }
0x44: {  	_ =	shalt  }
0x45: {  	_ =	shalt  }
0x46: {  	_ =	shalt  }
0x47: {  	_ =	shalt  }
0x48: {  	_ =	shalt  }
0x49: {  	_ =	shalt  }
0x4a: {  	_ =	shalt  }
0x4b: {  	_ =	shalt  }
0x4c: {  	_ =	shalt  }
0x4d: {  	_ =	shalt  }
0x4e: {  	_ =	shalt  }
0x4f: {  	_ =	shalt  }
0x50: {  	_ =	shalt  }
0x51: {  	_ =	shalt  }
0x52: {  	_ =	shalt  }
0x53: {  	_ =	shalt  }
0x54: {  	_ =	shalt  }
0x55: {  	_ =	shalt  }
0x56: {  	_ =	shalt  }
0x57: {  	_ =	shalt  }
0x58: {  	_ =	shalt  }
0x59: {  	_ =	shalt  }
0x5a: {  	_ =	shalt  }
0x5b: {  	_ =	shalt  }
0x5c: {  	_ =	shalt  }
0x5d: {  	_ =	shalt  }
0x5e: {  	_ =	shalt  }
0x5f: {  	_ =	shalt  }
0x60: {  	_ =	shalt  }
0x61: {  	_ =	shalt  }
0x62: {  	_ =	shalt  }
0x63: {  	_ =	shalt  }
0x64: {  	_ =	shalt  }
0x65: {  	_ =	shalt  }
0x66: {  	_ =	shalt  }
0x67: {  	_ =	shalt  }
0x68: {  	_ =	shalt  }
0x69: {  	_ =	shalt  }
0x6a: {  	_ =	shalt  }
0x6b: {  	_ =	shalt  }
0x6c: {  	_ =	shalt  }
0x6d: {  	_ =	shalt  }
0x6e: {  	_ =	shalt  }
0x6f: {  	_ =	shalt  }
0x70: {  	_ =	shalt  }
0x71: {  	_ =	shalt  }
0x72: {  	_ =	shalt  }
0x73: {  	_ =	shalt  }
0x74: {  	_ =	shalt  }
0x75: {  	_ =	shalt  }
0x76: {  	_ =	shalt  }
0x77: {  	_ =	shalt  }
0x78: {  	_ =	shalt  }
0x79: {  	_ =	shalt  }
0x7a: {  	_ =	shalt  }
0x7b: {  	_ =	shalt  }
0x7c: {  	_ =	shalt  }
0x7d: {  	_ =	shalt  }
0x7e: {  	_ =	shalt  }
0x7f: {  	_ =	shalt  }
0x80: {  	_ =	shalt  }
0x81: {  	_ =	shalt  }
0x82: {  	_ =	shalt  }
0x83: {  	_ =	shalt  }
0x84: {  	_ =	shalt  }
0x85: {  	_ =	shalt  }
0x86: {  	_ =	shalt  }
0x87: {  	_ =	shalt  }
.Lfunc_end0:
.L_simem_size_0:
called_computation_lowered:
.L_overlay_start_0:
0x88: {  	s2 =	sld [smem:$0x3FD9]  }
0x89: {  	s3 =	sld [smem:$0x3FFE];
	_ =	sdelay $0x1  }
0x8a: {  	s1 =	srdreg.scid  }
0x8b: {  	s0 =	sand.u32 $0x1, s1  }
0x8c: {  	s17 =	sshll.u32 s0, $0xA;
	s2 =	sadd.s32 s3, s2  }
0x8d: {  	s2 =	sadd.s32 s2, s17  }
0x8e: {  	[smem:$0x3FC6] =	sst s2  }
0x8f: {  	_ = 	snop  }
0x90: {  	s2 =	sld [smem:$0x3FD0];
	(tm) =	ssettm $0x1  }
0x91: {  	s18 =	sld [smem:$0x3FFB];
	_ =	sdelay $0x3  }
0x92: {  	_ =	strace s18  }
0x93: {  	s3 =	sld [smem:$0x3FFC];
	_ =	sdelay $0x3  }
0x94: {  	_ =	strace s3  }
0x95: {  	s3 =	sld [smem:$0x3FFD];
	_ =	sdelay $0x3  }
0x96: {  	_ =	strace s3  }
0x97: {  	_ =	strace $0x8FFFFFFF  }
0x98: {  	s19 =	sld [smem:$0x3FDB];
	_ =	sdelay $0x1  }
0x99: {  	s4 =	simm.s32 $_scs_section_size  }
0x9a: {  	s5 =	simm.s32 $_size__tile_overlayer_lowered;
	s6 =	simm.s32 $_tile_overlayer_lowered  }
0x9b: {  	s22 =	simm.s32 $0x1BFF;
	s21 =	sshll.u32 s6, $0x1;
	s3 =	sadd.s32 s4, s19  }
0x9c: {  	s7 =	simm.s32 $0x0;
	s20 =	sshll.u32 s5, $0x1;
	s5 =	sadd.s32 s21, s3  }
0x9d: {  	[timem:s7], [sflag:s22] =	dma.local [hbm:s5], s20  }
0x9e: {  	_ =	swait.ge [sflag:s22], s20  }
0x9f: {  	s4 =	ssub.s32 $0x0, s20;
	[sflag:s22] =	ssyncset.done $0x0  }
0xa0: {  	[sflag:s22] =	ssyncadd.s32 s4;
	_ =	sdelay $0x1  }
0xa1: {  	s23 =	simm.s32 $0x1B8B  }
0xa2: {  	_ =	swait.ge [sflag:s23], $0x1  }
0xa3: {  	[sflag:s23] =	ssyncset.done $0x0  }
0xa4: {  	s25 =	simm.s32 $0x1B8E;
	s24 =	sld [smem:$0x3FFE];
	[sflag:s23] =	ssyncadd.s32 $0xFFFFFFFF  }
0xa5: {  	s26 =	simm.s32 $execute0_lowered;
	[smem:$0x3FD2] =	sst s25  }
0xa6: {  	s5 =	sshll.u32 s26, $0x1;
	_ =	strace $0x80000046;
	[dreg:$0x1] =	wrdreg $0xFFFFFFFF  }
0xa7: {  	s28 =	simm.s32 $_size_execute0_lowered;
	s3 =	sadd.s32 s3, s5;
	[dreg:$0x0] =	wrdreg $0x0  }
0xa8: {  	s5 =	sshll.u32 s28, $0x1;
	[dreg:$0x2] =	wrdreg s3  }
0xa9: {  	[dreg:$0x3] =	wrdreg s5  }
0xaa: {  	[dreg:$0x4] =	wrdreg $0xC0  }
0xab: {  	_ =	task [dreg:s7], $0x5FFFF  }
0xac: {  	[dreg:$0x1] =	wrdreg $0xFFFFFFFF  }
0xad: {  	[dreg:$0x0] =	wrdreg $0x60  }
0xae: {  	[dreg:$0x2] =	wrdreg s2  }
0xaf: {  	[dreg:$0x3] =	wrdreg s24  }
0xb0: {  	[dreg:$0x4] =	wrdreg $0xEA000  }
0xb1: {  	[dreg:$0x5] =	wrdreg $0x9  }
0xb2: {  	_ =	task.clear_ibuf [dreg:s7], $0x6FFFF;
	_ =	strace $0x90000046  }
0xb3: {  	s29 =	simm.s32 $0x9;
	_ =	strace $0x80000048  }
0xb4: {  	_ =	swait.ge [sflag:s29], $0x1  }
0xb5: {  	[sflag:s29] =	ssyncadd.s32 $0xFFFFFFFF  }
0xb6: {  	_ =	strace $0x90000048  }
0xb7: {  	_ =	sfence  }
0xb8: {  	s30 =	sld [smem:$0x0];
	_ =	sdelay $0x2  }
0xb9: {  	s31 =	sshll.u32 s1, $0xD;
	s1 =	sshrl.u32 s1, $0x2  }
0xba: {  	s3 =	sand.u32 $0x4000, s31;
	s1 =	sadd.s32 s1, s30  }
0xbb: {  	s0 =	sor.u32 s3, s0;
	s1 =	sshll.u32 s1, $0x11  }
0xbc: {  	s0 =	sor.u32 s1, s0  }
0xbd: {  	s0 =	sadd.s32 $0x8F2B, s0  }
0xbe: {  	[sflag:s0] =	ssyncadd.remote.s32 $0x1  }
0xbf: {  	_ =	sfence.sel $0xFFFF  }
0xc0: {  	[dreg:$0x0] =	wrdreg $0xFFFFFFFF;
	(pc) =	sbr.abs _section_cstart, $3  }
0xc1: {  	[dreg:$0x1] =	wrdreg $0xFFFFFFFF  }
0xc2: {  	_ =	task.clear_ibuf [dreg:s7], $0x2FFFF;
	_ =	strace $0x9FFFFFFF  }
0xc3: {  	(tm) =	ssettm $0x7FFFFFFF  }
tec
execute0_lowered:
.L_overlay_start_1:
0x0: {  	(tag) =	ssettag $0x1  }
0x1: {  	s0 =	rddreg [dreg:$0x0]  }
0x2: {  	s3 =	rddreg [dreg:$0x1]  }
0x3: {  	s1 =	rddreg [dreg:$0x2];
	s2 =	simm.s32 $0x0  }
0x4: {  	s4 =	srdreg.scid;
	s23 =	stileid.u32;
	s24 =	simm.s32 $0x2  }
0x5: {  	s25 =	simm.s32 $0x80;
	s31 =	simm.s32 $0x1;
	s28 =	simm.s32 $0x0  }
0x6: {  	[smem:$0x7FF] =	sst s2;
	s4 =	sand.u32 $0x1, s4;
	s5 =	sadd.s32 $0x200, s3  }
0x7: {  	s3 =	sadd.s32 $0x1EC00, s3;
	p0 =	sne.s32 s23, $0x0;
	_ =	strace $0x80000047  }
0x8: {  	v0 =	vimm.s32 $0xEFCDAB89;
	v1 =	vimm.s32 $0x67452301;
	[dreg:$0x4] =	wrdreg s5;
	s26 =	sshll.u32 s4, $0x4;
	s7 =	smul.u32 $0x64000, s4  }
0x9: {  	v2 =	vimm.s32 $0xDCFE98BA;
	v3 =	vimm.s32 $0x54761032;
	s6 =	ssub.s32 $0x2, s4;
	s4 =	smul.u32 $0xC800, s4;
	s5 =	sor.u32 s23, s26  }
0xa: {  	v4 =	vimm.s32 $0xBA98FEDC;
	v5 =	vimm.s32 $0x32107654;
	s8 =	sshrl.u32 s6, $0x1;
	s23 =	sshrl.u32 @!p0 s1, $0x3;
	s26 =	simm.s32 $0x6400  }
0xb: {  	v6 =	vimm.s32 $0xFEDCBA98;
	v7 =	vimm.s32 $0x76543210;
	v0 =	vunpack.c.l.s4.s8 v0;
	s5 =	smul.u32 $0xC80, s5;
	s22 =	ssub.s32 s6, s8;
	s29 =	sshrl.u32 s7, $0x3  }
0xc: {  	v1 =	vunpack.c.l.s4.s8 v1;
	v2 =	vunpack.c.l.s4.s8 v2;
	v3 =	vunpack.c.l.s4.s8 v3;
	s6 =	sadd.s32 s3, s4;
	s30 =	sadd.s32 s3, s29;
	s22 =	smax.u32 s22, $0x1  }
0xd: {  	v6 =	vunpack.c.l.s4.s8 v6;
	v4 =	vunpack.c.l.s4.s8 v4;
	v5 =	vunpack.c.l.s4.s8 v5;
	s0 =	sadd.s32 s0, s5;
	s5 =	sadd.s32 s3, s5;
	s7 =	sadd.s32 $0xC80, s30  }
0xe: {  	v7 =	vunpack.c.l.s4.s8 v7;
	v0 =	vunpack.c.0.s8.s32 v0;
	v1 =	vunpack.c.0.s8.s32 v1;
	s8 =	sadd.s32 $0x1900, s30;
	s9 =	sadd.s32 $0x2580, s30;
	s10 =	sadd.s32 $0x3200, s30  }
0xf: {  	v2 =	vunpack.c.0.s8.s32 v2;
	v3 =	vunpack.c.0.s8.s32 v3;
	v6 =	vunpack.c.0.s8.s32 v6;
	s11 =	sadd.s32 $0x3E80, s30;
	s12 =	sadd.s32 $0x4B00, s30;
	s13 =	sadd.s32 $0x5780, s30  }
0x10: {  	v4 =	vunpack.c.0.s8.s32 v4;
	v5 =	vunpack.c.0.s8.s32 v5;
	v7 =	vunpack.c.0.s8.s32 v7;
	s14 =	sadd.s32 $0x6400, s30;
	s15 =	sadd.s32 $0x7080, s30;
	s16 =	sadd.s32 $0x7D00, s30  }
0x11: {  	v0 =	vcombine.low v1, v0;
	v1 =	vcombine.low v3, v2;
	v3 =	vand.u32 $0xF, v6;
	s17 =	sadd.s32 $0x8980, s30;
	s18 =	sadd.s32 $0x9600, s30;
	s19 =	sadd.s32 $0xA280, s30  }
0x12: {  	v2 =	vcombine.low v5, v4;
	s20 =	sadd.s32 $0xAF00, s30;
	s21 =	sadd.s32 $0xBB80, s30;
	v3 =	vcombine.low v3, v7;
	[dreg:$0x5] =	wrdreg s0  }
.LBB2_1:
0x13: {  	s0 =	simm.s32 @!p0 $0x1C02;
	s3 =	rddreg [dreg:$0x4]  }
0x14: {  	[spmem:s23], [sflag:s0] =	dma.local @!p0 [hbm:s3], $0x1E850  }
0x15: {  	s0 =	simm.s32 @!p0 $0x2  }
0x16: {  	_ =	swait.ge @!p0 [sflag:s0], $0x1E850  }
0x17: {  	[sflag:s0] =	ssyncset.done @!p0 $0x0  }
0x18: {  	s3 =	rddreg [dreg:$0x5];
	[sflag:s0] =	ssyncadd.s32 @!p0 $0xFFFE17B0  }
0x19: {  	[tilespmem:s2], [sflag:$0x2] =	stream.linear.gather [hbm4b:s3+s2], $0x6400, $0x38;
	[tilespmem:$0x1DE28] =	vst v63  }
0x1a: {  	_ =	swait.ge [sflag:s24], $0x6400  }
0x1b: {  	[sflag:s24] =	ssyncset.done $0x0  }
0x1c: {  	[sflag:s24] =	ssyncadd.s32 $0xFFFF9C00  }
0x1d: {  	[bflag:$0x0] =	sbarrier.arrive $0xFFFF  }
0x1e: {  	[tilespmem:s26], [sflag:$0x1] =	stream.indirect.gather [spmem:s1], $0x1, s2, s25, $0xb8;
	[tilespmem:$0x1DE28] =	vst v63  }
0x1f: {  	s4 =	simm.s32 $0x6480  }
0x20: {  	[tilespmem:s4], [sflag:$0x1] =	stream.indirect.gather [spmem:s1], $0x1, s25, s25, $0xb8;
	[tilespmem:$0x1DE28] =	vst v63  }
0x21: {  	s29 =	simm.s32 $0x100;
	s30 =	simm.s32 $0x6500  }
0x22: {  	[tilespmem:s30], [sflag:$0x1] =	stream.indirect.gather [spmem:s1], $0x1, s29, s25, $0xb8;
	[tilespmem:$0x1DE28] =	vst v63  }
0x23: {  	s3 =	simm.s32 $0x180;
	s4 =	simm.s32 $0x6580  }
0x24: {  	[tilespmem:s4], [sflag:$0x1] =	stream.indirect.gather [spmem:s1], $0x1, s3, s25, $0xb8;
	[tilespmem:$0x1DE28] =	vst v63  }
0x25: {  	s29 =	simm.s32 $0x200;
	s30 =	simm.s32 $0x6600  }
0x26: {  	[tilespmem:s30], [sflag:$0x1] =	stream.indirect.gather [spmem:s1], $0x1, s29, s25, $0xb8;
	[tilespmem:$0x1DE28] =	vst v63  }
0x27: {  	s3 =	simm.s32 $0x280;
	s4 =	simm.s32 $0x6680  }
0x28: {  	[tilespmem:s4], [sflag:$0x1] =	stream.indirect.gather [spmem:s1], $0x1, s3, s25, $0xb8;
	[tilespmem:$0x1DE28] =	vst v63  }
0x29: {  	s29 =	simm.s32 $0x300;
	s30 =	simm.s32 $0x6700  }
0x2a: {  	[tilespmem:s30], [sflag:$0x1] =	stream.indirect.gather [spmem:s1], $0x1, s29, s25, $0xb8;
	[tilespmem:$0x1DE28] =	vst v63  }
0x2b: {  	s3 =	simm.s32 $0x380;
	s4 =	simm.s32 $0x6780  }
0x2c: {  	[tilespmem:s4], [sflag:$0x1] =	stream.indirect.gather [spmem:s1], $0x1, s3, s25, $0xb8;
	[tilespmem:$0x1DE28] =	vst v63  }
0x2d: {  	s29 =	simm.s32 $0x400;
	s30 =	simm.s32 $0x6800  }
0x2e: {  	[tilespmem:s30], [sflag:$0x1] =	stream.indirect.gather [spmem:s1], $0x1, s29, s25, $0xb8;
	[tilespmem:$0x1DE28] =	vst v63  }
0x2f: {  	s0 =	simm.s32 $0x1200;
	_ =	swait.ge [sflag:s31], $0x80  }
.LBB2_2:
0x30: {  	s3 =	sshra.s32 s0, $0x2;
	[sflag:s31] =	ssyncset.done $0x0;
	p1 =	sne.s32 s0, $0x18E00  }
.Ltmp0:
0x31: {  	s4 =	sadd.s32 $0x6400, s3;
	[sflag:s31] =	ssyncadd.s32 $0xFFFFFF80;
	(pc) =	sbr.rel @p1 .LBB2_2-.Ltmp0, $3  }
0x32: {  	[tilespmem:s4], [sflag:$0x1] =	stream.indirect.gather [spmem:s1], $0x1, s3, s25, $0xb8;
	[tilespmem:$0x1DE28] =	vst v63  }
0x33: {  	s0 =	sadd.s32 $0x200, s0;
	_ =	sdelay $0x1  }
0x34: {  	_ =	swait.ge [sflag:s31], $0x80  }
0x35: {  	[sflag:s31] =	ssyncset.done $0x0  }
0x36: {  	[sflag:s31] =	ssyncadd.s32 $0xFFFFFF80  }
0x37: {  	_ =	swait.ge [sflag:s31], $0x80  }
0x38: {  	[sflag:s31] =	ssyncset.done $0x0  }
0x39: {  	[sflag:s31] =	ssyncadd.s32 $0xFFFFFF80  }
0x3a: {  	_ =	swait.ge [sflag:s31], $0x80  }
0x3b: {  	[sflag:s31] =	ssyncset.done $0x0  }
0x3c: {  	[sflag:s31] =	ssyncadd.s32 $0xFFFFFF80  }
0x3d: {  	_ =	swait.ge [sflag:s31], $0x80  }
0x3e: {  	[sflag:s31] =	ssyncset.done $0x0  }
0x3f: {  	[sflag:s31] =	ssyncadd.s32 $0xFFFFFF80  }
0x40: {  	_ =	swait.ge [sflag:s31], $0x80  }
0x41: {  	[sflag:s31] =	ssyncset.done $0x0  }
0x42: {  	[sflag:s31] =	ssyncadd.s32 $0xFFFFFF80  }
0x43: {  	_ =	swait.ge [sflag:s31], $0x80  }
0x44: {  	[sflag:s31] =	ssyncset.done $0x0  }
0x45: {  	[sflag:s31] =	ssyncadd.s32 $0xFFFFFF80  }
0x46: {  	_ =	swait.ge [sflag:s31], $0x80  }
0x47: {  	[sflag:s31] =	ssyncset.done $0x0  }
0x48: {  	[sflag:s31] =	ssyncadd.s32 $0xFFFFFF80  }
0x49: {  	_ =	swait.ge [sflag:s31], $0x80  }
0x4a: {  	[sflag:s31] =	ssyncset.done $0x0  }
0x4b: {  	[sflag:s31] =	ssyncadd.s32 $0xFFFFFF80  }
0x4c: {  	_ =	swait.ge [sflag:s31], $0x80  }
0x4d: {  	[sflag:s31] =	ssyncset.done $0x0  }
0x4e: {  	s29 =	simm.s32 $0x0;
	s30 =	simm.s32 $0x6480;
	[sflag:s31] =	ssyncadd.s32 $0xFFFFFF80  }
.LBB2_4:
0x4f: {  	v4 =	vmov s30;
	_ =	sdelay $0x3  }
0x50: {  	s3 =	simm.s32 $0x0  }
0x51: {  	v5 =	vld.idx.msk [tilespmem:v4+s3+$0xFFFFFF80 ss:$0x1], $0xffff  }
0x52: {  	v6 =	vld.idx.msk [tilespmem:v4+s3+$0xFFFFFF90 ss:$0x1], $0xffff  }
0x53: {  	v7 =	vld.idx.msk [tilespmem:v4+s3+$0xFFFFFFA0 ss:$0x1], $0xffff  }
0x54: {  	v8 =	vld.idx.msk [tilespmem:v4+s3+$0xFFFFFFB0 ss:$0x1], $0xffff  }
0x55: {  	v9 =	vld.idx.msk [tilespmem:v4+s3+$0xFFFFFFC0 ss:$0x1], $0xffff  }
0x56: {  	v10 =	vld.idx.msk [tilespmem:v4+s3+$0xFFFFFFD0 ss:$0x1], $0xffff  }
0x57: {  	v11 =	vld.idx.msk [tilespmem:v4+s3+$0xFFFFFFE0 ss:$0x1], $0xffff;
	v5 =	vmul.f32 $1.442695020e+00, v5  }
0x58: {  	v12 =	vld.idx.msk [tilespmem:v4+s3+$0xFFFFFFF0 ss:$0x1], $0xffff;
	v6 =	vmul.f32 $1.442695020e+00, v6;
	v7 =	vmul.f32 $1.442695020e+00, v7  }
0x59: {  	v8 =	vmul.f32 $1.442695020e+00, v8;
	(erf) = vpow2.f32 v5;
	v5 =	vld.idx.msk [tilespmem:v4+s3+$0x0 ss:$0x1], $0xffff  }
0x5a: {  	v9 =	vmul.f32 $1.442695020e+00, v9;
	(erf) = vpow2.f32 v6;
	v6 =	vld.idx.msk [tilespmem:v4+s3+$0x10 ss:$0x1], $0xffff  }
0x5b: {  	v10 =	vmul.f32 $1.442695020e+00, v10;
	(erf) = vpow2.f32 v7;
	v7 =	vld.idx.msk [tilespmem:v4+s3+$0x20 ss:$0x1], $0xffff  }
0x5c: {  	v11 =	vmul.f32 $1.442695020e+00, v11;
	(erf) = vpow2.f32 v8;
	v8 =	vld.idx.msk [tilespmem:v4+s3+$0x30 ss:$0x1], $0xffff  }
0x5d: {  	v12 =	vmul.f32 $1.442695020e+00, v12;
	(erf) = vpow2.f32 v9;
	v9 =	vld.idx.msk [tilespmem:v4+s3+$0x40 ss:$0x1], $0xffff  }
0x5e: {  	(erf) = vpow2.f32 v10;
	v10 =	vld.idx.msk [tilespmem:v4+s3+$0x50 ss:$0x1], $0xffff;
	v5 =	vmul.f32 $1.442695020e+00, v5  }
0x5f: {  	(erf) = vpow2.f32 v11;
	v6 =	vmul.f32 $1.442695020e+00, v6  }
0x60: {  	v11 =	vld.idx.msk [tilespmem:v4+s3+$0x60 ss:$0x1], $0xffff;
	(erf) = vpow2.f32 v12;
	v7 =	vmul.f32 $1.442695020e+00, v7  }
0x61: {  	(erf) = vpow2.f32 v5;
	v5 =	vmul.f32 $1.442695020e+00, v8  }
0x62: {  	v12 =	vld.idx.msk [tilespmem:v4+s3+$0x70 ss:$0x1], $0xffff;
	v8 =	vpop (erf);
	(erf) = vpow2.f32 v6;
	v6 =	vimm.f32 $0.0e+00;
	v9 =	vmul.f32 $1.442695020e+00, v9  }
0x63: {  	v13 =	vpop (erf);
	(erf) = vpow2.f32 v7;
	v6 =	vadd.f32 v8, v6;
	v7 =	vmul.f32 $1.442695020e+00, v10  }
0x64: {  	[tilespmem:v4+s3+$0xFFFFFF80 ss:$0x1] =	vst.idx.msk $0xffff, v8;
	v8 =	vpop (erf);
	(erf) = vpow2.f32 v5  }
0x65: {  	[tilespmem:v4+s3+$0xFFFFFF90 ss:$0x1] =	vst.idx.msk $0xffff, v13;
	v5 =	vmul.f32 $1.442695020e+00, v11;
	v10 =	vpop (erf);
	(erf) = vpow2.f32 v9;
	v6 =	vadd.f32 v13, v6  }
0x66: {  	[tilespmem:v4+s3+$0xFFFFFFA0 ss:$0x1] =	vst.idx.msk $0xffff, v8;
	v11 =	vpop (erf);
	(erf) = vpow2.f32 v7  }
0x67: {  	v9 =	vmul.f32 $1.442695020e+00, v12;
	[tilespmem:v4+s3+$0xFFFFFFB0 ss:$0x1] =	vst.idx.msk $0xffff, v10;
	v7 =	vpop (erf);
	(erf) = vpow2.f32 v5;
	v5 =	vadd.f32 v8, v6  }
0x68: {  	[tilespmem:v4+s3+$0xFFFFFFC0 ss:$0x1] =	vst.idx.msk $0xffff, v11  }
0x69: {  	[tilespmem:v4+s3+$0xFFFFFFD0 ss:$0x1] =	vst.idx.msk $0xffff, v7;
	v6 =	vpop (erf);
	(erf) = vpow2.f32 v9;
	v5 =	vadd.f32 v10, v5  }
0x6a: {  	[tilespmem:v4+s3+$0xFFFFFFE0 ss:$0x1] =	vst.idx.msk $0xffff, v6;
	v8 =	vpop (erf)  }
0x6b: {  	[tilespmem:v4+s3+$0xFFFFFFF0 ss:$0x1] =	vst.idx.msk $0xffff, v8;
	v9 =	vpop (erf);
	v5 =	vadd.f32 v11, v5  }
0x6c: {  	[tilespmem:v4+s3+$0x0 ss:$0x1] =	vst.idx.msk $0xffff, v9;
	v10 =	vpop (erf)  }
0x6d: {  	[tilespmem:v4+s3+$0x10 ss:$0x1] =	vst.idx.msk $0xffff, v10;
	v11 =	vpop (erf);
	v5 =	vadd.f32 v7, v5  }
0x6e: {  	[tilespmem:v4+s3+$0x20 ss:$0x1] =	vst.idx.msk $0xffff, v11;
	v12 =	vpop (erf)  }
0x6f: {  	[tilespmem:v4+s3+$0x30 ss:$0x1] =	vst.idx.msk $0xffff, v12;
	v7 =	vpop (erf);
	v6 =	vadd.f32 v6, v5  }
0x70: {  	[tilespmem:v4+s3+$0x40 ss:$0x1] =	vst.idx.msk $0xffff, v7;
	v13 =	vpop (erf)  }
0x71: {  	[tilespmem:v4+s3+$0x50 ss:$0x1] =	vst.idx.msk $0xffff, v13;
	v14 =	vpop (erf);
	v6 =	vadd.f32 v8, v6  }
0x72: {  	s0 =	simm.s32 $0x100;
	[tilespmem:v4+s3+$0x60 ss:$0x1] =	vst.idx.msk $0xffff, v14;
	v5 =	vpop (erf)  }
0x73: {  	v16 =	vld.idx.msk [tilespmem:v4+s0+$0xFFFFFFB0 ss:$0x1], $0xffff;
	[tilespmem:v4+s3+$0x70 ss:$0x1] =	vst.idx.msk $0xffff, v5;
	v6 =	vadd.f32 v9, v6  }
0x74: {  	v8 =	vld.idx.msk [tilespmem:v4+s0+$0xFFFFFF80 ss:$0x1], $0xffff  }
0x75: {  	v9 =	vld.idx.msk [tilespmem:v4+s0+$0xFFFFFF90 ss:$0x1], $0xffff;
	v6 =	vadd.f32 v10, v6  }
0x76: {  	v15 =	vld.idx.msk [tilespmem:v4+s0+$0xFFFFFFA0 ss:$0x1], $0xffff  }
0x77: {  	v17 =	vld.idx.msk [tilespmem:v4+s0+$0xFFFFFFC0 ss:$0x1], $0xffff;
	v6 =	vadd.f32 v11, v6  }
0x78: {  	v18 =	vld.idx.msk [tilespmem:v4+s0+$0xFFFFFFD0 ss:$0x1], $0xffff  }
0x79: {  	v19 =	vld.idx.msk [tilespmem:v4+s0+$0xFFFFFFE0 ss:$0x1], $0xffff;
	v8 =	vmul.f32 $1.442695020e+00, v8;
	v6 =	vadd.f32 v12, v6  }
0x7a: {  	v10 =	vld.idx.msk [tilespmem:v4+s0+$0x0 ss:$0x1], $0xffff;
	v9 =	vmul.f32 $1.442695020e+00, v9  }
0x7b: {  	v12 =	vld.idx.msk [tilespmem:v4+s0+$0xFFFFFFF0 ss:$0x1], $0xffff;
	v11 =	vmul.f32 $1.442695020e+00, v15;
	(erf) = vpow2.f32 v8;
	v6 =	vadd.f32 v7, v6  }
0x7c: {  	v15 =	vmul.f32 $1.442695020e+00, v16;
	v7 =	vld.idx.msk [tilespmem:v4+s0+$0x10 ss:$0x1], $0xffff;
	(erf) = vpow2.f32 v9  }
0x7d: {  	v62 =	vmul.f32 $1.442695020e+00, v17;
	v8 =	vld.idx.msk [tilespmem:v4+s0+$0x20 ss:$0x1], $0xffff;
	(erf) = vpow2.f32 v11;
	v6 =	vadd.f32 v13, v6  }
0x7e: {  	v63 =	vmul.f32 $1.442695020e+00, v18;
	v9 =	vld.idx.msk [tilespmem:v4+s0+$0x40 ss:$0x1], $0xffff;
	(erf) = vpow2.f32 v15  }
0x7f: {  	v11 =	vld.idx.msk [tilespmem:v4+s0+$0x30 ss:$0x1], $0xffff;
	v13 =	vmul.f32 $1.442695020e+00, v19;
	(erf) = vpow2.f32 v62;
	v14 =	vadd.f32 v14, v6  }
0x80: {  	s3 =	simm.s32 $0x800;
	v12 =	vmul.f32 $1.442695020e+00, v12;
	v6 =	vld.idx.msk [tilespmem:v4+s0+$0x50 ss:$0x1], $0xffff;
	(erf) = vpow2.f32 v63  }
.LBB2_5:
0x81: {  	p1 =	sne.s32 s3, $0xC00;
	v15 =	vld.idx.msk [tilespmem:v4+s0+$0x60 ss:$0x1], $0xffff;
	v10 =	vmul.f32 $1.442695020e+00, v10;
	(erf) = vpow2.f32 v13;
	v5 =	vadd.f32 v5, v14;
	s4 =	smov.u32 s3;
	s3 =	sadd.s32 $0x400, s3  }
0x82: {  	v7 =	vmul.f32 $1.442695020e+00, v7;
	v13 =	vld.idx.msk [tilespmem:v4+s0+$0x70 ss:$0x1], $0xffff;
	(erf) = vpow2.f32 v12  }
0x83: {  	v12 =	vmul.f32 $1.442695020e+00, v8;
	(erf) = vpow2.f32 v10  }
0x84: {  	v10 =	vmul.f32 $1.442695020e+00, v11;
	v11 =	vpop (erf);
	(erf) = vpow2.f32 v7  }
0x85: {  	v7 =	vmul.f32 $1.442695020e+00, v9;
	[tilespmem:v4+s0+$0xFFFFFF80 ss:$0x1] =	vst.idx.msk $0xffff, v11;
	v5 =	vadd.f32 v11, v5;
	v9 =	vpop (erf);
	(erf) = vpow2.f32 v12  }
0x86: {  	v12 =	vmul.f32 $1.442695020e+00, v6;
	[tilespmem:v4+s0+$0xFFFFFF90 ss:$0x1] =	vst.idx.msk $0xffff, v9;
	v8 =	vpop (erf);
	(erf) = vpow2.f32 v10  }
0x87: {  	v10 =	vmul.f32 $1.442695020e+00, v15;
	[tilespmem:v4+s0+$0xFFFFFFA0 ss:$0x1] =	vst.idx.msk $0xffff, v8;
	v5 =	vadd.f32 v9, v5;
	v9 =	vpop (erf);
	(erf) = vpow2.f32 v7  }
0x88: {  	v13 =	vmul.f32 $1.442695020e+00, v13;
	[tilespmem:v4+s0+$0xFFFFFFB0 ss:$0x1] =	vst.idx.msk $0xffff, v9;
	v11 =	vpop (erf);
	(erf) = vpow2.f32 v12  }
0x89: {  	[tilespmem:v4+s0+$0xFFFFFFC0 ss:$0x1] =	vst.idx.msk $0xffff, v11;
	v5 =	vadd.f32 v8, v5;
	v6 =	vpop (erf);
	(erf) = vpow2.f32 v10  }
0x8a: {  	[tilespmem:v4+s0+$0xFFFFFFD0 ss:$0x1] =	vst.idx.msk $0xffff, v6;
	v8 =	vpop (erf);
	(erf) = vpow2.f32 v13  }
0x8b: {  	[tilespmem:v4+s0+$0xFFFFFFE0 ss:$0x1] =	vst.idx.msk $0xffff, v8;
	v5 =	vadd.f32 v9, v5;
	v7 =	vpop (erf)  }
0x8c: {  	[tilespmem:v4+s0+$0xFFFFFFF0 ss:$0x1] =	vst.idx.msk $0xffff, v7;
	v9 =	vpop (erf)  }
0x8d: {  	[tilespmem:v4+s0+$0x0 ss:$0x1] =	vst.idx.msk $0xffff, v9;
	v5 =	vadd.f32 v11, v5;
	v10 =	vpop (erf)  }
0x8e: {  	[tilespmem:v4+s0+$0x10 ss:$0x1] =	vst.idx.msk $0xffff, v10;
	v11 =	vpop (erf)  }
0x8f: {  	[tilespmem:v4+s0+$0x20 ss:$0x1] =	vst.idx.msk $0xffff, v11;
	v5 =	vadd.f32 v6, v5;
	v6 =	vpop (erf)  }
0x90: {  	[tilespmem:v4+s0+$0x30 ss:$0x1] =	vst.idx.msk $0xffff, v6;
	v12 =	vpop (erf)  }
0x91: {  	[tilespmem:v4+s0+$0x40 ss:$0x1] =	vst.idx.msk $0xffff, v12;
	v8 =	vadd.f32 v8, v5;
	v13 =	vpop (erf)  }
0x92: {  	[tilespmem:v4+s0+$0x50 ss:$0x1] =	vst.idx.msk $0xffff, v13;
	v14 =	vpop (erf)  }
0x93: {  	[tilespmem:v4+s0+$0x60 ss:$0x1] =	vst.idx.msk $0xffff, v14;
	v7 =	vadd.f32 v7, v8;
	v5 =	vpop (erf)  }
0x94: {  	[tilespmem:v4+s0+$0x70 ss:$0x1] =	vst.idx.msk $0xffff, v5;
	s0 =	sshra.s32 s4, $0x2  }
0x95: {  	v8 =	vld.idx.msk [tilespmem:v4+s0+$0xFFFFFF80 ss:$0x1], $0xffff;
	v7 =	vadd.f32 v9, v7  }
0x96: {  	v9 =	vld.idx.msk [tilespmem:v4+s0+$0xFFFFFF90 ss:$0x1], $0xffff  }
0x97: {  	v15 =	vld.idx.msk [tilespmem:v4+s0+$0xFFFFFFA0 ss:$0x1], $0xffff;
	v7 =	vadd.f32 v10, v7  }
0x98: {  	v16 =	vld.idx.msk [tilespmem:v4+s0+$0xFFFFFFB0 ss:$0x1], $0xffff  }
0x99: {  	v17 =	vld.idx.msk [tilespmem:v4+s0+$0xFFFFFFC0 ss:$0x1], $0xffff;
	v7 =	vadd.f32 v11, v7  }
0x9a: {  	v18 =	vld.idx.msk [tilespmem:v4+s0+$0xFFFFFFD0 ss:$0x1], $0xffff  }
0x9b: {  	v8 =	vmul.f32 $1.442695020e+00, v8;
	v19 =	vld.idx.msk [tilespmem:v4+s0+$0xFFFFFFE0 ss:$0x1], $0xffff;
	v6 =	vadd.f32 v6, v7  }
0x9c: {  	v9 =	vmul.f32 $1.442695020e+00, v9;
	v20 =	vld.idx.msk [tilespmem:v4+s0+$0xFFFFFFF0 ss:$0x1], $0xffff  }
0x9d: {  	v11 =	vmul.f32 $1.442695020e+00, v15;
	v10 =	vld.idx.msk [tilespmem:v4+s0+$0x0 ss:$0x1], $0xffff;
	(erf) = vpow2.f32 v8;
	v6 =	vadd.f32 v12, v6  }
.Ltmp1:
0x9e: {  	v12 =	vmul.f32 $1.442695020e+00, v16;
	v7 =	vld.idx.msk [tilespmem:v4+s0+$0x10 ss:$0x1], $0xffff;
	(erf) = vpow2.f32 v9;
	(pc) =	sbr.rel @p1 .LBB2_5-.Ltmp1, $4  }
0x9f: {  	v15 =	vmul.f32 $1.442695020e+00, v17;
	v8 =	vld.idx.msk [tilespmem:v4+s0+$0x20 ss:$0x1], $0xffff;
	(erf) = vpow2.f32 v11;
	v6 =	vadd.f32 v13, v6  }
0xa0: {  	v16 =	vmul.f32 $1.442695020e+00, v18;
	v11 =	vld.idx.msk [tilespmem:v4+s0+$0x30 ss:$0x1], $0xffff;
	(erf) = vpow2.f32 v12  }
0xa1: {  	v13 =	vmul.f32 $1.442695020e+00, v19;
	v9 =	vld.idx.msk [tilespmem:v4+s0+$0x40 ss:$0x1], $0xffff;
	(erf) = vpow2.f32 v15;
	v14 =	vadd.f32 v14, v6  }
0xa2: {  	v12 =	vmul.f32 $1.442695020e+00, v20;
	v6 =	vld.idx.msk [tilespmem:v4+s0+$0x50 ss:$0x1], $0xffff;
	(erf) = vpow2.f32 v16  }
0xa3: {  	_ =	sdelay $0x1  }
0xa4: {  	v5 =	vadd.f32 v5, v14  }
0xa5: {  	v48 =	vpop (erf)  }
0xa6: {  	v5 =	vadd.f32 v48, v5  }
0xa7: {  	v15 =	vpop (erf)  }
0xa8: {  	(erf) = vpow2.f32 v13;
	v5 =	vadd.f32 v15, v5  }
0xa9: {  	v49 =	vpop (erf)  }
0xaa: {  	v10 =	vmul.f32 $1.442695020e+00, v10;
	(erf) = vpow2.f32 v12;
	v5 =	vadd.f32 v49, v5  }
0xab: {  	v50 =	vpop (erf)  }
0xac: {  	v7 =	vmul.f32 $1.442695020e+00, v7;
	(erf) = vpow2.f32 v10;
	v5 =	vadd.f32 v50, v5  }
0xad: {  	v51 =	vpop (erf)  }
0xae: {  	v8 =	vmul.f32 $1.442695020e+00, v8;
	(erf) = vpow2.f32 v7;
	v5 =	vadd.f32 v51, v5  }
0xaf: {  	v52 =	vpop (erf)  }
0xb0: {  	v11 =	vmul.f32 $1.442695020e+00, v11;
	(erf) = vpow2.f32 v8;
	v5 =	vadd.f32 v52, v5  }
0xb1: {  	v53 =	vld.idx.msk [tilespmem:v4+s0+$0x60 ss:$0x1], $0xffff;
	v16 =	vpop (erf)  }
0xb2: {  	v9 =	vmul.f32 $1.442695020e+00, v9;
	(erf) = vpow2.f32 v11;
	v5 =	vadd.f32 v16, v5  }
0xb3: {  	v54 =	vld.idx.msk [tilespmem:v4+s0+$0x70 ss:$0x1], $0xffff;
	v17 =	vpop (erf)  }
0xb4: {  	v6 =	vmul.f32 $1.442695020e+00, v6;
	(erf) = vpow2.f32 v9;
	v5 =	vadd.f32 v17, v5  }
0xb5: {  	v55 =	vpop (erf)  }
0xb6: {  	[tilespmem:v4+s0+$0xFFFFFF80 ss:$0x1] =	vst.idx.msk $0xffff, v48;
	v56 =	vmul.f32 $1.442695020e+00, v53;
	(erf) = vpow2.f32 v6;
	v5 =	vadd.f32 v55, v5  }
0xb7: {  	[tilespmem:v4+s0+$0xFFFFFF90 ss:$0x1] =	vst.idx.msk $0xffff, v15;
	v57 =	vpop (erf)  }
0xb8: {  	[tilespmem:v4+s0+$0xFFFFFFA0 ss:$0x1] =	vst.idx.msk $0xffff, v49;
	v11 =	vmul.f32 $1.442695020e+00, v54;
	(erf) = vpow2.f32 v56;
	v5 =	vadd.f32 v57, v5  }
0xb9: {  	[tilespmem:v4+s0+$0xFFFFFFB0 ss:$0x1] =	vst.idx.msk $0xffff, v50;
	v58 =	vpop (erf)  }
0xba: {  	[tilespmem:v4+s0+$0xFFFFFFC0 ss:$0x1] =	vst.idx.msk $0xffff, v51;
	(erf) = vpow2.f32 v11;
	v5 =	vadd.f32 v58, v5  }
0xbb: {  	[tilespmem:v4+s0+$0xFFFFFFD0 ss:$0x1] =	vst.idx.msk $0xffff, v52;
	v59 =	vpop (erf)  }
0xbc: {  	[tilespmem:v4+s0+$0xFFFFFFE0 ss:$0x1] =	vst.idx.msk $0xffff, v16;
	v5 =	vadd.f32 v59, v5  }
0xbd: {  	[tilespmem:v4+s0+$0xFFFFFFF0 ss:$0x1] =	vst.idx.msk $0xffff, v17;
	v60 =	vpop (erf)  }
0xbe: {  	[tilespmem:v4+s0+$0x0 ss:$0x1] =	vst.idx.msk $0xffff, v55;
	v5 =	vadd.f32 v60, v5  }
0xbf: {  	[tilespmem:v4+s0+$0x10 ss:$0x1] =	vst.idx.msk $0xffff, v57;
	v61 =	vpop (erf)  }
0xc0: {  	s3 =	sshll.u32 s29, $0x4;
	s29 =	sadd.s32 $0x1, s29;
	[tilespmem:v4+s0+$0x20 ss:$0x1] =	vst.idx.msk $0xffff, v58;
	v5 =	vadd.f32 v61, v5  }
0xc1: {  	p1 =	sne.s32 s29, $0x19;
	[tilespmem:v4+s0+$0x30 ss:$0x1] =	vst.idx.msk $0xffff, v59;
	v62 =	vpop (erf)  }
.Ltmp2:
0xc2: {  	[tilespmem:v4+s0+$0x40 ss:$0x1] =	vst.idx.msk $0xffff, v60;
	v5 =	vadd.f32 v62, v5;
	(pc) =	sbr.rel @p1 .LBB2_4-.Ltmp2, $4  }
0xc3: {  	[tilespmem:v4+s0+$0x50 ss:$0x1] =	vst.idx.msk $0xffff, v61;
	v63 =	vpop (erf)  }
0xc4: {  	[tilespmem:v4+s0+$0x60 ss:$0x1] =	vst.idx.msk $0xffff, v62;
	v5 =	vadd.f32 v63, v5  }
0xc5: {  	s4 =	sand.u32 $0x1F0, s3;
	[tilespmem:v4+s0+$0x70 ss:$0x1] =	vst.idx.msk $0xffff, v63  }
0xc6: {  	s30 =	sadd.s32 $0x400, s30;
	[tilespmem:s4+$0xC800] =	vst v5  }
0xc7: {  	s29 =	simm.s32 $0x0;
	s0 =	simm.s32 $0xC800  }
0xc8: {  	[hbm4b:s5+s29] =	stream.linear.scatter [tilespmem:s0], [sflag:$0x2], $0x200, $0x38;
	[tilespmem:$0x1DE28] =	vst v63  }
0xc9: {  	_ =	swait.ge [sflag:s24], $0x200  }
0xca: {  	[sflag:s24] =	ssyncset.done $0x0  }
0xcb: {  	[sflag:s24] =	ssyncadd.s32 $0xFFFFFE00  }
0xcc: {  	s30 =	simm.s32 $0xCA00;
	[bflag:$0x0] =	sbarrier.arrive $0xFFFF  }
0xcd: {  	[tilespmem:s30], [sflag:$0x1] =	stream.linear.gather [hbm4b:s6+s29], $0x200, $0x38;
	[tilespmem:$0x1DE28] =	vst v63  }
0xce: {  	s3 =	simm.s32 $0xCC00  }
0xcf: {  	[tilespmem:s3], [sflag:$0x1] =	stream.linear.gather [hbm4b:s7+s29], $0x200, $0x38;
	[tilespmem:$0x1DE28] =	vst v63  }
0xd0: {  	s4 =	simm.s32 $0xCE00  }
0xd1: {  	[tilespmem:s4], [sflag:$0x1] =	stream.linear.gather [hbm4b:s8+s29], $0x200, $0x38;
	[tilespmem:$0x1DE28] =	vst v63  }
0xd2: {  	s30 =	simm.s32 $0xD000  }
0xd3: {  	[tilespmem:s30], [sflag:$0x1] =	stream.linear.gather [hbm4b:s9+s29], $0x200, $0x38;
	[tilespmem:$0x1DE28] =	vst v63  }
0xd4: {  	s3 =	simm.s32 $0xD200  }
0xd5: {  	[tilespmem:s3], [sflag:$0x1] =	stream.linear.gather [hbm4b:s10+s29], $0x200, $0x38;
	[tilespmem:$0x1DE28] =	vst v63  }
0xd6: {  	s4 =	simm.s32 $0xD400  }
0xd7: {  	[tilespmem:s4], [sflag:$0x1] =	stream.linear.gather [hbm4b:s11+s29], $0x200, $0x38;
	[tilespmem:$0x1DE28] =	vst v63  }
0xd8: {  	s30 =	simm.s32 $0xD600  }
0xd9: {  	[tilespmem:s30], [sflag:$0x1] =	stream.linear.gather [hbm4b:s12+s29], $0x200, $0x38;
	[tilespmem:$0x1DE28] =	vst v63  }
0xda: {  	s3 =	simm.s32 $0xD800  }
0xdb: {  	[tilespmem:s3], [sflag:$0x1] =	stream.linear.gather [hbm4b:s13+s29], $0x200, $0x38;
	[tilespmem:$0x1DE28] =	vst v63  }
0xdc: {  	s4 =	simm.s32 $0xDA00  }
0xdd: {  	[tilespmem:s4], [sflag:$0x1] =	stream.linear.gather [hbm4b:s14+s29], $0x200, $0x38;
	[tilespmem:$0x1DE28] =	vst v63  }
0xde: {  	s30 =	simm.s32 $0xDC00  }
0xdf: {  	[tilespmem:s30], [sflag:$0x1] =	stream.linear.gather [hbm4b:s15+s29], $0x200, $0x38;
	[tilespmem:$0x1DE28] =	vst v63  }
0xe0: {  	s3 =	simm.s32 $0xDE00  }
0xe1: {  	[tilespmem:s3], [sflag:$0x1] =	stream.linear.gather [hbm4b:s16+s29], $0x200, $0x38;
	[tilespmem:$0x1DE28] =	vst v63  }
0xe2: {  	s4 =	simm.s32 $0xE000  }
0xe3: {  	[tilespmem:s4], [sflag:$0x1] =	stream.linear.gather [hbm4b:s17+s29], $0x200, $0x38;
	[tilespmem:$0x1DE28] =	vst v63  }
0xe4: {  	s30 =	simm.s32 $0xE200  }
0xe5: {  	[tilespmem:s30], [sflag:$0x1] =	stream.linear.gather [hbm4b:s18+s29], $0x200, $0x38;
	[tilespmem:$0x1DE28] =	vst v63  }
0xe6: {  	s3 =	simm.s32 $0xE400  }
0xe7: {  	[tilespmem:s3], [sflag:$0x1] =	stream.linear.gather [hbm4b:s19+s29], $0x200, $0x38;
	[tilespmem:$0x1DE28] =	vst v63  }
0xe8: {  	s4 =	simm.s32 $0xE600  }
0xe9: {  	[tilespmem:s4], [sflag:$0x1] =	stream.linear.gather [hbm4b:s20+s29], $0x200, $0x38;
	[tilespmem:$0x1DE28] =	vst v63  }
0xea: {  	s30 =	simm.s32 $0xE800  }
0xeb: {  	[tilespmem:s30], [sflag:$0x1] =	stream.linear.gather [hbm4b:s21+s29], $0x200, $0x38;
	[tilespmem:$0x1DE28] =	vst v63  }
0xec: {  	_ =	swait.ge [sflag:s31], $0x200  }
0xed: {  	[sflag:s31] =	ssyncset.done $0x0  }
0xee: {  	[sflag:s31] =	ssyncadd.s32 $0xFFFFFE00  }
0xef: {  	_ =	swait.ge [sflag:s31], $0x200  }
0xf0: {  	[sflag:s31] =	ssyncset.done $0x0  }
0xf1: {  	[sflag:s31] =	ssyncadd.s32 $0xFFFFFE00  }
0xf2: {  	_ =	swait.ge [sflag:s31], $0x200  }
0xf3: {  	[sflag:s31] =	ssyncset.done $0x0  }
0xf4: {  	[sflag:s31] =	ssyncadd.s32 $0xFFFFFE00  }
0xf5: {  	_ =	swait.ge [sflag:s31], $0x200  }
0xf6: {  	[sflag:s31] =	ssyncset.done $0x0  }
0xf7: {  	[sflag:s31] =	ssyncadd.s32 $0xFFFFFE00  }
0xf8: {  	_ =	swait.ge [sflag:s31], $0x200  }
0xf9: {  	[sflag:s31] =	ssyncset.done $0x0  }
0xfa: {  	[sflag:s31] =	ssyncadd.s32 $0xFFFFFE00  }
0xfb: {  	_ =	swait.ge [sflag:s31], $0x200  }
0xfc: {  	[sflag:s31] =	ssyncset.done $0x0  }
0xfd: {  	[sflag:s31] =	ssyncadd.s32 $0xFFFFFE00  }
0xfe: {  	_ =	swait.ge [sflag:s31], $0x200  }
0xff: {  	[sflag:s31] =	ssyncset.done $0x0  }
0x100: {  	[sflag:s31] =	ssyncadd.s32 $0xFFFFFE00  }
0x101: {  	_ =	swait.ge [sflag:s31], $0x200  }
0x102: {  	[sflag:s31] =	ssyncset.done $0x0  }
0x103: {  	[sflag:s31] =	ssyncadd.s32 $0xFFFFFE00  }
0x104: {  	_ =	swait.ge [sflag:s31], $0x200  }
0x105: {  	[sflag:s31] =	ssyncset.done $0x0  }
0x106: {  	[sflag:s31] =	ssyncadd.s32 $0xFFFFFE00  }
0x107: {  	_ =	swait.ge [sflag:s31], $0x200  }
0x108: {  	[sflag:s31] =	ssyncset.done $0x0  }
0x109: {  	[sflag:s31] =	ssyncadd.s32 $0xFFFFFE00  }
0x10a: {  	_ =	swait.ge [sflag:s31], $0x200  }
0x10b: {  	[sflag:s31] =	ssyncset.done $0x0  }
0x10c: {  	[sflag:s31] =	ssyncadd.s32 $0xFFFFFE00  }
0x10d: {  	_ =	swait.ge [sflag:s31], $0x200  }
0x10e: {  	[sflag:s31] =	ssyncset.done $0x0  }
0x10f: {  	[sflag:s31] =	ssyncadd.s32 $0xFFFFFE00  }
0x110: {  	_ =	swait.ge [sflag:s31], $0x200  }
0x111: {  	[sflag:s31] =	ssyncset.done $0x0  }
0x112: {  	[sflag:s31] =	ssyncadd.s32 $0xFFFFFE00  }
0x113: {  	_ =	swait.ge [sflag:s31], $0x200  }
0x114: {  	[sflag:s31] =	ssyncset.done $0x0  }
0x115: {  	[sflag:s31] =	ssyncadd.s32 $0xFFFFFE00  }
0x116: {  	_ =	swait.ge [sflag:s31], $0x200  }
0x117: {  	[sflag:s31] =	ssyncset.done $0x0  }
0x118: {  	[sflag:s31] =	ssyncadd.s32 $0xFFFFFE00  }
0x119: {  	_ =	swait.ge [sflag:s31], $0x200  }
0x11a: {  	[sflag:s31] =	ssyncset.done $0x0  }
0x11b: {  	[sflag:s31] =	ssyncadd.s32 $0xFFFFFE00  }
0x11c: {  	s0 =	simm.s32 $0x6480;
	[bflag:$0x0] =	sbarrier.arrive $0xFFFF  }
.LBB2_8:
0x11d: {  	s3 =	sshll.u32 s29, $0x4  }
0x11e: {  	s3 =	sand.u32 $0x1F0, s3  }
0x11f: {  	v4 =	vld [tilespmem:s3+$0xCA00]  }
0x120: {  	v5 =	vld [tilespmem:s3+$0xCC00];
	_ =	sdelay $0x1  }
0x121: {  	v6 =	vld [tilespmem:s3+$0xCE00];
	_ =	sdelay $0x1  }
0x122: {  	v7 =	vld [tilespmem:s3+$0xD000]  }
0x123: {  	v4 =	vadd.f32 v5, v4  }
0x124: {  	v5 =	vld [tilespmem:s3+$0xD200]  }
0x125: {  	v4 =	vadd.f32 v6, v4  }
0x126: {  	v6 =	vld [tilespmem:s3+$0xD400]  }
0x127: {  	v4 =	vadd.f32 v7, v4  }
0x128: {  	v7 =	vld [tilespmem:s3+$0xD600]  }
0x129: {  	v4 =	vadd.f32 v5, v4  }
0x12a: {  	v5 =	vld [tilespmem:s3+$0xD800]  }
0x12b: {  	v4 =	vadd.f32 v6, v4  }
0x12c: {  	v6 =	vld [tilespmem:s3+$0xDA00]  }
0x12d: {  	v4 =	vadd.f32 v7, v4  }
0x12e: {  	v7 =	vld [tilespmem:s3+$0xDC00]  }
0x12f: {  	v4 =	vadd.f32 v5, v4  }
0x130: {  	v5 =	vld [tilespmem:s3+$0xDE00]  }
0x131: {  	v4 =	vadd.f32 v6, v4  }
0x132: {  	v6 =	vld [tilespmem:s3+$0xE000]  }
0x133: {  	v4 =	vadd.f32 v7, v4  }
0x134: {  	v7 =	vld [tilespmem:s3+$0xE200]  }
0x135: {  	v4 =	vadd.f32 v5, v4  }
0x136: {  	v5 =	vld [tilespmem:s3+$0xE400]  }
0x137: {  	v4 =	vadd.f32 v6, v4  }
0x138: {  	v6 =	vld [tilespmem:s3+$0xE600]  }
0x139: {  	v4 =	vadd.f32 v7, v4  }
0x13a: {  	v7 =	vld [tilespmem:s3+$0xE800]  }
0x13b: {  	v4 =	vadd.f32 v5, v4;
	_ =	sdelay $0x1  }
0x13c: {  	v4 =	vadd.f32 v6, v4;
	_ =	sdelay $0x1  }
0x13d: {  	v4 =	vadd.f32 v7, v4;
	_ =	sdelay $0x1  }
0x13e: {  	v5 =	vperm.xlane v4, v0;
	_ =	sdelay $0x1  }
0x13f: {  	v4 =	vadd.f32 v5, v4;
	_ =	sdelay $0x1  }
0x140: {  	v5 =	vperm.xlane v4, v1;
	_ =	sdelay $0x1  }
0x141: {  	v4 =	vadd.f32 v5, v4;
	_ =	sdelay $0x1  }
0x142: {  	v5 =	vperm.xlane v4, v2;
	_ =	sdelay $0x1  }
0x143: {  	v5 =	vadd.f32 v5, v4;
	_ =	sdelay $0x1  }
0x144: {  	v6 =	vperm.xlane v5, v3  }
0x145: {  	v4 =	vmov s0  }
0x146: {  	v5 =	vadd.f32 v6, v5;
	_ =	sdelay $0x1  }
0x147: {  	(erf) = vrcp.f32 v5  }
0x148: {  	s3 =	simm.s32 $0x0  }
0x149: {  	v8 =	vld.idx.msk [tilespmem:v4+s3+$0xFFFFFFB0 ss:$0x1], $0xffff  }
0x14a: {  	v9 =	vld.idx.msk [tilespmem:v4+s3+$0xFFFFFFD0 ss:$0x1], $0xffff  }
0x14b: {  	v10 =	vld.idx.msk [tilespmem:v4+s3+$0xFFFFFFC0 ss:$0x1], $0xffff  }
0x14c: {  	v7 =	vld.idx.msk [tilespmem:v4+s3+$0xFFFFFF80 ss:$0x1], $0xffff  }
0x14d: {  	v11 =	vld.idx.msk [tilespmem:v4+s3+$0xFFFFFF90 ss:$0x1], $0xffff  }
0x14e: {  	v12 =	vld.idx.msk [tilespmem:v4+s3+$0xFFFFFFA0 ss:$0x1], $0xffff  }
0x14f: {  	v13 =	vld.idx.msk [tilespmem:v4+s3+$0xFFFFFFE0 ss:$0x1], $0xffff  }
0x150: {  	v6 =	vld.idx.msk [tilespmem:v4+s3+$0x60 ss:$0x1], $0xffff;
	v5 =	vpop (erf)  }
0x151: {  	v14 =	vld.idx.msk [tilespmem:v4+s3+$0x50 ss:$0x1], $0xffff;
	v15 =	vmul.f32 v7, v5  }
0x152: {  	v16 =	vld.idx.msk [tilespmem:v4+s3+$0xFFFFFFF0 ss:$0x1], $0xffff;
	v11 =	vmul.f32 v11, v5  }
0x153: {  	v7 =	vld.idx.msk [tilespmem:v4+s3+$0x70 ss:$0x1], $0xffff;
	v12 =	vmul.f32 v12, v5;
	[tilespmem:v4+s3+$0xFFFFFF80 ss:$0x1] =	vst.idx.msk $0xffff, v15  }
0x154: {  	v61 =	vld.idx.msk [tilespmem:v4+s3+$0x0 ss:$0x1], $0xffff;
	v8 =	vmul.f32 v8, v5;
	[tilespmem:v4+s3+$0xFFFFFF90 ss:$0x1] =	vst.idx.msk $0xffff, v11  }
0x155: {  	v10 =	vmul.f32 v10, v5;
	v11 =	vld.idx.msk [tilespmem:v4+s3+$0x10 ss:$0x1], $0xffff;
	[tilespmem:v4+s3+$0xFFFFFFA0 ss:$0x1] =	vst.idx.msk $0xffff, v12  }
0x156: {  	v62 =	vld.idx.msk [tilespmem:v4+s3+$0x20 ss:$0x1], $0xffff;
	v9 =	vmul.f32 v9, v5;
	[tilespmem:v4+s3+$0xFFFFFFB0 ss:$0x1] =	vst.idx.msk $0xffff, v8  }
0x157: {  	v63 =	vld.idx.msk [tilespmem:v4+s3+$0x30 ss:$0x1], $0xffff;
	v8 =	vmul.f32 v13, v5;
	[tilespmem:v4+s3+$0xFFFFFFC0 ss:$0x1] =	vst.idx.msk $0xffff, v10  }
0x158: {  	v17 =	vld.idx.msk [tilespmem:v4+s3+$0x40 ss:$0x1], $0xffff;
	[tilespmem:v4+s3+$0xFFFFFFD0 ss:$0x1] =	vst.idx.msk $0xffff, v9;
	v9 =	vmul.f32 v16, v5  }
0x159: {  	[tilespmem:v4+s3+$0xFFFFFFE0 ss:$0x1] =	vst.idx.msk $0xffff, v8;
	v8 =	vmul.f32 v61, v5  }
0x15a: {  	[tilespmem:v4+s3+$0xFFFFFFF0 ss:$0x1] =	vst.idx.msk $0xffff, v9;
	v9 =	vmul.f32 v11, v5  }
0x15b: {  	v11 =	vmul.f32 v62, v5;
	[tilespmem:v4+s3+$0x0 ss:$0x1] =	vst.idx.msk $0xffff, v8  }
0x15c: {  	v10 =	vmul.f32 v63, v5;
	[tilespmem:v4+s3+$0x10 ss:$0x1] =	vst.idx.msk $0xffff, v9  }
0x15d: {  	s30 =	simm.s32 $0x400;
	v8 =	vmul.f32 v14, v5;
	v9 =	vmul.f32 v17, v5;
	[tilespmem:v4+s3+$0x20 ss:$0x1] =	vst.idx.msk $0xffff, v11  }
.LBB2_9:
0x15e: {  	p1 =	sne.s32 s30, $0xC00;
	[tilespmem:v4+s3+$0x30 ss:$0x1] =	vst.idx.msk $0xffff, v10;
	s4 =	smov.u32 s30;
	s30 =	sadd.s32 $0x400, s30  }
0x15f: {  	v6 =	vmul.f32 v6, v5;
	s4 =	sshra.s32 s4, $0x2;
	[tilespmem:v4+s3+$0x40 ss:$0x1] =	vst.idx.msk $0xffff, v9  }
0x160: {  	v7 =	vmul.f32 v7, v5;
	v9 =	vld.idx.msk [tilespmem:v4+s4+$0xFFFFFFB0 ss:$0x1], $0xffff;
	[tilespmem:v4+s3+$0x50 ss:$0x1] =	vst.idx.msk $0xffff, v8  }
0x161: {  	v8 =	vld.idx.msk [tilespmem:v4+s4+$0xFFFFFFD0 ss:$0x1], $0xffff;
	[tilespmem:v4+s3+$0x60 ss:$0x1] =	vst.idx.msk $0xffff, v6  }
0x162: {  	v10 =	vld.idx.msk [tilespmem:v4+s4+$0xFFFFFFC0 ss:$0x1], $0xffff;
	[tilespmem:v4+s3+$0x70 ss:$0x1] =	vst.idx.msk $0xffff, v7;
	s3 =	smov.u32 s4  }
0x163: {  	v11 =	vld.idx.msk [tilespmem:v4+s3+$0xFFFFFFA0 ss:$0x1], $0xffff  }
0x164: {  	v7 =	vld.idx.msk [tilespmem:v4+s3+$0xFFFFFF80 ss:$0x1], $0xffff  }
0x165: {  	v12 =	vld.idx.msk [tilespmem:v4+s3+$0xFFFFFF90 ss:$0x1], $0xffff  }
0x166: {  	v13 =	vld.idx.msk [tilespmem:v4+s3+$0xFFFFFFE0 ss:$0x1], $0xffff  }
0x167: {  	v14 =	vld.idx.msk [tilespmem:v4+s3+$0xFFFFFFF0 ss:$0x1], $0xffff  }
0x168: {  	v6 =	vld.idx.msk [tilespmem:v4+s3+$0x60 ss:$0x1], $0xffff  }
0x169: {  	v9 =	vmul.f32 v9, v5;
	v15 =	vld.idx.msk [tilespmem:v4+s3+$0x50 ss:$0x1], $0xffff  }
0x16a: {  	v10 =	vmul.f32 v10, v5;
	v16 =	vmul.f32 v7, v5  }
0x16b: {  	v17 =	vmul.f32 v8, v5;
	v12 =	vmul.f32 v12, v5;
	v7 =	vld.idx.msk [tilespmem:v4+s3+$0x70 ss:$0x1], $0xffff  }
0x16c: {  	v8 =	vmul.f32 v11, v5;
	v11 =	vmul.f32 v13, v5;
	v18 =	vld.idx.msk [tilespmem:v4+s3+$0x0 ss:$0x1], $0xffff;
	[tilespmem:v4+s3+$0xFFFFFF80 ss:$0x1] =	vst.idx.msk $0xffff, v16  }
0x16d: {  	v13 =	vld.idx.msk [tilespmem:v4+s3+$0x10 ss:$0x1], $0xffff;
	[tilespmem:v4+s3+$0xFFFFFF90 ss:$0x1] =	vst.idx.msk $0xffff, v12  }
0x16e: {  	v12 =	vld.idx.msk [tilespmem:v4+s3+$0x20 ss:$0x1], $0xffff;
	[tilespmem:v4+s3+$0xFFFFFFA0 ss:$0x1] =	vst.idx.msk $0xffff, v8  }
0x16f: {  	v8 =	vmul.f32 v15, v5;
	v16 =	vld.idx.msk [tilespmem:v4+s3+$0x30 ss:$0x1], $0xffff;
	[tilespmem:v4+s3+$0xFFFFFFB0 ss:$0x1] =	vst.idx.msk $0xffff, v9  }
0x170: {  	v9 =	vld.idx.msk [tilespmem:v4+s3+$0x40 ss:$0x1], $0xffff;
	[tilespmem:v4+s3+$0xFFFFFFC0 ss:$0x1] =	vst.idx.msk $0xffff, v10  }
0x171: {  	v10 =	vmul.f32 v14, v5;
	[tilespmem:v4+s3+$0xFFFFFFD0 ss:$0x1] =	vst.idx.msk $0xffff, v17  }
.Ltmp3:
0x172: {  	[tilespmem:v4+s3+$0xFFFFFFE0 ss:$0x1] =	vst.idx.msk $0xffff, v11;
	v11 =	vmul.f32 v18, v5;
	(pc) =	sbr.rel @p1 .LBB2_9-.Ltmp3, $4  }
0x173: {  	[tilespmem:v4+s3+$0xFFFFFFF0 ss:$0x1] =	vst.idx.msk $0xffff, v10;
	v10 =	vmul.f32 v13, v5  }
0x174: {  	[tilespmem:v4+s3+$0x0 ss:$0x1] =	vst.idx.msk $0xffff, v11;
	v11 =	vmul.f32 v12, v5  }
0x175: {  	[tilespmem:v4+s3+$0x10 ss:$0x1] =	vst.idx.msk $0xffff, v10;
	v10 =	vmul.f32 v16, v5  }
0x176: {  	v9 =	vmul.f32 v9, v5;
	[tilespmem:v4+s3+$0x20 ss:$0x1] =	vst.idx.msk $0xffff, v11  }
0x177: {  	_ =	sdelay $0x1  }
0x178: {  	s29 =	sadd.s32 $0x1, s29  }
0x179: {  	p1 =	sne.s32 s29, $0x19  }
.Ltmp4:
0x17a: {  	[tilespmem:v4+s3+$0x30 ss:$0x1] =	vst.idx.msk $0xffff, v10;
	(pc) =	sbr.rel @p1 .LBB2_8-.Ltmp4, $4  }
0x17b: {  	v6 =	vmul.f32 v6, v5;
	[tilespmem:v4+s3+$0x40 ss:$0x1] =	vst.idx.msk $0xffff, v9  }
0x17c: {  	v5 =	vmul.f32 v7, v5;
	[tilespmem:v4+s3+$0x50 ss:$0x1] =	vst.idx.msk $0xffff, v8  }
0x17d: {  	[tilespmem:v4+s3+$0x60 ss:$0x1] =	vst.idx.msk $0xffff, v6  }
0x17e: {  	s0 =	sadd.s32 $0x400, s0;
	[tilespmem:v4+s3+$0x70 ss:$0x1] =	vst.idx.msk $0xffff, v5  }
0x17f: {  	s28 =	sadd.s32 $0x1, s28  }
0x180: {  	p1 =	sne.s32 s28, s22  }
.Ltmp5:
0x181: {  	_ = 	snop;
	(pc) =	sbr.rel @p1 .LBB2_1-.Ltmp5, $4  }
0x182: {  	[hbm4b:s5+s2] =	stream.linear.scatter [tilespmem:s26], [sflag:$0x2], $0x6400, $0x38;
	[tilespmem:$0x1DE28] =	vst v63  }
0x183: {  	_ =	swait.ge [sflag:s24], $0x6400  }
0x184: {  	[sflag:s24] =	ssyncset.done $0x0  }
0x185: {  	[sflag:s24] =	ssyncadd.s32 $0xFFFF9C00  }
0x186: {  	_ =	sfence.sel $0x180000  }
0x187: {  	[bflag:$0x0] =	sbarrier.arrive $0xFFFF  }
0x188: {  	_ =	strace $0x90000047  }
0x189: {  	[bflag:$0x2] =	sbarrier.arrive $0xFFFF  }
0x18a: {  	s0 =	rddreg [dreg:$0x3]  }
0x18b: {  	s0 =	sadd.s32 @!p0 $0x100000, s0  }
0x18c: {  	[sflag:s0] =	ssyncadd.tile.s32 @!p0 $0x1;
	_ =	shalt  }
.Lfunc_end2:
_tile_overlayer_lowered:
.L_overlay_start_2:
0x18d: {  	(tag) =	ssettag $0x2  }
0x18e: {  	s0 =	rddreg [dreg:$0x0];
	s2 =	stileid.u32  }
0x18f: {  	s1 =	rddreg [dreg:$0x1];
	p0 =	sne.s32 s2, $0x0  }
0x190: {  	s3 =	rddreg [dreg:$0x2];
	[bflag:$0x3] =	sbarrier.arrive $0xFFFF;
	s2 =	simm.s32 @!p0 $0x1C02  }
0x191: {  	[timem:s3], [sflag:s2] =	dma.local @!p0 [hbm:s0], s1  }
0x192: {  	s0 =	simm.s32 @!p0 $0x2  }
0x193: {  	_ =	swait.ge @!p0 [sflag:s0], s1  }
0x194: {  	s1 =	ssub.s32 @!p0 $0x0, s1;
	[sflag:s0] =	ssyncset.done @!p0 $0x0  }
0x195: {  	[sflag:s0] =	ssyncadd.s32 @!p0 s1  }
0x196: {  	[bflag:$0x3] =	sbarrier.arrive $0xFFFF  }
0x197: {  	_ =	shalt  }

</sc_bundles>
